<compile_context>
chip_gen: v7x
topology: tpu7x:2x2x1
jax: 0.10.2.dev20260603
libtpu: 0.0.44.dev20260713+nightly
codegen_flags: <defaults>
</compile_context>

<pallas_src>
import functools

import jax
import jax.numpy as jnp
from jax import lax
from jax.experimental import pallas as pl
from jax.experimental.pallas import tpu as pltpu
from jax.experimental.pallas import tpu_sc as plsc

_B, _N, _C = 8, 5000, 80
_NFLAT = _N * _C
_SCORE_THR = 0.001
_IOU_THR = 0.7
_MAX_DET = 300
_MAX_CAND = 4096

_THR_BITS = 0x3A83126F
_BASE20 = _THR_BITS >> 12
_NB_A = (0x3F7FFFFF >> 12) - _BASE20 + 1
_NB_A_PAD = ((_NB_A + 15) // 16) * 16
_CH = 10000
_NCH = _NFLAT // _CH
_CVR = _CH // 16
_CAP = 4128
_CCAP = 8192
_KPAD = 320
_OPAD = 304


def _b16i(x):
    return jnp.zeros((16,), jnp.int32) + x


def _b16f(x):
    return jnp.zeros((16,), jnp.float32) + x


def _lane0():
    return lax.iota(jnp.int32, 16) == 0


def _sstore_i(ref, i, val):
    plsc.store_scatter(ref, [_b16i(i)], _b16i(val), mask=_lane0())


def _sstore_f(ref, i, val):
    plsc.store_scatter(ref, [_b16i(i)], _b16f(val), mask=_lane0())


def _sload(ref, i):
    return ref[pl.ds(i, 16)][0]


def _popcnt(mask):
    return plsc.all_reduce_population_count(mask)[0]


@functools.cache
def _build_nms():
    mesh = plsc.VectorSubcoreMesh(core_axis_name="c", subcore_axis_name="s")

    @functools.partial(
        pl.kernel,
        out_type=[
            jax.ShapeDtypeStruct((_B * _MAX_DET * 4,), jnp.float32),
            jax.ShapeDtypeStruct((_B * _OPAD,), jnp.float32),
            jax.ShapeDtypeStruct((_B * _OPAD,), jnp.int32),
        ],
        mesh=mesh,
        scratch_types=[
            pltpu.VMEM((2 * _CH,), jnp.float32),
            pltpu.VMEM((_NB_A_PAD + 16,), jnp.int32),
            pltpu.VMEM((4096 + 16,), jnp.int32),
            pltpu.VMEM((272,), jnp.int32),
            pltpu.VMEM((_CAP,), jnp.int32),
            pltpu.VMEM((_CAP,), jnp.int32),
            pltpu.VMEM((_CAP,), jnp.int32),
            pltpu.VMEM((_CAP,), jnp.int32),
            pltpu.VMEM((_CAP,), jnp.int32),
            pltpu.VMEM((_N * 4 + 16,), jnp.float32),
            pltpu.VMEM((_KPAD,), jnp.float32),
            pltpu.VMEM((_KPAD,), jnp.float32),
            pltpu.VMEM((_KPAD,), jnp.float32),
            pltpu.VMEM((_KPAD,), jnp.float32),
            pltpu.VMEM((_KPAD,), jnp.float32),
            pltpu.VMEM((_MAX_DET * 4,), jnp.float32),
            pltpu.VMEM((_OPAD,), jnp.float32),
            pltpu.VMEM((_OPAD,), jnp.int32),
            pltpu.VMEM((48,), jnp.int32),
            pltpu.VMEM((8208,), jnp.int32),
            pltpu.VMEM((8208,), jnp.int32),
            pltpu.VMEM((1312,), jnp.int32),
            pltpu.SemaphoreType.DMA,
            pltpu.SemaphoreType.DMA,
            pltpu.SemaphoreType.DMA,
        ],
        compiler_params=pltpu.CompilerParams(needs_layout_passes=False),
    )
    def nms_kernel(boxes_hbm, scores_hbm, ob_hbm, os_hbm, ol_hbm,
                   cbuf, histA, hist2, offs, kA, iA, kB, iB, tbuf,
                   boxes_v, kx1, ky1, kx2, ky2, kar,
                   outb_v, outs_v, outl_v, s16,
                   cb_bits, cb_idx, blocksums,
                   sem0, sem1, semb):
        c = lax.axis_index("c")
        s = lax.axis_index("s")
        bb = c * 4 + s
        is_leader = s < 4

        @pl.when(is_leader)
        def _leader():
            ones = jnp.ones((16,), jnp.int32)
            zeros_i = jnp.zeros((16,), jnp.int32)
            iota = lax.iota(jnp.int32, 16)

            pltpu.async_copy(
                boxes_hbm.at[pl.ds(bb * (_N * 4), _N * 4)],
                boxes_v.at[pl.ds(0, _N * 4)], semb)

            sems = (sem0, sem1)

            def run_scan(process_vreg, carry0):
                pltpu.async_copy(
                    scores_hbm.at[pl.ds(bb * _NFLAT, _CH)],
                    cbuf.at[pl.ds(0, _CH)], sems[0])

                def outer(g, carry):
                    for par in range(2):
                        ci = g * 2 + par

                        @pl.when(ci + 1 < _NCH)
                        def _prefetch():
                            pltpu.async_copy(
                                scores_hbm.at[
                                    pl.ds(bb * _NFLAT + (ci + 1) * _CH, _CH)],
                                cbuf.at[pl.ds((1 - par) * _CH, _CH)], sems[1 - par])

                        pltpu.make_async_copy(
                            scores_hbm.at[pl.ds(0, _CH)],
                            cbuf.at[pl.ds(par * _CH, _CH)], sems[par]).wait()

                        carry = process_vreg(par * _CH, ci, carry)
                    return carry

                return lax.fori_loop(0, _NCH // 2, outer, carry0)

            @plsc.parallel_loop(0, _NB_A_PAD + 16, 16, unroll=8)
            def zeroA(i):
                histA[pl.ds(i, 16)] = zeros_i

            @plsc.parallel_loop(0, 1312, 16, unroll=8)
            def zeroBS(i):
                blocksums[pl.ds(i, 16)] = zeros_i

            def scanA_chunk(cbase, ci, carry):
                @plsc.parallel_loop(0, _CH, 16, unroll=5)
                def _(i):
                    v = cbuf[pl.ds(cbase + i, 16)]
                    msk = v > _SCORE_THR
                    bits = plsc.bitcast(v, jnp.int32)
                    bkt = jnp.minimum(
                        lax.shift_right_logical(bits, 12) - _BASE20,
                        _NB_A - 1)
                    plsc.addupdate_scatter(histA, [bkt], ones, mask=msk)

                return carry

            run_scan(scanA_chunk, 0)

            @plsc.parallel_loop(0, _NB_A_PAD, 16, unroll=4)
            def mkbs(i):
                v = histA[pl.ds(i, 16)]
                cs = plsc.cumsum(v)
                _sstore_i(blocksums, lax.shift_right_logical(i, 4), cs[15])

            nbsv = _NB_A_PAD // 256 + 1

            def tsum(i, acc):
                return acc + blocksums[pl.ds(i * 16, 16)]

            total = jnp.sum(lax.fori_loop(0, nbsv, tsum, zeros_i))

            def searchBS(k, st):
                run, bestBlk, bestPr = st
                v = blocksums[pl.ds(k * 16, 16)]
                cs = plsc.cumsum(v)
                pr = run + cs - v
                cond = (total - pr) >= _MAX_CAND
                npop = _popcnt(cond)

                @pl.when(npop > 0)
                def _():
                    s16[pl.ds(0, 16)] = pr

                found = npop > 0
                bestBlk = jnp.where(found, k * 16 + npop - 1, bestBlk)
                bestPr = jnp.where(
                    found, jnp.maximum(npop - 1, 0), bestPr)
                return run + cs[15], bestBlk, bestPr

            _, blk0, prlane = lax.fori_loop(0, nbsv, searchBS, (0, 0, 0))
            prB = _sload(s16, prlane)
            prB = jnp.where(blk0 > 0, prB, 0)
            vB = histA[pl.ds(blk0 * 16, 16)]
            csB = plsc.cumsum(vB)
            prv = prB + csB - vB
            condB = (total - prv) >= _MAX_CAND
            npB = _popcnt(condB)
            lane = jnp.maximum(npB - 1, 0)
            s16[pl.ds(0, 16)] = prv
            s16[pl.ds(16, 16)] = vB
            Bk = blk0 * 16 + lane
            prA = _sload(s16, lane)
            n_B = _sload(s16, 16 + lane)
            K_hi = total - prA - n_B
            Q = _MAX_CAND - K_hi

            def zero2(i, _):
                hist2[pl.ds(i * 16, 16)] = zeros_i
                return 0

            lax.fori_loop(0, (4096 + 16) // 16, zero2, 0)

            def scan2_chunk(cbase, ci, nc0):
                def body(i, nc):
                    v = cbuf[pl.ds(cbase + i, 16)]
                    msk = v > _SCORE_THR
                    bits = plsc.bitcast(v, jnp.int32)
                    h20r = jnp.minimum(
                        lax.shift_right_logical(bits, 12) - _BASE20,
                        _NB_A - 1)
                    sel = jnp.logical_and(msk, h20r == Bk)
                    low12 = bits & 0xFFF
                    plsc.addupdate_scatter(hist2, [low12], ones, mask=sel)
                    ge = jnp.logical_and(msk, h20r >= Bk)
                    idxv = iota + (ci * _CH + cbase0 + i)
                    ncc = jnp.minimum(nc, _CCAP)
                    plsc.store_compressed(
                        cb_bits.at[pl.ds(ncc, 16)], bits, mask=ge)
                    plsc.store_compressed(
                        cb_idx.at[pl.ds(ncc, 16)], idxv, mask=ge)
                    return nc + _popcnt(ge)

                cbase0 = 0
                return plsc.parallel_loop(
                    0, _CH, 16, unroll=5, carry=nc0)(
                        lambda i, nc: body(i, nc))

            nc = run_scan(scan2_chunk, 0)
            nc = jnp.minimum(nc, _CCAP)

            def search2(k, st):
                run, bestb, bestPr = st
                v = hist2[pl.ds(k * 16, 16)]
                cs = plsc.cumsum(v)
                pr = run + cs - v
                cond = (n_B - pr) >= Q
                npop = _popcnt(cond)
                s16[pl.ds(0, 16)] = pr
                lane = jnp.maximum(npop - 1, 0)
                prsel = _sload(s16, lane)
                found = npop > 0
                bestb = jnp.where(found, k * 16 + npop - 1, bestb)
                bestPr = jnp.where(found, prsel, bestPr)
                return run + cs[15], bestb, bestPr

            _, b2, pr2 = lax.fori_loop(0, 256, search2, (0, 0, 0))
            n_b2 = _sload(hist2, b2)
            K_mid = n_B - pr2 - n_b2
            Q2 = Q - K_mid
            T = ((Bk + _BASE20) << 12) | b2
            keyT = ~T

            def coll(j, st):
                nhi, nt = st
                base = j * 16
                bits = cb_bits[pl.ds(base, 16)]
                idxv = cb_idx[pl.ds(base, 16)]
                mm = (base + iota) < nc
                gt = jnp.logical_and(bits > T, mm)
                eq = jnp.logical_and(bits == T, mm)
                key = ~bits
                plsc.store_compressed(kA.at[pl.ds(nhi, 16)], key, mask=gt)
                plsc.store_compressed(iA.at[pl.ds(nhi, 16)], idxv, mask=gt)
                nhi = nhi + _popcnt(gt)
                ntc = jnp.minimum(nt, _MAX_CAND)
                plsc.store_compressed(tbuf.at[pl.ds(ntc, 16)], idxv, mask=eq)
                nt = nt + _popcnt(eq)
                return nhi, nt

            nhi, nt = lax.fori_loop(0, (nc + 15) >> 4, coll, (0, 0))
            nt = jnp.minimum(nt, _MAX_CAND)
            t_take = jnp.minimum(jnp.maximum(Q2, 0), nt)

            def mrg(j, _):
                off = j * 16
                iv = tbuf[pl.ds(off, 16)]
                mm = (off + iota) < t_take
                plsc.store_compressed(
                    kA.at[pl.ds(nhi + off, 16)], _b16i(keyT), mask=mm)
                plsc.store_compressed(
                    iA.at[pl.ds(nhi + off, 16)], iv, mask=mm)
                return 0

            lax.fori_loop(0, (t_take + 15) >> 4, mrg, 0)
            m = nhi + t_take

            kA[pl.ds(m, 16)] = jnp.full((16,), -1, jnp.int32)
            iA[pl.ds(m, 16)] = zeros_i
            nvt = (m + 15) >> 4

            def radix_pass(src_k, src_i, dst_k, dst_i, sh):
                def zo(i, _):
                    offs[pl.ds(i * 16, 16)] = zeros_i
                    return 0

                lax.fori_loop(0, 16, zo, 0)

                def hist(i, _):
                    k = src_k[pl.ds(i * 16, 16)]
                    d = lax.shift_right_logical(k, sh) & 255
                    plsc.addupdate_scatter(offs, [d], ones)
                    return 0

                lax.fori_loop(0, nvt, hist, 0)

                def excl(blk, run):
                    v = offs[pl.ds(blk * 16, 16)]
                    cs = plsc.cumsum(v)
                    offs[pl.ds(blk * 16, 16)] = run + cs - v
                    return run + cs[15]

                lax.fori_loop(0, 16, excl, 0)

                def pmt(i, _):
                    k = src_k[pl.ds(i * 16, 16)]
                    idv = src_i[pl.ds(i * 16, 16)]
                    d = lax.shift_right_logical(k, sh) & 255
                    cnt, lm = plsc.scan_count(d)
                    base = plsc.load_gather(offs, [d])
                    pos = base + cnt - 1
                    plsc.store_scatter(dst_k, [pos], k)
                    plsc.store_scatter(dst_i, [pos], idv)
                    plsc.addupdate_scatter(offs, [d], cnt, mask=lm)
                    return 0

                lax.fori_loop(0, nvt, pmt, 0)

            radix_pass(kA, iA, kB, iB, 0)
            radix_pass(kB, iB, kA, iA, 8)
            radix_pass(kA, iA, kB, iB, 16)
            radix_pass(kB, iB, kA, iA, 24)

            pltpu.make_async_copy(
                boxes_hbm.at[pl.ds(0, _N * 4)],
                boxes_v.at[pl.ds(0, _N * 4)], semb).wait()

            sent = _b16f(-1e30)
            zf = jnp.zeros((16,), jnp.float32)

            def init_kept(i, _):
                kx1[pl.ds(i * 16, 16)] = sent
                ky1[pl.ds(i * 16, 16)] = sent
                kx2[pl.ds(i * 16, 16)] = sent
                ky2[pl.ds(i * 16, 16)] = sent
                kar[pl.ds(i * 16, 16)] = zf
                return 0

            lax.fori_loop(0, _KPAD // 16, init_kept, 0)

            def zoutb(i, _):
                outb_v[pl.ds(i * 16, 16)] = zf
                return 0

            lax.fori_loop(0, (_MAX_DET * 4) // 16, zoutb, 0)

            def zouts(i, _):
                outs_v[pl.ds(i * 16, 16)] = zf
                outl_v[pl.ds(i * 16, 16)] = zeros_i
                return 0

            lax.fori_loop(0, _OPAD // 16, zouts, 0)

            def cond(st):
                ci, k = st
                return jnp.logical_and(ci < m, k < _MAX_DET)

            def body(st):
                ci, k = st
                key = _sload(kA, ci)
                bits = ~key
                score = lax.bitcast_convert_type(bits, jnp.float32)
                fi = _sload(iA, ci)
                bi = lax.shift_right_logical(
                    lax.shift_right_logical(fi, 4) * 52429, 18)
                lb = fi - bi * _C
                bv = boxes_v[pl.ds(bi * 4, 16)]
                x1, y1, x2, y2 = bv[0], bv[1], bv[2], bv[3]
                off = lb.astype(jnp.float32) * 1e4
                ox1 = x1 + off
                oy1 = y1 + off
                ox2 = x2 + off
                oy2 = y2 + off
                a1 = (ox2 - ox1) * (oy2 - oy1)
                nvk = (k + 15) >> 4

                def inner(j, sup):
                    vx1 = kx1[pl.ds(j * 16, 16)]
                    vy1 = ky1[pl.ds(j * 16, 16)]
                    vx2 = kx2[pl.ds(j * 16, 16)]
                    vy2 = ky2[pl.ds(j * 16, 16)]
                    var = kar[pl.ds(j * 16, 16)]
                    xx1 = jnp.maximum(vx1, ox1)
                    yy1 = jnp.maximum(vy1, oy1)
                    xx2 = jnp.minimum(vx2, ox2)
                    yy2 = jnp.minimum(vy2, oy2)
                    inter = jnp.maximum(xx2 - xx1, 0.0) * \
                        jnp.maximum(yy2 - yy1, 0.0)
                    denom = var + a1 - inter + 1e-9
                    iou = inter / denom
                    return jnp.logical_or(sup, iou > _IOU_THR)

                sup = lax.fori_loop(
                    0, nvk, inner, jnp.zeros((16,), jnp.bool_))
                keep = _popcnt(sup) == 0

                @pl.when(keep)
                def _keep():
                    _sstore_f(kx1, k, ox1)
                    _sstore_f(ky1, k, oy1)
                    _sstore_f(kx2, k, ox2)
                    _sstore_f(ky2, k, oy2)
                    _sstore_f(kar, k, a1)
                    _sstore_f(outb_v, k * 4 + 0, x1)
                    _sstore_f(outb_v, k * 4 + 1, y1)
                    _sstore_f(outb_v, k * 4 + 2, x2)
                    _sstore_f(outb_v, k * 4 + 3, y2)
                    _sstore_f(outs_v, k, score)
                    _sstore_i(outl_v, k, lb)

                k = jnp.where(keep, k + 1, k)
                return ci + 1, k

            lax.while_loop(cond, body, (0, 0))

            pltpu.sync_copy(outb_v, ob_hbm.at[pl.ds(bb * (_MAX_DET * 4), _MAX_DET * 4)])
            pltpu.sync_copy(outs_v, os_hbm.at[pl.ds(bb * _OPAD, _OPAD)])
            pltpu.sync_copy(outl_v, ol_hbm.at[pl.ds(bb * _OPAD, _OPAD)])

    return nms_kernel


def kernel(boxes, scores):
    bflat = boxes.reshape(_B * _N * 4)
    sflat = scores.reshape(_B * _NFLAT)
    ob, osc, olb = _build_nms()(bflat, sflat)
    ob = ob.reshape(_B, _MAX_DET, 4)
    osc = osc.reshape(_B, _OPAD)[:, :_MAX_DET]
    olb = olb.reshape(_B, _OPAD)[:, :_MAX_DET]
    nv = jnp.sum((osc > 0).astype(jnp.int32), axis=1)
    return ob, osc, olb, nv

# --- scband reference (transcript-rebuilt; emitter-appended) ---
"""Pipeline reference for scband-nmswrapper-19035295055970 (READ-ONLY COPY).

The authoritative reference and input builder live on the scoring server;
editing this copy changes nothing except your own understanding.
"""

import jax, jax.numpy as jnp
import numpy as np

B, N, C = 8, 5000, 80
SCORE_THR = 0.001
IOU_THR = 0.7
MAX_DET = 300
MAX_CAND = 4096


def setup_inputs(seed: int = 0):
    key = jax.random.key(seed)
    k1, k2, k3 = jax.random.split(key, 3)
    xy = jax.random.uniform(k1, (B, N, 2), dtype=jnp.float32) * 512.0
    wh = jax.random.uniform(k2, (B, N, 2), dtype=jnp.float32) * 64.0 + 1.0
    boxes = jnp.concatenate([xy, xy + wh], axis=-1)
    scores = jax.random.uniform(k3, (B, N, C), dtype=jnp.float32) ** 2
    return {"boxes": boxes, "scores": scores}


def _iou_one_to_many(box, boxes):
    x1 = jnp.maximum(box[0], boxes[:, 0])
    y1 = jnp.maximum(box[1], boxes[:, 1])
    x2 = jnp.minimum(box[2], boxes[:, 2])
    y2 = jnp.minimum(box[3], boxes[:, 3])
    inter = jnp.clip(x2 - x1, 0.0) * jnp.clip(y2 - y1, 0.0)
    a1 = (box[2] - box[0]) * (box[3] - box[1])
    a2 = (boxes[:, 2] - boxes[:, 0]) * (boxes[:, 3] - boxes[:, 1])
    return inter / (a1 + a2 - inter + 1e-9)


def _nms_single(boxes, scores):
    # boxes [N,4], scores [N,C] -> multiclass NMS with indices (class-aware via box offset)
    flat = scores.reshape(-1)
    flat = jnp.where(flat > SCORE_THR, flat, -jnp.inf)
    cand_scores, cand_idx = jax.lax.top_k(flat, MAX_CAND)
    box_idx = cand_idx // C
    labels = cand_idx % C
    cboxes = jnp.take(boxes, box_idx, axis=0)
    offs = labels.astype(boxes.dtype)[:, None] * 1e4
    oboxes = cboxes + offs
    ar = jnp.arange(MAX_CAND)

    def step(cur, _):
        j = jnp.argmax(cur)
        best = cur[j]
        valid_sel = best > -jnp.inf
        ious = _iou_one_to_many(oboxes[j], oboxes)
        suppress = (ious > IOU_THR) | (ar == j)
        cur = jnp.where(suppress, -jnp.inf, cur)
        return cur, (j, valid_sel)

    _, (sel, selvalid) = jax.lax.scan(step, cand_scores, None, length=MAX_DET)
    vmask = selvalid.astype(boxes.dtype)
    out_boxes = jnp.take(cboxes, sel, axis=0) * vmask[:, None]
    out_scores = jnp.take(cand_scores, sel, axis=0) * vmask
    out_labels = jnp.where(selvalid, jnp.take(labels, sel, axis=0), 0)
    n_valid = jnp.sum(selvalid.astype(jnp.int32))
    return out_boxes, out_scores, out_labels, n_valid


def reference(boxes, scores):
    # wrapped model is identity: outputs = (boxes, scores)
    ob, osc, ol, nv = jax.vmap(_nms_single)(boxes, scores)
    return ob, osc, ol, nv

if __name__ == "__main__":
    import jax
    _d = setup_inputs()
    print(jax.jit(kernel)(*tuple(_d.values())))

</pallas_src>

<mosaic_0001>
#map = affine_map<(d0, d1) -> (0)>
module attributes {stable_mosaic.version = 14 : i64} {
  func.func @nms_kernel(%arg0: i32, %arg1: i32, %arg2: memref<160000xf32, #tpu.memory_space<hbm>>, %arg3: memref<3200000xf32, #tpu.memory_space<hbm>>, %arg4: memref<9600xf32, #tpu.memory_space<hbm>>, %arg5: memref<2432xf32, #tpu.memory_space<hbm>>, %arg6: memref<2432xi32, #tpu.memory_space<hbm>>, %arg7: memref<20000xf32, #tpu.memory_space<vmem>>, %arg8: memref<20448xi32, #tpu.memory_space<vmem>>, %arg9: memref<4112xi32, #tpu.memory_space<vmem>>, %arg10: memref<272xi32, #tpu.memory_space<vmem>>, %arg11: memref<4128xi32, #tpu.memory_space<vmem>>, %arg12: memref<4128xi32, #tpu.memory_space<vmem>>, %arg13: memref<4128xi32, #tpu.memory_space<vmem>>, %arg14: memref<4128xi32, #tpu.memory_space<vmem>>, %arg15: memref<4128xi32, #tpu.memory_space<vmem>>, %arg16: memref<20016xf32, #tpu.memory_space<vmem>>, %arg17: memref<320xf32, #tpu.memory_space<vmem>>, %arg18: memref<320xf32, #tpu.memory_space<vmem>>, %arg19: memref<320xf32, #tpu.memory_space<vmem>>, %arg20: memref<320xf32, #tpu.memory_space<vmem>>, %arg21: memref<320xf32, #tpu.memory_space<vmem>>, %arg22: memref<1200xf32, #tpu.memory_space<vmem>>, %arg23: memref<304xf32, #tpu.memory_space<vmem>>, %arg24: memref<304xi32, #tpu.memory_space<vmem>>, %arg25: memref<48xi32, #tpu.memory_space<vmem>>, %arg26: memref<8208xi32, #tpu.memory_space<vmem>>, %arg27: memref<8208xi32, #tpu.memory_space<vmem>>, %arg28: memref<1312xi32, #tpu.memory_space<vmem>>, %arg29: memref<!tpu.dma_semaphore, #tpu.memory_space<semaphore_mem>>, %arg30: memref<!tpu.dma_semaphore, #tpu.memory_space<semaphore_mem>>, %arg31: memref<!tpu.dma_semaphore, #tpu.memory_space<semaphore_mem>>) attributes {dimension_semantics = [#tpu.dimension_semantics<core_parallel>, #tpu.dimension_semantics<subcore_parallel>], iteration_bounds = array<i64: 2, 16>, scalar_prefetch = 0 : i64, scratch_operands = 25 : i64, tpu.core_type = #tpu.core_type<sc_vector_subcore>, window_params = [{transform_indices = #map}, {transform_indices = #map}, {transform_indices = #map}, {transform_indices = #map}, {transform_indices = #map}]} {
    %mul3A = arith.constant 4 : i32
    %mul3A_0 = arith.muli %arg0, %mul3A : i32
    %add3A = arith.addi %mul3A_0, %arg1 : i32
    %lt3A = arith.constant 4 : i32
    %lt3A_1 = arith.cmpi slt, %arg1, %lt3A : i32
    %convert_element_type3A = arith.extui %lt3A_1 : i1 to i32
    %cond3A = arith.constant 0 : i32
    %cond3A_2 = arith.cmpi ne, %convert_element_type3A, %cond3A : i32
    scf.if %cond3A_2 {
      %broadcast_in_dim3A = arith.constant 1 : i32
      %broadcast_in_dim3A_3 = vector.broadcast %broadcast_in_dim3A : i32 to vector<16xi32>
      %broadcast_in_dim3A_4 = arith.constant 0 : i32
      %broadcast_in_dim3A_5 = vector.broadcast %broadcast_in_dim3A_4 : i32 to vector<16xi32>
      %iota3A = tpu.iota {dimensions = array<i32: 0>} : vector<16xi32>
      %mul3A_6 = arith.constant 20000 : i32
      %mul3A_7 = arith.muli %add3A, %mul3A_6 : i32
      %dma_start3A = arith.constant 0 : i32
      %dma_start3A_8 = tpu.memref_slice %arg16[%dma_start3A] : memref<20016xf32, #tpu.memory_space<vmem>> -> memref<20000xf32, #tpu.memory_space<vmem>>
      %dma_start3A_9 = tpu.memref_slice %arg2[%mul3A_7] : memref<160000xf32, #tpu.memory_space<hbm>> -> memref<20000xf32, #tpu.memory_space<hbm>>
      %dma_start3A_10 = arith.constant 0 : i32
      %dma_start3A_11 = tpu.memref_slice %arg16[%dma_start3A_10] : memref<20016xf32, #tpu.memory_space<vmem>> -> memref<20000xf32, #tpu.memory_space<vmem>>
      %dma_start3A_12 = tpu.memref_slice %arg2[%mul3A_7] : memref<160000xf32, #tpu.memory_space<hbm>> -> memref<20000xf32, #tpu.memory_space<hbm>>
      tpu.enqueue_dma source(%dma_start3A_12 : memref<20000xf32, #tpu.memory_space<hbm>>) target(%dma_start3A_11 : memref<20000xf32, #tpu.memory_space<vmem>>) target_semaphore(%arg31 : memref<!tpu.dma_semaphore, #tpu.memory_space<semaphore_mem>>)
      %parallel_loop3A = arith.constant 0 : i32
      %parallel_loop3A_13 = arith.constant 20448 : i32
      %parallel_loop3A_14 = arith.constant 16 : i32
      scf.for %parallel_loop3A_377 = %parallel_loop3A to %parallel_loop3A_13 step %parallel_loop3A_14  : i32 {
        %parallel_loop3A_378 = arith.index_cast %parallel_loop3A_377 : i32 to index
        %parallel_loop3A_379 = tpu.vector_load %arg8[%parallel_loop3A_378] {strides = array<i32>} : memref<20448xi32, #tpu.memory_space<vmem>>, vector<16xi32>,
        tpu.vector_store %arg8[%parallel_loop3A_378], %broadcast_in_dim3A_5 {strides = array<i32>} : memref<20448xi32, #tpu.memory_space<vmem>>, vector<16xi32>,
      } {sc.loop_unroll_factor = 8 : i64, sc.parallel_access}
      %parallel_loop3A_15 = arith.constant 0 : i32
      %parallel_loop3A_16 = arith.constant 1312 : i32
      %parallel_loop3A_17 = arith.constant 16 : i32
      scf.for %parallel_loop3A_377 = %parallel_loop3A_15 to %parallel_loop3A_16 step %parallel_loop3A_17  : i32 {
        %parallel_loop3A_378 = arith.index_cast %parallel_loop3A_377 : i32 to index
        %parallel_loop3A_379 = tpu.vector_load %arg28[%parallel_loop3A_378] {strides = array<i32>} : memref<1312xi32, #tpu.memory_space<vmem>>, vector<16xi32>,
        tpu.vector_store %arg28[%parallel_loop3A_378], %broadcast_in_dim3A_5 {strides = array<i32>} : memref<1312xi32, #tpu.memory_space<vmem>>, vector<16xi32>,
      } {sc.loop_unroll_factor = 8 : i64, sc.parallel_access}
      %mul3A_18 = arith.constant 400000 : i32
      %mul3A_19 = arith.muli %add3A, %mul3A_18 : i32
      %dma_start3A_20 = arith.constant 0 : i32
      %dma_start3A_21 = tpu.memref_slice %arg7[%dma_start3A_20] : memref<20000xf32, #tpu.memory_space<vmem>> -> memref<10000xf32, #tpu.memory_space<vmem>>
      %dma_start3A_22 = tpu.memref_slice %arg3[%mul3A_19] : memref<3200000xf32, #tpu.memory_space<hbm>> -> memref<10000xf32, #tpu.memory_space<hbm>>
      %dma_start3A_23 = arith.constant 0 : i32
      %dma_start3A_24 = tpu.memref_slice %arg7[%dma_start3A_23] : memref<20000xf32, #tpu.memory_space<vmem>> -> memref<10000xf32, #tpu.memory_space<vmem>>
      %dma_start3A_25 = tpu.memref_slice %arg3[%mul3A_19] : memref<3200000xf32, #tpu.memory_space<hbm>> -> memref<10000xf32, #tpu.memory_space<hbm>>
      tpu.enqueue_dma source(%dma_start3A_25 : memref<10000xf32, #tpu.memory_space<hbm>>) target(%dma_start3A_24 : memref<10000xf32, #tpu.memory_space<vmem>>) target_semaphore(%arg29 : memref<!tpu.dma_semaphore, #tpu.memory_space<semaphore_mem>>)
      %scan3A = arith.constant 0 : i32
      %scan3A_26 = arith.constant 0 : i32
      %scan3A_27 = arith.constant 20 : i32
      %scan3A_28 = arith.addi %scan3A_26, %scan3A_27 : i32
      %scan3A_29 = arith.constant 1 : i32
      scf.for %scan3A_377 = %scan3A_26 to %scan3A_28 step %scan3A_29  : i32 {
        %mul3A_378 = arith.constant 2 : i32
        %mul3A_379 = arith.muli %scan3A_377, %mul3A_378 : i32
        %add3A_380 = arith.constant 0 : i32
        %add3A_381 = arith.addi %mul3A_379, %add3A_380 : i32
        %add3A_382 = arith.constant 1 : i32
        %add3A_383 = arith.addi %add3A_381, %add3A_382 : i32
        %lt3A_384 = arith.constant 40 : i32
        %lt3A_385 = arith.cmpi slt, %add3A_383, %lt3A_384 : i32
        %convert_element_type3A_386 = arith.extui %lt3A_385 : i1 to i32
        %cond3A_387 = arith.constant 0 : i32
        %cond3A_388 = arith.cmpi ne, %convert_element_type3A_386, %cond3A_387 : i32
        scf.if %cond3A_388 {
          %mul3A_422 = arith.constant 400000 : i32
          %mul3A_423 = arith.muli %add3A, %mul3A_422 : i32
          %add3A_424 = arith.constant 1 : i32
          %add3A_425 = arith.addi %add3A_381, %add3A_424 : i32
          %mul3A_426 = arith.constant 10000 : i32
          %mul3A_427 = arith.muli %add3A_425, %mul3A_426 : i32
          %add3A_428 = arith.addi %mul3A_423, %mul3A_427 : i32
          %dma_start3A_429 = arith.constant 10000 : i32
          %dma_start3A_430 = tpu.memref_slice %arg7[%dma_start3A_429] : memref<20000xf32, #tpu.memory_space<vmem>> -> memref<10000xf32, #tpu.memory_space<vmem>>
          %dma_start3A_431 = tpu.memref_slice %arg3[%add3A_428] : memref<3200000xf32, #tpu.memory_space<hbm>> -> memref<10000xf32, #tpu.memory_space<hbm>>
          %dma_start3A_432 = arith.constant 10000 : i32
          %dma_start3A_433 = tpu.memref_slice %arg7[%dma_start3A_432] : memref<20000xf32, #tpu.memory_space<vmem>> -> memref<10000xf32, #tpu.memory_space<vmem>>
          %dma_start3A_434 = tpu.memref_slice %arg3[%add3A_428] : memref<3200000xf32, #tpu.memory_space<hbm>> -> memref<10000xf32, #tpu.memory_space<hbm>>
          tpu.enqueue_dma source(%dma_start3A_434 : memref<10000xf32, #tpu.memory_space<hbm>>) target(%dma_start3A_433 : memref<10000xf32, #tpu.memory_space<vmem>>) target_semaphore(%arg30 : memref<!tpu.dma_semaphore, #tpu.memory_space<semaphore_mem>>)
        } else {
        }
        %dma_wait3A_389 = arith.constant 0 : i32
        %dma_wait3A_390 = tpu.memref_slice %arg7[%dma_wait3A_389] : memref<20000xf32, #tpu.memory_space<vmem>> -> memref<10000xf32, #tpu.memory_space<vmem>>
        %dma_wait3A_391 = arith.constant 0 : i32
        %dma_wait3A_392 = tpu.memref_slice %arg3[%dma_wait3A_391] : memref<3200000xf32, #tpu.memory_space<hbm>> -> memref<10000xf32, #tpu.memory_space<hbm>>
        %dma_wait3A_393 = arith.constant 0 : i32
        %dma_wait3A_394 = tpu.memref_slice %arg7[%dma_wait3A_393] : memref<20000xf32, #tpu.memory_space<vmem>> -> memref<10000xf32, #tpu.memory_space<vmem>>
        %dma_wait3A_395 = arith.constant 0 : i32
        %dma_wait3A_396 = tpu.memref_slice %arg3[%dma_wait3A_395] : memref<3200000xf32, #tpu.memory_space<hbm>> -> memref<10000xf32, #tpu.memory_space<hbm>>
        tpu.wait_dma2 semaphore(%arg29 : memref<!tpu.dma_semaphore, #tpu.memory_space<semaphore_mem>>) src(%dma_wait3A_396 : memref<10000xf32, #tpu.memory_space<hbm>>) dst(%dma_wait3A_394 : memref<10000xf32, #tpu.memory_space<vmem>>)
        %parallel_loop3A_397 = arith.constant 0 : i32
        %parallel_loop3A_398 = arith.constant 10000 : i32
        %parallel_loop3A_399 = arith.constant 16 : i32
        scf.for %parallel_loop3A_422 = %parallel_loop3A_397 to %parallel_loop3A_398 step %parallel_loop3A_399  : i32 {
          %parallel_loop3A_423 = arith.constant 0 : i32
          %parallel_loop3A_424 = arith.addi %parallel_loop3A_423, %parallel_loop3A_422 : i32
          %parallel_loop3A_425 = arith.index_cast %parallel_loop3A_424 : i32 to index
          %parallel_loop3A_426 = tpu.vector_load %arg7[%parallel_loop3A_425] {strides = array<i32>} : memref<20000xf32, #tpu.memory_space<vmem>>, vector<16xf32>,
          %parallel_loop3A_427 = arith.constant 1.000000e-03 : f32
          %parallel_loop3A_428 = vector.broadcast %parallel_loop3A_427 : f32 to vector<16xf32>
          %parallel_loop3A_429 = arith.cmpf ogt, %parallel_loop3A_426, %parallel_loop3A_428 : vector<16xf32>
          %parallel_loop3A_430 = vector.bitcast %parallel_loop3A_426 : vector<16xf32> to vector<16xi32>
          %parallel_loop3A_431 = arith.constant 12 : i32
          %parallel_loop3A_432 = vector.broadcast %parallel_loop3A_431 : i32 to vector<16xi32>
          %parallel_loop3A_433 = arith.shrui %parallel_loop3A_430, %parallel_loop3A_432 : vector<16xi32>
          %parallel_loop3A_434 = arith.constant 239665 : i32
          %parallel_loop3A_435 = vector.broadcast %parallel_loop3A_434 : i32 to vector<16xi32>
          %parallel_loop3A_436 = arith.subi %parallel_loop3A_433, %parallel_loop3A_435 : vector<16xi32>
          %parallel_loop3A_437 = arith.constant 20430 : i32
          %parallel_loop3A_438 = vector.broadcast %parallel_loop3A_437 : i32 to vector<16xi32>
          %parallel_loop3A_439 = arith.minsi %parallel_loop3A_436, %parallel_loop3A_438 : vector<16xi32>
          tpu.vector_store_idx %arg8[%parallel_loop3A_439], %broadcast_in_dim3A_3 masked %parallel_loop3A_429 {add = true} : memref<20448xi32, #tpu.memory_space<vmem>>[vector<16xi32>], vector<16xi32>, vector<16xi1>
        } {sc.loop_unroll_factor = 5 : i64, sc.parallel_access}
        %mul3A_400 = arith.constant 2 : i32
        %mul3A_401 = arith.muli %scan3A_377, %mul3A_400 : i32
        %add3A_402 = arith.constant 1 : i32
        %add3A_403 = arith.addi %mul3A_401, %add3A_402 : i32
        %add3A_404 = arith.constant 1 : i32
        %add3A_405 = arith.addi %add3A_403, %add3A_404 : i32
        %lt3A_406 = arith.constant 40 : i32
        %lt3A_407 = arith.cmpi slt, %add3A_405, %lt3A_406 : i32
        %convert_element_type3A_408 = arith.extui %lt3A_407 : i1 to i32
        %cond3A_409 = arith.constant 0 : i32
        %cond3A_410 = arith.cmpi ne, %convert_element_type3A_408, %cond3A_409 : i32
        scf.if %cond3A_410 {
          %mul3A_422 = arith.constant 400000 : i32
          %mul3A_423 = arith.muli %add3A, %mul3A_422 : i32
          %add3A_424 = arith.constant 1 : i32
          %add3A_425 = arith.addi %add3A_403, %add3A_424 : i32
          %mul3A_426 = arith.constant 10000 : i32
          %mul3A_427 = arith.muli %add3A_425, %mul3A_426 : i32
          %add3A_428 = arith.addi %mul3A_423, %mul3A_427 : i32
          %dma_start3A_429 = arith.constant 0 : i32
          %dma_start3A_430 = tpu.memref_slice %arg7[%dma_start3A_429] : memref<20000xf32, #tpu.memory_space<vmem>> -> memref<10000xf32, #tpu.memory_space<vmem>>
          %dma_start3A_431 = tpu.memref_slice %arg3[%add3A_428] : memref<3200000xf32, #tpu.memory_space<hbm>> -> memref<10000xf32, #tpu.memory_space<hbm>>
          %dma_start3A_432 = arith.constant 0 : i32
          %dma_start3A_433 = tpu.memref_slice %arg7[%dma_start3A_432] : memref<20000xf32, #tpu.memory_space<vmem>> -> memref<10000xf32, #tpu.memory_space<vmem>>
          %dma_start3A_434 = tpu.memref_slice %arg3[%add3A_428] : memref<3200000xf32, #tpu.memory_space<hbm>> -> memref<10000xf32, #tpu.memory_space<hbm>>
          tpu.enqueue_dma source(%dma_start3A_434 : memref<10000xf32, #tpu.memory_space<hbm>>) target(%dma_start3A_433 : memref<10000xf32, #tpu.memory_space<vmem>>) target_semaphore(%arg29 : memref<!tpu.dma_semaphore, #tpu.memory_space<semaphore_mem>>)
        } else {
        }
        %dma_wait3A_411 = arith.constant 10000 : i32
        %dma_wait3A_412 = tpu.memref_slice %arg7[%dma_wait3A_411] : memref<20000xf32, #tpu.memory_space<vmem>> -> memref<10000xf32, #tpu.memory_space<vmem>>
        %dma_wait3A_413 = arith.constant 0 : i32
        %dma_wait3A_414 = tpu.memref_slice %arg3[%dma_wait3A_413] : memref<3200000xf32, #tpu.memory_space<hbm>> -> memref<10000xf32, #tpu.memory_space<hbm>>
        %dma_wait3A_415 = arith.constant 10000 : i32
        %dma_wait3A_416 = tpu.memref_slice %arg7[%dma_wait3A_415] : memref<20000xf32, #tpu.memory_space<vmem>> -> memref<10000xf32, #tpu.memory_space<vmem>>
        %dma_wait3A_417 = arith.constant 0 : i32
        %dma_wait3A_418 = tpu.memref_slice %arg3[%dma_wait3A_417] : memref<3200000xf32, #tpu.memory_space<hbm>> -> memref<10000xf32, #tpu.memory_space<hbm>>
        tpu.wait_dma2 semaphore(%arg30 : memref<!tpu.dma_semaphore, #tpu.memory_space<semaphore_mem>>) src(%dma_wait3A_418 : memref<10000xf32, #tpu.memory_space<hbm>>) dst(%dma_wait3A_416 : memref<10000xf32, #tpu.memory_space<vmem>>)
        %parallel_loop3A_419 = arith.constant 0 : i32
        %parallel_loop3A_420 = arith.constant 10000 : i32
        %parallel_loop3A_421 = arith.constant 16 : i32
        scf.for %parallel_loop3A_422 = %parallel_loop3A_419 to %parallel_loop3A_420 step %parallel_loop3A_421  : i32 {
          %parallel_loop3A_423 = arith.constant 10000 : i32
          %parallel_loop3A_424 = arith.addi %parallel_loop3A_423, %parallel_loop3A_422 : i32
          %parallel_loop3A_425 = arith.index_cast %parallel_loop3A_424 : i32 to index
          %parallel_loop3A_426 = tpu.vector_load %arg7[%parallel_loop3A_425] {strides = array<i32>} : memref<20000xf32, #tpu.memory_space<vmem>>, vector<16xf32>,
          %parallel_loop3A_427 = arith.constant 1.000000e-03 : f32
          %parallel_loop3A_428 = vector.broadcast %parallel_loop3A_427 : f32 to vector<16xf32>
          %parallel_loop3A_429 = arith.cmpf ogt, %parallel_loop3A_426, %parallel_loop3A_428 : vector<16xf32>
          %parallel_loop3A_430 = vector.bitcast %parallel_loop3A_426 : vector<16xf32> to vector<16xi32>
          %parallel_loop3A_431 = arith.constant 12 : i32
          %parallel_loop3A_432 = vector.broadcast %parallel_loop3A_431 : i32 to vector<16xi32>
          %parallel_loop3A_433 = arith.shrui %parallel_loop3A_430, %parallel_loop3A_432 : vector<16xi32>
          %parallel_loop3A_434 = arith.constant 239665 : i32
          %parallel_loop3A_435 = vector.broadcast %parallel_loop3A_434 : i32 to vector<16xi32>
          %parallel_loop3A_436 = arith.subi %parallel_loop3A_433, %parallel_loop3A_435 : vector<16xi32>
          %parallel_loop3A_437 = arith.constant 20430 : i32
          %parallel_loop3A_438 = vector.broadcast %parallel_loop3A_437 : i32 to vector<16xi32>
          %parallel_loop3A_439 = arith.minsi %parallel_loop3A_436, %parallel_loop3A_438 : vector<16xi32>
          tpu.vector_store_idx %arg8[%parallel_loop3A_439], %broadcast_in_dim3A_3 masked %parallel_loop3A_429 {add = true} : memref<20448xi32, #tpu.memory_space<vmem>>[vector<16xi32>], vector<16xi32>, vector<16xi1>
        } {sc.loop_unroll_factor = 5 : i64, sc.parallel_access}
      }
      %scan3A_30 = arith.constant 20 : i32
      %parallel_loop3A_31 = arith.constant 0 : i32
      %parallel_loop3A_32 = arith.constant 20432 : i32
      %parallel_loop3A_33 = arith.constant 16 : i32
      scf.for %parallel_loop3A_377 = %parallel_loop3A_31 to %parallel_loop3A_32 step %parallel_loop3A_33  : i32 {
        %parallel_loop3A_378 = arith.index_cast %parallel_loop3A_377 : i32 to index
        %parallel_loop3A_379 = tpu.vector_load %arg8[%parallel_loop3A_378] {strides = array<i32>} : memref<20448xi32, #tpu.memory_space<vmem>>, vector<16xi32>,
        %parallel_loop3A_380 = arith.constant true
        %parallel_loop3A_381 = vector.broadcast %parallel_loop3A_380 : i1 to vector<16xi1>
        %parallel_loop3A_382 = tpu.scan <sum>, %parallel_loop3A_379 masked %parallel_loop3A_381 : vector<16xi32>, vector<16xi1> -> vector<16xi32>
        %parallel_loop3A_383 = arith.constant 4 : i32
        %parallel_loop3A_384 = arith.shrui %parallel_loop3A_377, %parallel_loop3A_383 : i32
        %parallel_loop3A_385 = vector.extract_strided_slice %parallel_loop3A_382 {offsets = [15], sizes = [1], strides = [1]} : vector<16xi32> to vector<1xi32>
        %parallel_loop3A_386 = vector.extract %parallel_loop3A_385[0] : i32 from vector<1xi32>
        %parallel_loop3A_387 = arith.constant 0 : i32
        %parallel_loop3A_388 = vector.broadcast %parallel_loop3A_387 : i32 to vector<16xi32>
        %parallel_loop3A_389 = vector.broadcast %parallel_loop3A_384 : i32 to vector<16xi32>
        %parallel_loop3A_390 = arith.addi %parallel_loop3A_388, %parallel_loop3A_389 : vector<16xi32>
        %parallel_loop3A_391 = arith.constant 0 : i32
        %parallel_loop3A_392 = vector.broadcast %parallel_loop3A_391 : i32 to vector<16xi32>
        %parallel_loop3A_393 = vector.broadcast %parallel_loop3A_386 : i32 to vector<16xi32>
        %parallel_loop3A_394 = arith.addi %parallel_loop3A_392, %parallel_loop3A_393 : vector<16xi32>
        %parallel_loop3A_395 = tpu.iota {dimensions = array<i32: 0>} : vector<16xi32>
        %parallel_loop3A_396 = arith.constant 0 : i32
        %parallel_loop3A_397 = vector.broadcast %parallel_loop3A_396 : i32 to vector<16xi32>
        %parallel_loop3A_398 = arith.cmpi eq, %parallel_loop3A_395, %parallel_loop3A_397 : vector<16xi32>
        tpu.vector_store_idx %arg28[%parallel_loop3A_390], %parallel_loop3A_394 masked %parallel_loop3A_398 : memref<1312xi32, #tpu.memory_space<vmem>>[vector<16xi32>], vector<16xi32>, vector<16xi1>
      } {sc.loop_unroll_factor = 4 : i64, sc.parallel_access}
      %scan3A_34 = arith.constant 0 : i32
      %scan3A_35 = arith.constant 80 : i32
      %scan3A_36 = arith.addi %scan3A_34, %scan3A_35 : i32
      %scan3A_37 = arith.constant 1 : i32
      %scan3A_38 = scf.for %scan3A_377 = %scan3A_34 to %scan3A_36 step %scan3A_37 iter_args(%scan3A_378 = %broadcast_in_dim3A_5) -> (vector<16xi32>)  : i32 {
        %mul3A_379 = arith.constant 16 : i32
        %mul3A_380 = arith.muli %scan3A_377, %mul3A_379 : i32
        %get3A_381 = arith.index_cast %mul3A_380 : i32 to index
        %get3A_382 = tpu.vector_load %arg28[%get3A_381] {strides = array<i32>} : memref<1312xi32, #tpu.memory_space<vmem>>, vector<16xi32>,
        %add3A_383 = arith.addi %scan3A_378, %get3A_382 : vector<16xi32>
        scf.yield %add3A_383 : vector<16xi32>
      }
      %scan3A_39 = arith.constant 80 : i32
      %reduce_sum3A = arith.constant true
      %reduce_sum3A_40 = vector.broadcast %reduce_sum3A : i1 to vector<16xi1>
      %reduce_sum3A_41 = tpu.scan <sum>, %scan3A_38 masked %reduce_sum3A_40 : vector<16xi32>, vector<16xi1> -> vector<16xi32>
      %reduce_sum3A_42 = vector.extract %reduce_sum3A_41[15] : i32 from vector<16xi32>
      %scan3A_43 = arith.constant 0 : i32
      %scan3A_44 = arith.constant 0 : i32
      %scan3A_45 = arith.constant 0 : i32
      %scan3A_46 = arith.constant 0 : i32
      %scan3A_47 = arith.constant 80 : i32
      %scan3A_48 = arith.addi %scan3A_46, %scan3A_47 : i32
      %scan3A_49 = arith.constant 1 : i32
      %scan3A_50:3 = scf.for %scan3A_377 = %scan3A_46 to %scan3A_48 step %scan3A_49 iter_args(%scan3A_378 = %scan3A_43, %scan3A_379 = %scan3A_44, %scan3A_380 = %scan3A_45) -> (i32, i32, i32)  : i32 {
        %mul3A_381 = arith.constant 16 : i32
        %mul3A_382 = arith.muli %scan3A_377, %mul3A_381 : i32
        %get3A_383 = arith.index_cast %mul3A_382 : i32 to index
        %get3A_384 = tpu.vector_load %arg28[%get3A_383] {strides = array<i32>} : memref<1312xi32, #tpu.memory_space<vmem>>, vector<16xi32>,
        %broadcast_in_dim3A_385 = arith.constant true
        %broadcast_in_dim3A_386 = vector.broadcast %broadcast_in_dim3A_385 : i1 to vector<16xi1>
        %masked_cumsum3A_387 = tpu.scan <sum>, %get3A_384 masked %broadcast_in_dim3A_386 : vector<16xi32>, vector<16xi1> -> vector<16xi32>
        %add3A_388 = vector.broadcast %scan3A_378 : i32 to vector<16xi32>
        %add3A_389 = arith.addi %add3A_388, %masked_cumsum3A_387 : vector<16xi32>
        %sub3A_390 = arith.subi %add3A_389, %get3A_384 : vector<16xi32>
        %sub3A_391 = vector.broadcast %reduce_sum3A_42 : i32 to vector<16xi32>
        %sub3A_392 = arith.subi %sub3A_391, %sub3A_390 : vector<16xi32>
        %ge3A_393 = arith.constant 4096 : i32
        %ge3A_394 = vector.broadcast %ge3A_393 : i32 to vector<16xi32>
        %ge3A_395 = arith.cmpi sge, %sub3A_392, %ge3A_394 : vector<16xi32>
        %all_reduce_population_count3A_396 = tpu.all_reduce %ge3A_395 {dim = 0 : i64, kind = #tpu.reduction_kind<sum>} : vector<16xi1> -> vector<16xi32>
        %slice3A_397 = vector.extract_strided_slice %all_reduce_population_count3A_396 {offsets = [0], sizes = [1], strides = [1]} : vector<16xi32> to vector<1xi32>
        %squeeze3A_398 = vector.extract %slice3A_397[0] : i32 from vector<1xi32>
        %gt3A_399 = arith.constant 0 : i32
        %gt3A_400 = arith.cmpi sgt, %squeeze3A_398, %gt3A_399 : i32
        %convert_element_type3A_401 = arith.extui %gt3A_400 : i1 to i32
        %cond3A_402 = arith.constant 0 : i32
        %cond3A_403 = arith.cmpi ne, %convert_element_type3A_401, %cond3A_402 : i32
        scf.if %cond3A_403 {
          %swap3A_420 = arith.constant 0 : index
          %swap3A_421 = tpu.vector_load %arg25[%swap3A_420] {strides = array<i32>} : memref<48xi32, #tpu.memory_space<vmem>>, vector<16xi32>,
          tpu.vector_store %arg25[%swap3A_420], %sub3A_390 {strides = array<i32>} : memref<48xi32, #tpu.memory_space<vmem>>, vector<16xi32>,
        } else {
        }
        %gt3A_404 = arith.constant 0 : i32
        %gt3A_405 = arith.cmpi sgt, %squeeze3A_398, %gt3A_404 : i32
        %mul3A_406 = arith.constant 16 : i32
        %mul3A_407 = arith.muli %scan3A_377, %mul3A_406 : i32
        %add3A_408 = arith.addi %mul3A_407, %squeeze3A_398 : i32
        %sub3A_409 = arith.constant 1 : i32
        %sub3A_410 = arith.subi %add3A_408, %sub3A_409 : i32
        %select_n3A_411 = arith.select %gt3A_405, %sub3A_410, %scan3A_379 : i32
        %sub3A_412 = arith.constant 1 : i32
        %sub3A_413 = arith.subi %squeeze3A_398, %sub3A_412 : i32
        %max3A_414 = arith.constant 0 : i32
        %max3A_415 = arith.maxsi %sub3A_413, %max3A_414 : i32
        %select_n3A_416 = arith.select %gt3A_405, %max3A_415, %scan3A_380 : i32
        %slice3A_417 = vector.extract_strided_slice %masked_cumsum3A_387 {offsets = [15], sizes = [1], strides = [1]} : vector<16xi32> to vector<1xi32>
        %squeeze3A_418 = vector.extract %slice3A_417[0] : i32 from vector<1xi32>
        %add3A_419 = arith.addi %scan3A_378, %squeeze3A_418 : i32
        scf.yield %add3A_419, %select_n3A_411, %select_n3A_416 : i32, i32, i32
      }
      %scan3A_51 = arith.constant 80 : i32
      %get3A = arith.index_cast %scan3A_50#2 : i32 to index
      %get3A_52 = tpu.vector_load %arg25[%get3A] {strides = array<i32>} : memref<48xi32, #tpu.memory_space<vmem>>, vector<16xi32>,
      %slice3A = vector.extract_strided_slice %get3A_52 {offsets = [0], sizes = [1], strides = [1]} : vector<16xi32> to vector<1xi32>
      %squeeze3A = vector.extract %slice3A[0] : i32 from vector<1xi32>
      %gt3A = arith.constant 0 : i32
      %gt3A_53 = arith.cmpi sgt, %scan3A_50#1, %gt3A : i32
      %jit3A = arith.constant 0 : i32
      %select_n3A = arith.select %gt3A_53, %squeeze3A, %jit3A : i32
      %mul3A_54 = arith.constant 16 : i32
      %mul3A_55 = arith.muli %scan3A_50#1, %mul3A_54 : i32
      %get3A_56 = arith.index_cast %mul3A_55 : i32 to index
      %get3A_57 = tpu.vector_load %arg8[%get3A_56] {strides = array<i32>} : memref<20448xi32, #tpu.memory_space<vmem>>, vector<16xi32>,
      %broadcast_in_dim3A_58 = arith.constant true
      %broadcast_in_dim3A_59 = vector.broadcast %broadcast_in_dim3A_58 : i1 to vector<16xi1>
      %masked_cumsum3A = tpu.scan <sum>, %get3A_57 masked %broadcast_in_dim3A_59 : vector<16xi32>, vector<16xi1> -> vector<16xi32>
      %add3A_60 = vector.broadcast %select_n3A : i32 to vector<16xi32>
      %add3A_61 = arith.addi %add3A_60, %masked_cumsum3A : vector<16xi32>
      %sub3A = arith.subi %add3A_61, %get3A_57 : vector<16xi32>
      %sub3A_62 = vector.broadcast %reduce_sum3A_42 : i32 to vector<16xi32>
      %sub3A_63 = arith.subi %sub3A_62, %sub3A : vector<16xi32>
      %ge3A = arith.constant 4096 : i32
      %ge3A_64 = vector.broadcast %ge3A : i32 to vector<16xi32>
      %ge3A_65 = arith.cmpi sge, %sub3A_63, %ge3A_64 : vector<16xi32>
      %all_reduce_population_count3A = tpu.all_reduce %ge3A_65 {dim = 0 : i64, kind = #tpu.reduction_kind<sum>} : vector<16xi1> -> vector<16xi32>
      %slice3A_66 = vector.extract_strided_slice %all_reduce_population_count3A {offsets = [0], sizes = [1], strides = [1]} : vector<16xi32> to vector<1xi32>
      %squeeze3A_67 = vector.extract %slice3A_66[0] : i32 from vector<1xi32>
      %sub3A_68 = arith.constant 1 : i32
      %sub3A_69 = arith.subi %squeeze3A_67, %sub3A_68 : i32
      %max3A = arith.constant 0 : i32
      %max3A_70 = arith.maxsi %sub3A_69, %max3A : i32
      %swap3A = arith.constant 0 : index
      %swap3A_71 = tpu.vector_load %arg25[%swap3A] {strides = array<i32>} : memref<48xi32, #tpu.memory_space<vmem>>, vector<16xi32>,
      tpu.vector_store %arg25[%swap3A], %sub3A {strides = array<i32>} : memref<48xi32, #tpu.memory_space<vmem>>, vector<16xi32>,
      %swap3A_72 = arith.constant 16 : index
      %swap3A_73 = tpu.vector_load %arg25[%swap3A_72] {strides = array<i32>} : memref<48xi32, #tpu.memory_space<vmem>>, vector<16xi32>,
      tpu.vector_store %arg25[%swap3A_72], %get3A_57 {strides = array<i32>} : memref<48xi32, #tpu.memory_space<vmem>>, vector<16xi32>,
      %mul3A_74 = arith.constant 16 : i32
      %mul3A_75 = arith.muli %scan3A_50#1, %mul3A_74 : i32
      %add3A_76 = arith.addi %mul3A_75, %max3A_70 : i32
      %get3A_77 = arith.index_cast %max3A_70 : i32 to index
      %get3A_78 = tpu.vector_load %arg25[%get3A_77] {strides = array<i32>} : memref<48xi32, #tpu.memory_space<vmem>>, vector<16xi32>,
      %slice3A_79 = vector.extract_strided_slice %get3A_78 {offsets = [0], sizes = [1], strides = [1]} : vector<16xi32> to vector<1xi32>
      %squeeze3A_80 = vector.extract %slice3A_79[0] : i32 from vector<1xi32>
      %add3A_81 = arith.constant 16 : i32
      %add3A_82 = arith.addi %add3A_81, %max3A_70 : i32
      %get3A_83 = arith.index_cast %add3A_82 : i32 to index
      %get3A_84 = tpu.vector_load %arg25[%get3A_83] {strides = array<i32>} : memref<48xi32, #tpu.memory_space<vmem>>, vector<16xi32>,
      %slice3A_85 = vector.extract_strided_slice %get3A_84 {offsets = [0], sizes = [1], strides = [1]} : vector<16xi32> to vector<1xi32>
      %squeeze3A_86 = vector.extract %slice3A_85[0] : i32 from vector<1xi32>
      %sub3A_87 = arith.subi %reduce_sum3A_42, %squeeze3A_80 : i32
      %sub3A_88 = arith.subi %sub3A_87, %squeeze3A_86 : i32
      %sub3A_89 = arith.constant 4096 : i32
      %sub3A_90 = arith.subi %sub3A_89, %sub3A_88 : i32
      %scan3A_91 = arith.constant 0 : i32
      %scan3A_92 = arith.constant 0 : i32
      %scan3A_93 = arith.constant 257 : i32
      %scan3A_94 = arith.addi %scan3A_92, %scan3A_93 : i32
      %scan3A_95 = arith.constant 1 : i32
      %scan3A_96 = scf.for %scan3A_377 = %scan3A_92 to %scan3A_94 step %scan3A_95 iter_args(%scan3A_378 = %scan3A_91) -> (i32)  : i32 {
        %mul3A_379 = arith.constant 16 : i32
        %mul3A_380 = arith.muli %scan3A_377, %mul3A_379 : i32
        %swap3A_381 = arith.index_cast %mul3A_380 : i32 to index
        %swap3A_382 = tpu.vector_load %arg9[%swap3A_381] {strides = array<i32>} : memref<4112xi32, #tpu.memory_space<vmem>>, vector<16xi32>,
        tpu.vector_store %arg9[%swap3A_381], %broadcast_in_dim3A_5 {strides = array<i32>} : memref<4112xi32, #tpu.memory_space<vmem>>, vector<16xi32>,
        %scan3A_383 = arith.constant 0 : i32
        scf.yield %scan3A_383 : i32
      }
      %scan3A_97 = arith.constant 257 : i32
      %mul3A_98 = arith.constant 400000 : i32
      %mul3A_99 = arith.muli %add3A, %mul3A_98 : i32
      %dma_start3A_100 = arith.constant 0 : i32
      %dma_start3A_101 = tpu.memref_slice %arg7[%dma_start3A_100] : memref<20000xf32, #tpu.memory_space<vmem>> -> memref<10000xf32, #tpu.memory_space<vmem>>
      %dma_start3A_102 = tpu.memref_slice %arg3[%mul3A_99] : memref<3200000xf32, #tpu.memory_space<hbm>> -> memref<10000xf32, #tpu.memory_space<hbm>>
      %dma_start3A_103 = arith.constant 0 : i32
      %dma_start3A_104 = tpu.memref_slice %arg7[%dma_start3A_103] : memref<20000xf32, #tpu.memory_space<vmem>> -> memref<10000xf32, #tpu.memory_space<vmem>>
      %dma_start3A_105 = tpu.memref_slice %arg3[%mul3A_99] : memref<3200000xf32, #tpu.memory_space<hbm>> -> memref<10000xf32, #tpu.memory_space<hbm>>
      tpu.enqueue_dma source(%dma_start3A_105 : memref<10000xf32, #tpu.memory_space<hbm>>) target(%dma_start3A_104 : memref<10000xf32, #tpu.memory_space<vmem>>) target_semaphore(%arg29 : memref<!tpu.dma_semaphore, #tpu.memory_space<semaphore_mem>>)
      %scan3A_106 = arith.constant 0 : i32
      %scan3A_107 = arith.constant 0 : i32
      %scan3A_108 = arith.constant 20 : i32
      %scan3A_109 = arith.addi %scan3A_107, %scan3A_108 : i32
      %scan3A_110 = arith.constant 1 : i32
      %scan3A_111 = scf.for %scan3A_377 = %scan3A_107 to %scan3A_109 step %scan3A_110 iter_args(%scan3A_378 = %scan3A_106) -> (i32)  : i32 {
        %mul3A_379 = arith.constant 2 : i32
        %mul3A_380 = arith.muli %scan3A_377, %mul3A_379 : i32
        %add3A_381 = arith.constant 0 : i32
        %add3A_382 = arith.addi %mul3A_380, %add3A_381 : i32
        %add3A_383 = arith.constant 1 : i32
        %add3A_384 = arith.addi %add3A_382, %add3A_383 : i32
        %lt3A_385 = arith.constant 40 : i32
        %lt3A_386 = arith.cmpi slt, %add3A_384, %lt3A_385 : i32
        %convert_element_type3A_387 = arith.extui %lt3A_386 : i1 to i32
        %cond3A_388 = arith.constant 0 : i32
        %cond3A_389 = arith.cmpi ne, %convert_element_type3A_387, %cond3A_388 : i32
        scf.if %cond3A_389 {
          %mul3A_425 = arith.constant 400000 : i32
          %mul3A_426 = arith.muli %add3A, %mul3A_425 : i32
          %add3A_427 = arith.constant 1 : i32
          %add3A_428 = arith.addi %add3A_382, %add3A_427 : i32
          %mul3A_429 = arith.constant 10000 : i32
          %mul3A_430 = arith.muli %add3A_428, %mul3A_429 : i32
          %add3A_431 = arith.addi %mul3A_426, %mul3A_430 : i32
          %dma_start3A_432 = arith.constant 10000 : i32
          %dma_start3A_433 = tpu.memref_slice %arg7[%dma_start3A_432] : memref<20000xf32, #tpu.memory_space<vmem>> -> memref<10000xf32, #tpu.memory_space<vmem>>
          %dma_start3A_434 = tpu.memref_slice %arg3[%add3A_431] : memref<3200000xf32, #tpu.memory_space<hbm>> -> memref<10000xf32, #tpu.memory_space<hbm>>
          %dma_start3A_435 = arith.constant 10000 : i32
          %dma_start3A_436 = tpu.memref_slice %arg7[%dma_start3A_435] : memref<20000xf32, #tpu.memory_space<vmem>> -> memref<10000xf32, #tpu.memory_space<vmem>>
          %dma_start3A_437 = tpu.memref_slice %arg3[%add3A_431] : memref<3200000xf32, #tpu.memory_space<hbm>> -> memref<10000xf32, #tpu.memory_space<hbm>>
          tpu.enqueue_dma source(%dma_start3A_437 : memref<10000xf32, #tpu.memory_space<hbm>>) target(%dma_start3A_436 : memref<10000xf32, #tpu.memory_space<vmem>>) target_semaphore(%arg30 : memref<!tpu.dma_semaphore, #tpu.memory_space<semaphore_mem>>)
        } else {
        }
        %dma_wait3A_390 = arith.constant 0 : i32
        %dma_wait3A_391 = tpu.memref_slice %arg7[%dma_wait3A_390] : memref<20000xf32, #tpu.memory_space<vmem>> -> memref<10000xf32, #tpu.memory_space<vmem>>
        %dma_wait3A_392 = arith.constant 0 : i32
        %dma_wait3A_393 = tpu.memref_slice %arg3[%dma_wait3A_392] : memref<3200000xf32, #tpu.memory_space<hbm>> -> memref<10000xf32, #tpu.memory_space<hbm>>
        %dma_wait3A_394 = arith.constant 0 : i32
        %dma_wait3A_395 = tpu.memref_slice %arg7[%dma_wait3A_394] : memref<20000xf32, #tpu.memory_space<vmem>> -> memref<10000xf32, #tpu.memory_space<vmem>>
        %dma_wait3A_396 = arith.constant 0 : i32
        %dma_wait3A_397 = tpu.memref_slice %arg3[%dma_wait3A_396] : memref<3200000xf32, #tpu.memory_space<hbm>> -> memref<10000xf32, #tpu.memory_space<hbm>>
        tpu.wait_dma2 semaphore(%arg29 : memref<!tpu.dma_semaphore, #tpu.memory_space<semaphore_mem>>) src(%dma_wait3A_397 : memref<10000xf32, #tpu.memory_space<hbm>>) dst(%dma_wait3A_395 : memref<10000xf32, #tpu.memory_space<vmem>>)
        %parallel_loop3A_398 = arith.constant 0 : i32
        %parallel_loop3A_399 = arith.constant 10000 : i32
        %parallel_loop3A_400 = arith.constant 16 : i32
        %parallel_loop3A_401 = scf.for %parallel_loop3A_425 = %parallel_loop3A_398 to %parallel_loop3A_399 step %parallel_loop3A_400 iter_args(%parallel_loop3A_426 = %scan3A_378) -> (i32)  : i32 {
          %parallel_loop3A_427 = arith.constant 0 : i32
          %parallel_loop3A_428 = arith.addi %parallel_loop3A_427, %parallel_loop3A_425 : i32
          %parallel_loop3A_429 = arith.index_cast %parallel_loop3A_428 : i32 to index
          %parallel_loop3A_430 = tpu.vector_load %arg7[%parallel_loop3A_429] {strides = array<i32>} : memref<20000xf32, #tpu.memory_space<vmem>>, vector<16xf32>,
          %parallel_loop3A_431 = arith.constant 1.000000e-03 : f32
          %parallel_loop3A_432 = vector.broadcast %parallel_loop3A_431 : f32 to vector<16xf32>
          %parallel_loop3A_433 = arith.cmpf ogt, %parallel_loop3A_430, %parallel_loop3A_432 : vector<16xf32>
          %parallel_loop3A_434 = vector.bitcast %parallel_loop3A_430 : vector<16xf32> to vector<16xi32>
          %parallel_loop3A_435 = arith.constant 12 : i32
          %parallel_loop3A_436 = vector.broadcast %parallel_loop3A_435 : i32 to vector<16xi32>
          %parallel_loop3A_437 = arith.shrui %parallel_loop3A_434, %parallel_loop3A_436 : vector<16xi32>
          %parallel_loop3A_438 = arith.constant 239665 : i32
          %parallel_loop3A_439 = vector.broadcast %parallel_loop3A_438 : i32 to vector<16xi32>
          %parallel_loop3A_440 = arith.subi %parallel_loop3A_437, %parallel_loop3A_439 : vector<16xi32>
          %parallel_loop3A_441 = arith.constant 20430 : i32
          %parallel_loop3A_442 = vector.broadcast %parallel_loop3A_441 : i32 to vector<16xi32>
          %parallel_loop3A_443 = arith.minsi %parallel_loop3A_440, %parallel_loop3A_442 : vector<16xi32>
          %parallel_loop3A_444 = vector.broadcast %add3A_76 : i32 to vector<16xi32>
          %parallel_loop3A_445 = arith.cmpi eq, %parallel_loop3A_443, %parallel_loop3A_444 : vector<16xi32>
          %parallel_loop3A_446 = arith.andi %parallel_loop3A_433, %parallel_loop3A_445 : vector<16xi1>
          %parallel_loop3A_447 = arith.constant 4095 : i32
          %parallel_loop3A_448 = vector.broadcast %parallel_loop3A_447 : i32 to vector<16xi32>
          %parallel_loop3A_449 = arith.andi %parallel_loop3A_434, %parallel_loop3A_448 : vector<16xi32>
          tpu.vector_store_idx %arg9[%parallel_loop3A_449], %broadcast_in_dim3A_3 masked %parallel_loop3A_446 {add = true} : memref<4112xi32, #tpu.memory_space<vmem>>[vector<16xi32>], vector<16xi32>, vector<16xi1>
          %parallel_loop3A_450 = vector.broadcast %add3A_76 : i32 to vector<16xi32>
          %parallel_loop3A_451 = arith.cmpi sge, %parallel_loop3A_443, %parallel_loop3A_450 : vector<16xi32>
          %parallel_loop3A_452 = arith.andi %parallel_loop3A_433, %parallel_loop3A_451 : vector<16xi1>
          %parallel_loop3A_453 = arith.constant 10000 : i32
          %parallel_loop3A_454 = arith.muli %add3A_382, %parallel_loop3A_453 : i32
          %parallel_loop3A_455 = arith.constant 0 : i32
          %parallel_loop3A_456 = arith.addi %parallel_loop3A_454, %parallel_loop3A_455 : i32
          %parallel_loop3A_457 = arith.addi %parallel_loop3A_456, %parallel_loop3A_425 : i32
          %parallel_loop3A_458 = vector.broadcast %parallel_loop3A_457 : i32 to vector<16xi32>
          %parallel_loop3A_459 = arith.addi %iota3A, %parallel_loop3A_458 : vector<16xi32>
          %parallel_loop3A_460 = arith.constant 8192 : i32
          %parallel_loop3A_461 = arith.minsi %parallel_loop3A_426, %parallel_loop3A_460 : i32
          %parallel_loop3A_462 = arith.index_cast %parallel_loop3A_461 : i32 to index
          %parallel_loop3A_463 = tpu.vector_load %arg26[%parallel_loop3A_462] masked %parallel_loop3A_452 {strides = array<i32>} : memref<8208xi32, #tpu.memory_space<vmem>>, vector<16xi32>, vector<16xi1>
          tpu.vector_store %arg26[%parallel_loop3A_462], %parallel_loop3A_434 masked %parallel_loop3A_452 {strides = array<i32>} : memref<8208xi32, #tpu.memory_space<vmem>>, vector<16xi32>, vector<16xi1>
          %parallel_loop3A_464 = arith.index_cast %parallel_loop3A_461 : i32 to index
          %parallel_loop3A_465 = tpu.vector_load %arg27[%parallel_loop3A_464] masked %parallel_loop3A_452 {strides = array<i32>} : memref<8208xi32, #tpu.memory_space<vmem>>, vector<16xi32>, vector<16xi1>
          tpu.vector_store %arg27[%parallel_loop3A_464], %parallel_loop3A_459 masked %parallel_loop3A_452 {strides = array<i32>} : memref<8208xi32, #tpu.memory_space<vmem>>, vector<16xi32>, vector<16xi1>
          %parallel_loop3A_466 = tpu.all_reduce %parallel_loop3A_452 {dim = 0 : i64, kind = #tpu.reduction_kind<sum>} : vector<16xi1> -> vector<16xi32>
          %parallel_loop3A_467 = vector.extract_strided_slice %parallel_loop3A_466 {offsets = [0], sizes = [1], strides = [1]} : vector<16xi32> to vector<1xi32>
          %parallel_loop3A_468 = vector.extract %parallel_loop3A_467[0] : i32 from vector<1xi32>
          %parallel_loop3A_469 = arith.addi %parallel_loop3A_426, %parallel_loop3A_468 : i32
          scf.yield %parallel_loop3A_469 : i32
        } {sc.loop_unroll_factor = 5 : i64, sc.parallel_access}
        %mul3A_402 = arith.constant 2 : i32
        %mul3A_403 = arith.muli %scan3A_377, %mul3A_402 : i32
        %add3A_404 = arith.constant 1 : i32
        %add3A_405 = arith.addi %mul3A_403, %add3A_404 : i32
        %add3A_406 = arith.constant 1 : i32
        %add3A_407 = arith.addi %add3A_405, %add3A_406 : i32
        %lt3A_408 = arith.constant 40 : i32
        %lt3A_409 = arith.cmpi slt, %add3A_407, %lt3A_408 : i32
        %convert_element_type3A_410 = arith.extui %lt3A_409 : i1 to i32
        %cond3A_411 = arith.constant 0 : i32
        %cond3A_412 = arith.cmpi ne, %convert_element_type3A_410, %cond3A_411 : i32
        scf.if %cond3A_412 {
          %mul3A_425 = arith.constant 400000 : i32
          %mul3A_426 = arith.muli %add3A, %mul3A_425 : i32
          %add3A_427 = arith.constant 1 : i32
          %add3A_428 = arith.addi %add3A_405, %add3A_427 : i32
          %mul3A_429 = arith.constant 10000 : i32
          %mul3A_430 = arith.muli %add3A_428, %mul3A_429 : i32
          %add3A_431 = arith.addi %mul3A_426, %mul3A_430 : i32
          %dma_start3A_432 = arith.constant 0 : i32
          %dma_start3A_433 = tpu.memref_slice %arg7[%dma_start3A_432] : memref<20000xf32, #tpu.memory_space<vmem>> -> memref<10000xf32, #tpu.memory_space<vmem>>
          %dma_start3A_434 = tpu.memref_slice %arg3[%add3A_431] : memref<3200000xf32, #tpu.memory_space<hbm>> -> memref<10000xf32, #tpu.memory_space<hbm>>
          %dma_start3A_435 = arith.constant 0 : i32
          %dma_start3A_436 = tpu.memref_slice %arg7[%dma_start3A_435] : memref<20000xf32, #tpu.memory_space<vmem>> -> memref<10000xf32, #tpu.memory_space<vmem>>
          %dma_start3A_437 = tpu.memref_slice %arg3[%add3A_431] : memref<3200000xf32, #tpu.memory_space<hbm>> -> memref<10000xf32, #tpu.memory_space<hbm>>
          tpu.enqueue_dma source(%dma_start3A_437 : memref<10000xf32, #tpu.memory_space<hbm>>) target(%dma_start3A_436 : memref<10000xf32, #tpu.memory_space<vmem>>) target_semaphore(%arg29 : memref<!tpu.dma_semaphore, #tpu.memory_space<semaphore_mem>>)
        } else {
        }
        %dma_wait3A_413 = arith.constant 10000 : i32
        %dma_wait3A_414 = tpu.memref_slice %arg7[%dma_wait3A_413] : memref<20000xf32, #tpu.memory_space<vmem>> -> memref<10000xf32, #tpu.memory_space<vmem>>
        %dma_wait3A_415 = arith.constant 0 : i32
        %dma_wait3A_416 = tpu.memref_slice %arg3[%dma_wait3A_415] : memref<3200000xf32, #tpu.memory_space<hbm>> -> memref<10000xf32, #tpu.memory_space<hbm>>
        %dma_wait3A_417 = arith.constant 10000 : i32
        %dma_wait3A_418 = tpu.memref_slice %arg7[%dma_wait3A_417] : memref<20000xf32, #tpu.memory_space<vmem>> -> memref<10000xf32, #tpu.memory_space<vmem>>
        %dma_wait3A_419 = arith.constant 0 : i32
        %dma_wait3A_420 = tpu.memref_slice %arg3[%dma_wait3A_419] : memref<3200000xf32, #tpu.memory_space<hbm>> -> memref<10000xf32, #tpu.memory_space<hbm>>
        tpu.wait_dma2 semaphore(%arg30 : memref<!tpu.dma_semaphore, #tpu.memory_space<semaphore_mem>>) src(%dma_wait3A_420 : memref<10000xf32, #tpu.memory_space<hbm>>) dst(%dma_wait3A_418 : memref<10000xf32, #tpu.memory_space<vmem>>)
        %parallel_loop3A_421 = arith.constant 0 : i32
        %parallel_loop3A_422 = arith.constant 10000 : i32
        %parallel_loop3A_423 = arith.constant 16 : i32
        %parallel_loop3A_424 = scf.for %parallel_loop3A_425 = %parallel_loop3A_421 to %parallel_loop3A_422 step %parallel_loop3A_423 iter_args(%parallel_loop3A_426 = %parallel_loop3A_401) -> (i32)  : i32 {
          %parallel_loop3A_427 = arith.constant 10000 : i32
          %parallel_loop3A_428 = arith.addi %parallel_loop3A_427, %parallel_loop3A_425 : i32
          %parallel_loop3A_429 = arith.index_cast %parallel_loop3A_428 : i32 to index
          %parallel_loop3A_430 = tpu.vector_load %arg7[%parallel_loop3A_429] {strides = array<i32>} : memref<20000xf32, #tpu.memory_space<vmem>>, vector<16xf32>,
          %parallel_loop3A_431 = arith.constant 1.000000e-03 : f32
          %parallel_loop3A_432 = vector.broadcast %parallel_loop3A_431 : f32 to vector<16xf32>
          %parallel_loop3A_433 = arith.cmpf ogt, %parallel_loop3A_430, %parallel_loop3A_432 : vector<16xf32>
          %parallel_loop3A_434 = vector.bitcast %parallel_loop3A_430 : vector<16xf32> to vector<16xi32>
          %parallel_loop3A_435 = arith.constant 12 : i32
          %parallel_loop3A_436 = vector.broadcast %parallel_loop3A_435 : i32 to vector<16xi32>
          %parallel_loop3A_437 = arith.shrui %parallel_loop3A_434, %parallel_loop3A_436 : vector<16xi32>
          %parallel_loop3A_438 = arith.constant 239665 : i32
          %parallel_loop3A_439 = vector.broadcast %parallel_loop3A_438 : i32 to vector<16xi32>
          %parallel_loop3A_440 = arith.subi %parallel_loop3A_437, %parallel_loop3A_439 : vector<16xi32>
          %parallel_loop3A_441 = arith.constant 20430 : i32
          %parallel_loop3A_442 = vector.broadcast %parallel_loop3A_441 : i32 to vector<16xi32>
          %parallel_loop3A_443 = arith.minsi %parallel_loop3A_440, %parallel_loop3A_442 : vector<16xi32>
          %parallel_loop3A_444 = vector.broadcast %add3A_76 : i32 to vector<16xi32>
          %parallel_loop3A_445 = arith.cmpi eq, %parallel_loop3A_443, %parallel_loop3A_444 : vector<16xi32>
          %parallel_loop3A_446 = arith.andi %parallel_loop3A_433, %parallel_loop3A_445 : vector<16xi1>
          %parallel_loop3A_447 = arith.constant 4095 : i32
          %parallel_loop3A_448 = vector.broadcast %parallel_loop3A_447 : i32 to vector<16xi32>
          %parallel_loop3A_449 = arith.andi %parallel_loop3A_434, %parallel_loop3A_448 : vector<16xi32>
          tpu.vector_store_idx %arg9[%parallel_loop3A_449], %broadcast_in_dim3A_3 masked %parallel_loop3A_446 {add = true} : memref<4112xi32, #tpu.memory_space<vmem>>[vector<16xi32>], vector<16xi32>, vector<16xi1>
          %parallel_loop3A_450 = vector.broadcast %add3A_76 : i32 to vector<16xi32>
          %parallel_loop3A_451 = arith.cmpi sge, %parallel_loop3A_443, %parallel_loop3A_450 : vector<16xi32>
          %parallel_loop3A_452 = arith.andi %parallel_loop3A_433, %parallel_loop3A_451 : vector<16xi1>
          %parallel_loop3A_453 = arith.constant 10000 : i32
          %parallel_loop3A_454 = arith.muli %add3A_405, %parallel_loop3A_453 : i32
          %parallel_loop3A_455 = arith.constant 0 : i32
          %parallel_loop3A_456 = arith.addi %parallel_loop3A_454, %parallel_loop3A_455 : i32
          %parallel_loop3A_457 = arith.addi %parallel_loop3A_456, %parallel_loop3A_425 : i32
          %parallel_loop3A_458 = vector.broadcast %parallel_loop3A_457 : i32 to vector<16xi32>
          %parallel_loop3A_459 = arith.addi %iota3A, %parallel_loop3A_458 : vector<16xi32>
          %parallel_loop3A_460 = arith.constant 8192 : i32
          %parallel_loop3A_461 = arith.minsi %parallel_loop3A_426, %parallel_loop3A_460 : i32
          %parallel_loop3A_462 = arith.index_cast %parallel_loop3A_461 : i32 to index
          %parallel_loop3A_463 = tpu.vector_load %arg26[%parallel_loop3A_462] masked %parallel_loop3A_452 {strides = array<i32>} : memref<8208xi32, #tpu.memory_space<vmem>>, vector<16xi32>, vector<16xi1>
          tpu.vector_store %arg26[%parallel_loop3A_462], %parallel_loop3A_434 masked %parallel_loop3A_452 {strides = array<i32>} : memref<8208xi32, #tpu.memory_space<vmem>>, vector<16xi32>, vector<16xi1>
          %parallel_loop3A_464 = arith.index_cast %parallel_loop3A_461 : i32 to index
          %parallel_loop3A_465 = tpu.vector_load %arg27[%parallel_loop3A_464] masked %parallel_loop3A_452 {strides = array<i32>} : memref<8208xi32, #tpu.memory_space<vmem>>, vector<16xi32>, vector<16xi1>
          tpu.vector_store %arg27[%parallel_loop3A_464], %parallel_loop3A_459 masked %parallel_loop3A_452 {strides = array<i32>} : memref<8208xi32, #tpu.memory_space<vmem>>, vector<16xi32>, vector<16xi1>
          %parallel_loop3A_466 = tpu.all_reduce %parallel_loop3A_452 {dim = 0 : i64, kind = #tpu.reduction_kind<sum>} : vector<16xi1> -> vector<16xi32>
          %parallel_loop3A_467 = vector.extract_strided_slice %parallel_loop3A_466 {offsets = [0], sizes = [1], strides = [1]} : vector<16xi32> to vector<1xi32>
          %parallel_loop3A_468 = vector.extract %parallel_loop3A_467[0] : i32 from vector<1xi32>
          %parallel_loop3A_469 = arith.addi %parallel_loop3A_426, %parallel_loop3A_468 : i32
          scf.yield %parallel_loop3A_469 : i32
        } {sc.loop_unroll_factor = 5 : i64, sc.parallel_access}
        scf.yield %parallel_loop3A_424 : i32
      }
      %scan3A_112 = arith.constant 20 : i32
      %min3A = arith.constant 8192 : i32
      %min3A_113 = arith.minsi %scan3A_111, %min3A : i32
      %scan3A_114 = arith.constant 0 : i32
      %scan3A_115 = arith.constant 0 : i32
      %scan3A_116 = arith.constant 0 : i32
      %scan3A_117 = arith.constant 0 : i32
      %scan3A_118 = arith.constant 256 : i32
      %scan3A_119 = arith.addi %scan3A_117, %scan3A_118 : i32
      %scan3A_120 = arith.constant 1 : i32
      %scan3A_121:3 = scf.for %scan3A_377 = %scan3A_117 to %scan3A_119 step %scan3A_120 iter_args(%scan3A_378 = %scan3A_114, %scan3A_379 = %scan3A_115, %scan3A_380 = %scan3A_116) -> (i32, i32, i32)  : i32 {
        %mul3A_381 = arith.constant 16 : i32
        %mul3A_382 = arith.muli %scan3A_377, %mul3A_381 : i32
        %get3A_383 = arith.index_cast %mul3A_382 : i32 to index
        %get3A_384 = tpu.vector_load %arg9[%get3A_383] {strides = array<i32>} : memref<4112xi32, #tpu.memory_space<vmem>>, vector<16xi32>,
        %broadcast_in_dim3A_385 = arith.constant true
        %broadcast_in_dim3A_386 = vector.broadcast %broadcast_in_dim3A_385 : i1 to vector<16xi1>
        %masked_cumsum3A_387 = tpu.scan <sum>, %get3A_384 masked %broadcast_in_dim3A_386 : vector<16xi32>, vector<16xi1> -> vector<16xi32>
        %add3A_388 = vector.broadcast %scan3A_378 : i32 to vector<16xi32>
        %add3A_389 = arith.addi %add3A_388, %masked_cumsum3A_387 : vector<16xi32>
        %sub3A_390 = arith.subi %add3A_389, %get3A_384 : vector<16xi32>
        %sub3A_391 = vector.broadcast %squeeze3A_86 : i32 to vector<16xi32>
        %sub3A_392 = arith.subi %sub3A_391, %sub3A_390 : vector<16xi32>
        %ge3A_393 = vector.broadcast %sub3A_90 : i32 to vector<16xi32>
        %ge3A_394 = arith.cmpi sge, %sub3A_392, %ge3A_393 : vector<16xi32>
        %all_reduce_population_count3A_395 = tpu.all_reduce %ge3A_394 {dim = 0 : i64, kind = #tpu.reduction_kind<sum>} : vector<16xi1> -> vector<16xi32>
        %slice3A_396 = vector.extract_strided_slice %all_reduce_population_count3A_395 {offsets = [0], sizes = [1], strides = [1]} : vector<16xi32> to vector<1xi32>
        %squeeze3A_397 = vector.extract %slice3A_396[0] : i32 from vector<1xi32>
        %swap3A_398 = arith.constant 0 : index
        %swap3A_399 = tpu.vector_load %arg25[%swap3A_398] {strides = array<i32>} : memref<48xi32, #tpu.memory_space<vmem>>, vector<16xi32>,
        tpu.vector_store %arg25[%swap3A_398], %sub3A_390 {strides = array<i32>} : memref<48xi32, #tpu.memory_space<vmem>>, vector<16xi32>,
        %sub3A_400 = arith.constant 1 : i32
        %sub3A_401 = arith.subi %squeeze3A_397, %sub3A_400 : i32
        %max3A_402 = arith.constant 0 : i32
        %max3A_403 = arith.maxsi %sub3A_401, %max3A_402 : i32
        %get3A_404 = arith.index_cast %max3A_403 : i32 to index
        %get3A_405 = tpu.vector_load %arg25[%get3A_404] {strides = array<i32>} : memref<48xi32, #tpu.memory_space<vmem>>, vector<16xi32>,
        %slice3A_406 = vector.extract_strided_slice %get3A_405 {offsets = [0], sizes = [1], strides = [1]} : vector<16xi32> to vector<1xi32>
        %squeeze3A_407 = vector.extract %slice3A_406[0] : i32 from vector<1xi32>
        %gt3A_408 = arith.constant 0 : i32
        %gt3A_409 = arith.cmpi sgt, %squeeze3A_397, %gt3A_408 : i32
        %mul3A_410 = arith.constant 16 : i32
        %mul3A_411 = arith.muli %scan3A_377, %mul3A_410 : i32
        %add3A_412 = arith.addi %mul3A_411, %squeeze3A_397 : i32
        %sub3A_413 = arith.constant 1 : i32
        %sub3A_414 = arith.subi %add3A_412, %sub3A_413 : i32
        %select_n3A_415 = arith.select %gt3A_409, %sub3A_414, %scan3A_379 : i32
        %select_n3A_416 = arith.select %gt3A_409, %squeeze3A_407, %scan3A_380 : i32
        %slice3A_417 = vector.extract_strided_slice %masked_cumsum3A_387 {offsets = [15], sizes = [1], strides = [1]} : vector<16xi32> to vector<1xi32>
        %squeeze3A_418 = vector.extract %slice3A_417[0] : i32 from vector<1xi32>
        %add3A_419 = arith.addi %scan3A_378, %squeeze3A_418 : i32
        scf.yield %add3A_419, %select_n3A_415, %select_n3A_416 : i32, i32, i32
      }
      %scan3A_122 = arith.constant 256 : i32
      %get3A_123 = arith.index_cast %scan3A_121#1 : i32 to index
      %get3A_124 = tpu.vector_load %arg9[%get3A_123] {strides = array<i32>} : memref<4112xi32, #tpu.memory_space<vmem>>, vector<16xi32>,
      %slice3A_125 = vector.extract_strided_slice %get3A_124 {offsets = [0], sizes = [1], strides = [1]} : vector<16xi32> to vector<1xi32>
      %squeeze3A_126 = vector.extract %slice3A_125[0] : i32 from vector<1xi32>
      %sub3A_127 = arith.subi %squeeze3A_86, %scan3A_121#2 : i32
      %sub3A_128 = arith.subi %sub3A_127, %squeeze3A_126 : i32
      %sub3A_129 = arith.subi %sub3A_90, %sub3A_128 : i32
      %add3A_130 = arith.constant 239665 : i32
      %add3A_131 = arith.addi %add3A_76, %add3A_130 : i32
      %shift_left3A = arith.constant 12 : i32
      %shift_left3A_132 = arith.shli %add3A_131, %shift_left3A : i32
      %or3A = arith.ori %shift_left3A_132, %scan3A_121#1 : i32
      %not3A = arith.constant -1 : i32
      %not3A_133 = arith.xori %or3A, %not3A : i32
      %add3A_134 = arith.constant 15 : i32
      %add3A_135 = arith.addi %min3A_113, %add3A_134 : i32
      %shift_right_arithmetic3A = arith.constant 4 : i32
      %shift_right_arithmetic3A_136 = arith.shrsi %add3A_135, %shift_right_arithmetic3A : i32
      %while3A = arith.constant 0 : i32
      %while3A_137 = arith.constant 0 : i32
      %while3A_138 = arith.constant 0 : i32
      %while3A_139 = arith.subi %shift_right_arithmetic3A_136, %while3A : i32
      %while3A_140 = arith.addi %while3A, %while3A_139 : i32
      %while3A_141 = arith.constant 1 : i32
      %while3A_142 = arith.divsi %while3A_139, %while3A_141 : i32
      %while3A_143 = arith.muli %while3A_142, %while3A_141 : i32
      %while3A_144 = arith.addi %while3A, %while3A_143 : i32
      %while3A_145 = arith.constant 1 : i32
      %while3A_146:2 = scf.for %while3A_377 = %while3A to %while3A_144 step %while3A_145 iter_args(%while3A_378 = %while3A_137, %while3A_379 = %while3A_138) -> (i32, i32)  : i32 {
        %mul3A_380 = arith.constant 16 : i32
        %mul3A_381 = arith.muli %while3A_377, %mul3A_380 : i32
        %get3A_382 = arith.index_cast %mul3A_381 : i32 to index
        %get3A_383 = tpu.vector_load %arg26[%get3A_382] {strides = array<i32>} : memref<8208xi32, #tpu.memory_space<vmem>>, vector<16xi32>,
        %get3A_384 = arith.index_cast %mul3A_381 : i32 to index
        %get3A_385 = tpu.vector_load %arg27[%get3A_384] {strides = array<i32>} : memref<8208xi32, #tpu.memory_space<vmem>>, vector<16xi32>,
        %add3A_386 = vector.broadcast %mul3A_381 : i32 to vector<16xi32>
        %add3A_387 = arith.addi %add3A_386, %iota3A : vector<16xi32>
        %lt3A_388 = vector.broadcast %min3A_113 : i32 to vector<16xi32>
        %lt3A_389 = arith.cmpi slt, %add3A_387, %lt3A_388 : vector<16xi32>
        %gt3A_390 = vector.broadcast %or3A : i32 to vector<16xi32>
        %gt3A_391 = arith.cmpi sgt, %get3A_383, %gt3A_390 : vector<16xi32>
        %and3A = arith.andi %gt3A_391, %lt3A_389 : vector<16xi1>
        %eq3A = vector.broadcast %or3A : i32 to vector<16xi32>
        %eq3A_392 = arith.cmpi eq, %get3A_383, %eq3A : vector<16xi32>
        %and3A_393 = arith.andi %eq3A_392, %lt3A_389 : vector<16xi1>
        %not3A_394 = arith.constant dense<-1> : vector<16xi32>
        %not3A_395 = arith.xori %get3A_383, %not3A_394 : vector<16xi32>
        %swap3A_396 = arith.index_cast %while3A_378 : i32 to index
        %swap3A_397 = tpu.vector_load %arg11[%swap3A_396] masked %and3A {strides = array<i32>} : memref<4128xi32, #tpu.memory_space<vmem>>, vector<16xi32>, vector<16xi1>
        tpu.vector_store %arg11[%swap3A_396], %not3A_395 masked %and3A {strides = array<i32>} : memref<4128xi32, #tpu.memory_space<vmem>>, vector<16xi32>, vector<16xi1>
        %swap3A_398 = arith.index_cast %while3A_378 : i32 to index
        %swap3A_399 = tpu.vector_load %arg12[%swap3A_398] masked %and3A {strides = array<i32>} : memref<4128xi32, #tpu.memory_space<vmem>>, vector<16xi32>, vector<16xi1>
        tpu.vector_store %arg12[%swap3A_398], %get3A_385 masked %and3A {strides = array<i32>} : memref<4128xi32, #tpu.memory_space<vmem>>, vector<16xi32>, vector<16xi1>
        %all_reduce_population_count3A_400 = tpu.all_reduce %and3A {dim = 0 : i64, kind = #tpu.reduction_kind<sum>} : vector<16xi1> -> vector<16xi32>
        %slice3A_401 = vector.extract_strided_slice %all_reduce_population_count3A_400 {offsets = [0], sizes = [1], strides = [1]} : vector<16xi32> to vector<1xi32>
        %squeeze3A_402 = vector.extract %slice3A_401[0] : i32 from vector<1xi32>
        %add3A_403 = arith.addi %while3A_378, %squeeze3A_402 : i32
        %min3A_404 = arith.constant 4096 : i32
        %min3A_405 = arith.minsi %while3A_379, %min3A_404 : i32
        %swap3A_406 = arith.index_cast %min3A_405 : i32 to index
        %swap3A_407 = tpu.vector_load %arg15[%swap3A_406] masked %and3A_393 {strides = array<i32>} : memref<4128xi32, #tpu.memory_space<vmem>>, vector<16xi32>, vector<16xi1>
        tpu.vector_store %arg15[%swap3A_406], %get3A_385 masked %and3A_393 {strides = array<i32>} : memref<4128xi32, #tpu.memory_space<vmem>>, vector<16xi32>, vector<16xi1>
        %all_reduce_population_count3A_408 = tpu.all_reduce %and3A_393 {dim = 0 : i64, kind = #tpu.reduction_kind<sum>} : vector<16xi1> -> vector<16xi32>
        %slice3A_409 = vector.extract_strided_slice %all_reduce_population_count3A_408 {offsets = [0], sizes = [1], strides = [1]} : vector<16xi32> to vector<1xi32>
        %squeeze3A_410 = vector.extract %slice3A_409[0] : i32 from vector<1xi32>
        %add3A_411 = arith.addi %while3A_379, %squeeze3A_410 : i32
        scf.yield %add3A_403, %add3A_411 : i32, i32
      }
      %while3A_147 = arith.constant 1 : i32
      %while3A_148:2 = scf.for %while3A_377 = %while3A_144 to %while3A_140 step %while3A_147 iter_args(%while3A_378 = %while3A_146#0, %while3A_379 = %while3A_146#1) -> (i32, i32)  : i32 {
        %mul3A_380 = arith.constant 16 : i32
        %mul3A_381 = arith.muli %while3A_377, %mul3A_380 : i32
        %get3A_382 = arith.index_cast %mul3A_381 : i32 to index
        %get3A_383 = tpu.vector_load %arg26[%get3A_382] {strides = array<i32>} : memref<8208xi32, #tpu.memory_space<vmem>>, vector<16xi32>,
        %get3A_384 = arith.index_cast %mul3A_381 : i32 to index
        %get3A_385 = tpu.vector_load %arg27[%get3A_384] {strides = array<i32>} : memref<8208xi32, #tpu.memory_space<vmem>>, vector<16xi32>,
        %add3A_386 = vector.broadcast %mul3A_381 : i32 to vector<16xi32>
        %add3A_387 = arith.addi %add3A_386, %iota3A : vector<16xi32>
        %lt3A_388 = vector.broadcast %min3A_113 : i32 to vector<16xi32>
        %lt3A_389 = arith.cmpi slt, %add3A_387, %lt3A_388 : vector<16xi32>
        %gt3A_390 = vector.broadcast %or3A : i32 to vector<16xi32>
        %gt3A_391 = arith.cmpi sgt, %get3A_383, %gt3A_390 : vector<16xi32>
        %and3A = arith.andi %gt3A_391, %lt3A_389 : vector<16xi1>
        %eq3A = vector.broadcast %or3A : i32 to vector<16xi32>
        %eq3A_392 = arith.cmpi eq, %get3A_383, %eq3A : vector<16xi32>
        %and3A_393 = arith.andi %eq3A_392, %lt3A_389 : vector<16xi1>
        %not3A_394 = arith.constant dense<-1> : vector<16xi32>
        %not3A_395 = arith.xori %get3A_383, %not3A_394 : vector<16xi32>
        %swap3A_396 = arith.index_cast %while3A_378 : i32 to index
        %swap3A_397 = tpu.vector_load %arg11[%swap3A_396] masked %and3A {strides = array<i32>} : memref<4128xi32, #tpu.memory_space<vmem>>, vector<16xi32>, vector<16xi1>
        tpu.vector_store %arg11[%swap3A_396], %not3A_395 masked %and3A {strides = array<i32>} : memref<4128xi32, #tpu.memory_space<vmem>>, vector<16xi32>, vector<16xi1>
        %swap3A_398 = arith.index_cast %while3A_378 : i32 to index
        %swap3A_399 = tpu.vector_load %arg12[%swap3A_398] masked %and3A {strides = array<i32>} : memref<4128xi32, #tpu.memory_space<vmem>>, vector<16xi32>, vector<16xi1>
        tpu.vector_store %arg12[%swap3A_398], %get3A_385 masked %and3A {strides = array<i32>} : memref<4128xi32, #tpu.memory_space<vmem>>, vector<16xi32>, vector<16xi1>
        %all_reduce_population_count3A_400 = tpu.all_reduce %and3A {dim = 0 : i64, kind = #tpu.reduction_kind<sum>} : vector<16xi1> -> vector<16xi32>
        %slice3A_401 = vector.extract_strided_slice %all_reduce_population_count3A_400 {offsets = [0], sizes = [1], strides = [1]} : vector<16xi32> to vector<1xi32>
        %squeeze3A_402 = vector.extract %slice3A_401[0] : i32 from vector<1xi32>
        %add3A_403 = arith.addi %while3A_378, %squeeze3A_402 : i32
        %min3A_404 = arith.constant 4096 : i32
        %min3A_405 = arith.minsi %while3A_379, %min3A_404 : i32
        %swap3A_406 = arith.index_cast %min3A_405 : i32 to index
        %swap3A_407 = tpu.vector_load %arg15[%swap3A_406] masked %and3A_393 {strides = array<i32>} : memref<4128xi32, #tpu.memory_space<vmem>>, vector<16xi32>, vector<16xi1>
        tpu.vector_store %arg15[%swap3A_406], %get3A_385 masked %and3A_393 {strides = array<i32>} : memref<4128xi32, #tpu.memory_space<vmem>>, vector<16xi32>, vector<16xi1>
        %all_reduce_population_count3A_408 = tpu.all_reduce %and3A_393 {dim = 0 : i64, kind = #tpu.reduction_kind<sum>} : vector<16xi1> -> vector<16xi32>
        %slice3A_409 = vector.extract_strided_slice %all_reduce_population_count3A_408 {offsets = [0], sizes = [1], strides = [1]} : vector<16xi32> to vector<1xi32>
        %squeeze3A_410 = vector.extract %slice3A_409[0] : i32 from vector<1xi32>
        %add3A_411 = arith.addi %while3A_379, %squeeze3A_410 : i32
        scf.yield %add3A_403, %add3A_411 : i32, i32
      }
      %min3A_149 = arith.constant 4096 : i32
      %min3A_150 = arith.minsi %while3A_148#1, %min3A_149 : i32
      %max3A_151 = arith.constant 0 : i32
      %max3A_152 = arith.maxsi %sub3A_129, %max3A_151 : i32
      %min3A_153 = arith.minsi %max3A_152, %min3A_150 : i32
      %add3A_154 = arith.constant 15 : i32
      %add3A_155 = arith.addi %min3A_153, %add3A_154 : i32
      %shift_right_arithmetic3A_156 = arith.constant 4 : i32
      %shift_right_arithmetic3A_157 = arith.shrsi %add3A_155, %shift_right_arithmetic3A_156 : i32
      %while3A_158 = arith.constant 0 : i32
      %while3A_159 = arith.constant 0 : i32
      %while3A_160 = arith.subi %shift_right_arithmetic3A_157, %while3A_158 : i32
      %while3A_161 = arith.addi %while3A_158, %while3A_160 : i32
      %while3A_162 = arith.constant 1 : i32
      %while3A_163 = arith.divsi %while3A_160, %while3A_162 : i32
      %while3A_164 = arith.muli %while3A_163, %while3A_162 : i32
      %while3A_165 = arith.addi %while3A_158, %while3A_164 : i32
      %while3A_166 = arith.constant 1 : i32
      %while3A_167 = scf.for %while3A_377 = %while3A_158 to %while3A_165 step %while3A_166 iter_args(%while3A_378 = %while3A_159) -> (i32)  : i32 {
        %mul3A_379 = arith.constant 16 : i32
        %mul3A_380 = arith.muli %while3A_377, %mul3A_379 : i32
        %get3A_381 = arith.index_cast %mul3A_380 : i32 to index
        %get3A_382 = tpu.vector_load %arg15[%get3A_381] {strides = array<i32>} : memref<4128xi32, #tpu.memory_space<vmem>>, vector<16xi32>,
        %add3A_383 = vector.broadcast %mul3A_380 : i32 to vector<16xi32>
        %add3A_384 = arith.addi %add3A_383, %iota3A : vector<16xi32>
        %lt3A_385 = vector.broadcast %min3A_153 : i32 to vector<16xi32>
        %lt3A_386 = arith.cmpi slt, %add3A_384, %lt3A_385 : vector<16xi32>
        %add3A_387 = arith.addi %while3A_148#0, %mul3A_380 : i32
        %broadcast_in_dim3A_388 = arith.constant 0 : i32
        %broadcast_in_dim3A_389 = vector.broadcast %broadcast_in_dim3A_388 : i32 to vector<16xi32>
        %add3A_390 = vector.broadcast %not3A_133 : i32 to vector<16xi32>
        %add3A_391 = arith.addi %broadcast_in_dim3A_389, %add3A_390 : vector<16xi32>
        %swap3A_392 = arith.index_cast %add3A_387 : i32 to index
        %swap3A_393 = tpu.vector_load %arg11[%swap3A_392] masked %lt3A_386 {strides = array<i32>} : memref<4128xi32, #tpu.memory_space<vmem>>, vector<16xi32>, vector<16xi1>
        tpu.vector_store %arg11[%swap3A_392], %add3A_391 masked %lt3A_386 {strides = array<i32>} : memref<4128xi32, #tpu.memory_space<vmem>>, vector<16xi32>, vector<16xi1>
        %add3A_394 = arith.addi %while3A_148#0, %mul3A_380 : i32
        %swap3A_395 = arith.index_cast %add3A_394 : i32 to index
        %swap3A_396 = tpu.vector_load %arg12[%swap3A_395] masked %lt3A_386 {strides = array<i32>} : memref<4128xi32, #tpu.memory_space<vmem>>, vector<16xi32>, vector<16xi1>
        tpu.vector_store %arg12[%swap3A_395], %get3A_382 masked %lt3A_386 {strides = array<i32>} : memref<4128xi32, #tpu.memory_space<vmem>>, vector<16xi32>, vector<16xi1>
        %while3A_397 = arith.constant 0 : i32
        scf.yield %while3A_397 : i32
      }
      %while3A_168 = arith.constant 1 : i32
      %while3A_169 = scf.for %while3A_377 = %while3A_165 to %while3A_161 step %while3A_168 iter_args(%while3A_378 = %while3A_167) -> (i32)  : i32 {
        %mul3A_379 = arith.constant 16 : i32
        %mul3A_380 = arith.muli %while3A_377, %mul3A_379 : i32
        %get3A_381 = arith.index_cast %mul3A_380 : i32 to index
        %get3A_382 = tpu.vector_load %arg15[%get3A_381] {strides = array<i32>} : memref<4128xi32, #tpu.memory_space<vmem>>, vector<16xi32>,
        %add3A_383 = vector.broadcast %mul3A_380 : i32 to vector<16xi32>
        %add3A_384 = arith.addi %add3A_383, %iota3A : vector<16xi32>
        %lt3A_385 = vector.broadcast %min3A_153 : i32 to vector<16xi32>
        %lt3A_386 = arith.cmpi slt, %add3A_384, %lt3A_385 : vector<16xi32>
        %add3A_387 = arith.addi %while3A_148#0, %mul3A_380 : i32
        %broadcast_in_dim3A_388 = arith.constant 0 : i32
        %broadcast_in_dim3A_389 = vector.broadcast %broadcast_in_dim3A_388 : i32 to vector<16xi32>
        %add3A_390 = vector.broadcast %not3A_133 : i32 to vector<16xi32>
        %add3A_391 = arith.addi %broadcast_in_dim3A_389, %add3A_390 : vector<16xi32>
        %swap3A_392 = arith.index_cast %add3A_387 : i32 to index
        %swap3A_393 = tpu.vector_load %arg11[%swap3A_392] masked %lt3A_386 {strides = array<i32>} : memref<4128xi32, #tpu.memory_space<vmem>>, vector<16xi32>, vector<16xi1>
        tpu.vector_store %arg11[%swap3A_392], %add3A_391 masked %lt3A_386 {strides = array<i32>} : memref<4128xi32, #tpu.memory_space<vmem>>, vector<16xi32>, vector<16xi1>
        %add3A_394 = arith.addi %while3A_148#0, %mul3A_380 : i32
        %swap3A_395 = arith.index_cast %add3A_394 : i32 to index
        %swap3A_396 = tpu.vector_load %arg12[%swap3A_395] masked %lt3A_386 {strides = array<i32>} : memref<4128xi32, #tpu.memory_space<vmem>>, vector<16xi32>, vector<16xi1>
        tpu.vector_store %arg12[%swap3A_395], %get3A_382 masked %lt3A_386 {strides = array<i32>} : memref<4128xi32, #tpu.memory_space<vmem>>, vector<16xi32>, vector<16xi1>
        %while3A_397 = arith.constant 0 : i32
        scf.yield %while3A_397 : i32
      }
      %add3A_170 = arith.addi %while3A_148#0, %min3A_153 : i32
      %broadcast_in_dim3A_171 = arith.constant -1 : i32
      %broadcast_in_dim3A_172 = vector.broadcast %broadcast_in_dim3A_171 : i32 to vector<16xi32>
      %swap3A_173 = arith.index_cast %add3A_170 : i32 to index
      %swap3A_174 = tpu.vector_load %arg11[%swap3A_173] {strides = array<i32>} : memref<4128xi32, #tpu.memory_space<vmem>>, vector<16xi32>,
      tpu.vector_store %arg11[%swap3A_173], %broadcast_in_dim3A_172 {strides = array<i32>} : memref<4128xi32, #tpu.memory_space<vmem>>, vector<16xi32>,
      %swap3A_175 = arith.index_cast %add3A_170 : i32 to index
      %swap3A_176 = tpu.vector_load %arg12[%swap3A_175] {strides = array<i32>} : memref<4128xi32, #tpu.memory_space<vmem>>, vector<16xi32>,
      tpu.vector_store %arg12[%swap3A_175], %broadcast_in_dim3A_5 {strides = array<i32>} : memref<4128xi32, #tpu.memory_space<vmem>>, vector<16xi32>,
      %add3A_177 = arith.constant 15 : i32
      %add3A_178 = arith.addi %add3A_170, %add3A_177 : i32
      %shift_right_arithmetic3A_179 = arith.constant 4 : i32
      %shift_right_arithmetic3A_180 = arith.shrsi %add3A_178, %shift_right_arithmetic3A_179 : i32
      %scan3A_181 = arith.constant 0 : i32
      %scan3A_182 = arith.constant 0 : i32
      %scan3A_183 = arith.constant 16 : i32
      %scan3A_184 = arith.addi %scan3A_182, %scan3A_183 : i32
      %scan3A_185 = arith.constant 1 : i32
      %scan3A_186 = scf.for %scan3A_377 = %scan3A_182 to %scan3A_184 step %scan3A_185 iter_args(%scan3A_378 = %scan3A_181) -> (i32)  : i32 {
        %mul3A_379 = arith.constant 16 : i32
        %mul3A_380 = arith.muli %scan3A_377, %mul3A_379 : i32
        %swap3A_381 = arith.index_cast %mul3A_380 : i32 to index
        %swap3A_382 = tpu.vector_load %arg10[%swap3A_381] {strides = array<i32>} : memref<272xi32, #tpu.memory_space<vmem>>, vector<16xi32>,
        tpu.vector_store %arg10[%swap3A_381], %broadcast_in_dim3A_5 {strides = array<i32>} : memref<272xi32, #tpu.memory_space<vmem>>, vector<16xi32>,
        %scan3A_383 = arith.constant 0 : i32
        scf.yield %scan3A_383 : i32
      }
      %scan3A_187 = arith.constant 16 : i32
      %while3A_188 = arith.constant 0 : i32
      %while3A_189 = arith.constant 0 : i32
      %while3A_190 = arith.subi %shift_right_arithmetic3A_180, %while3A_188 : i32
      %while3A_191 = arith.addi %while3A_188, %while3A_190 : i32
      %while3A_192 = arith.constant 1 : i32
      %while3A_193 = arith.divsi %while3A_190, %while3A_192 : i32
      %while3A_194 = arith.muli %while3A_193, %while3A_192 : i32
      %while3A_195 = arith.addi %while3A_188, %while3A_194 : i32
      %while3A_196 = arith.constant 1 : i32
      %while3A_197 = scf.for %while3A_377 = %while3A_188 to %while3A_195 step %while3A_196 iter_args(%while3A_378 = %while3A_189) -> (i32)  : i32 {
        %mul3A_379 = arith.constant 16 : i32
        %mul3A_380 = arith.muli %while3A_377, %mul3A_379 : i32
        %get3A_381 = arith.index_cast %mul3A_380 : i32 to index
        %get3A_382 = tpu.vector_load %arg11[%get3A_381] {strides = array<i32>} : memref<4128xi32, #tpu.memory_space<vmem>>, vector<16xi32>,
        %shift_right_logical3A = arith.constant 0 : i32
        %shift_right_logical3A_383 = vector.broadcast %shift_right_logical3A : i32 to vector<16xi32>
        %shift_right_logical3A_384 = arith.shrui %get3A_382, %shift_right_logical3A_383 : vector<16xi32>
        %and3A = arith.constant 255 : i32
        %and3A_385 = vector.broadcast %and3A : i32 to vector<16xi32>
        %and3A_386 = arith.andi %shift_right_logical3A_384, %and3A_385 : vector<16xi32>
        tpu.vector_store_idx %arg10[%and3A_386], %broadcast_in_dim3A_3 {add = true} : memref<272xi32, #tpu.memory_space<vmem>>[vector<16xi32>], vector<16xi32>,
        %while3A_387 = arith.constant 0 : i32
        scf.yield %while3A_387 : i32
      }
      %while3A_198 = arith.constant 1 : i32
      %while3A_199 = scf.for %while3A_377 = %while3A_195 to %while3A_191 step %while3A_198 iter_args(%while3A_378 = %while3A_197) -> (i32)  : i32 {
        %mul3A_379 = arith.constant 16 : i32
        %mul3A_380 = arith.muli %while3A_377, %mul3A_379 : i32
        %get3A_381 = arith.index_cast %mul3A_380 : i32 to index
        %get3A_382 = tpu.vector_load %arg11[%get3A_381] {strides = array<i32>} : memref<4128xi32, #tpu.memory_space<vmem>>, vector<16xi32>,
        %shift_right_logical3A = arith.constant 0 : i32
        %shift_right_logical3A_383 = vector.broadcast %shift_right_logical3A : i32 to vector<16xi32>
        %shift_right_logical3A_384 = arith.shrui %get3A_382, %shift_right_logical3A_383 : vector<16xi32>
        %and3A = arith.constant 255 : i32
        %and3A_385 = vector.broadcast %and3A : i32 to vector<16xi32>
        %and3A_386 = arith.andi %shift_right_logical3A_384, %and3A_385 : vector<16xi32>
        tpu.vector_store_idx %arg10[%and3A_386], %broadcast_in_dim3A_3 {add = true} : memref<272xi32, #tpu.memory_space<vmem>>[vector<16xi32>], vector<16xi32>,
        %while3A_387 = arith.constant 0 : i32
        scf.yield %while3A_387 : i32
      }
      %scan3A_200 = arith.constant 0 : i32
      %scan3A_201 = arith.constant 0 : i32
      %scan3A_202 = arith.constant 16 : i32
      %scan3A_203 = arith.addi %scan3A_201, %scan3A_202 : i32
      %scan3A_204 = arith.constant 1 : i32
      %scan3A_205 = scf.for %scan3A_377 = %scan3A_201 to %scan3A_203 step %scan3A_204 iter_args(%scan3A_378 = %scan3A_200) -> (i32)  : i32 {
        %mul3A_379 = arith.constant 16 : i32
        %mul3A_380 = arith.muli %scan3A_377, %mul3A_379 : i32
        %get3A_381 = arith.index_cast %mul3A_380 : i32 to index
        %get3A_382 = tpu.vector_load %arg10[%get3A_381] {strides = array<i32>} : memref<272xi32, #tpu.memory_space<vmem>>, vector<16xi32>,
        %broadcast_in_dim3A_383 = arith.constant true
        %broadcast_in_dim3A_384 = vector.broadcast %broadcast_in_dim3A_383 : i1 to vector<16xi1>
        %masked_cumsum3A_385 = tpu.scan <sum>, %get3A_382 masked %broadcast_in_dim3A_384 : vector<16xi32>, vector<16xi1> -> vector<16xi32>
        %add3A_386 = vector.broadcast %scan3A_378 : i32 to vector<16xi32>
        %add3A_387 = arith.addi %add3A_386, %masked_cumsum3A_385 : vector<16xi32>
        %sub3A_388 = arith.subi %add3A_387, %get3A_382 : vector<16xi32>
        %mul3A_389 = arith.constant 16 : i32
        %mul3A_390 = arith.muli %scan3A_377, %mul3A_389 : i32
        %swap3A_391 = arith.index_cast %mul3A_390 : i32 to index
        %swap3A_392 = tpu.vector_load %arg10[%swap3A_391] {strides = array<i32>} : memref<272xi32, #tpu.memory_space<vmem>>, vector<16xi32>,
        tpu.vector_store %arg10[%swap3A_391], %sub3A_388 {strides = array<i32>} : memref<272xi32, #tpu.memory_space<vmem>>, vector<16xi32>,
        %slice3A_393 = vector.extract_strided_slice %masked_cumsum3A_385 {offsets = [15], sizes = [1], strides = [1]} : vector<16xi32> to vector<1xi32>
        %squeeze3A_394 = vector.extract %slice3A_393[0] : i32 from vector<1xi32>
        %add3A_395 = arith.addi %scan3A_378, %squeeze3A_394 : i32
        scf.yield %add3A_395 : i32
      }
      %scan3A_206 = arith.constant 16 : i32
      %while3A_207 = arith.constant 0 : i32
      %while3A_208 = arith.constant 0 : i32
      %while3A_209 = arith.subi %shift_right_arithmetic3A_180, %while3A_207 : i32
      %while3A_210 = arith.addi %while3A_207, %while3A_209 : i32
      %while3A_211 = arith.constant 1 : i32
      %while3A_212 = arith.divsi %while3A_209, %while3A_211 : i32
      %while3A_213 = arith.muli %while3A_212, %while3A_211 : i32
      %while3A_214 = arith.addi %while3A_207, %while3A_213 : i32
      %while3A_215 = arith.constant 1 : i32
      %while3A_216 = scf.for %while3A_377 = %while3A_207 to %while3A_214 step %while3A_215 iter_args(%while3A_378 = %while3A_208) -> (i32)  : i32 {
        %mul3A_379 = arith.constant 16 : i32
        %mul3A_380 = arith.muli %while3A_377, %mul3A_379 : i32
        %get3A_381 = arith.index_cast %mul3A_380 : i32 to index
        %get3A_382 = tpu.vector_load %arg11[%get3A_381] {strides = array<i32>} : memref<4128xi32, #tpu.memory_space<vmem>>, vector<16xi32>,
        %mul3A_383 = arith.constant 16 : i32
        %mul3A_384 = arith.muli %while3A_377, %mul3A_383 : i32
        %get3A_385 = arith.index_cast %mul3A_384 : i32 to index
        %get3A_386 = tpu.vector_load %arg12[%get3A_385] {strides = array<i32>} : memref<4128xi32, #tpu.memory_space<vmem>>, vector<16xi32>,
        %shift_right_logical3A = arith.constant 0 : i32
        %shift_right_logical3A_387 = vector.broadcast %shift_right_logical3A : i32 to vector<16xi32>
        %shift_right_logical3A_388 = arith.shrui %get3A_382, %shift_right_logical3A_387 : vector<16xi32>
        %and3A = arith.constant 255 : i32
        %and3A_389 = vector.broadcast %and3A : i32 to vector<16xi32>
        %and3A_390 = arith.andi %shift_right_logical3A_388, %and3A_389 : vector<16xi32>
        %broadcast_in_dim3A_391 = arith.constant true
        %broadcast_in_dim3A_392 = vector.broadcast %broadcast_in_dim3A_391 : i1 to vector<16xi1>
        %unique3A, %unique3A_393 = tpu.scan_count mask(%broadcast_in_dim3A_392 : vector<16xi1>) value(%and3A_390 : vector<16xi32>) : vector<16xi1>, vector<16xi32>
        %gather3A = tpu.vector_load_idx %arg10[%and3A_390] : memref<272xi32, #tpu.memory_space<vmem>>[vector<16xi32>], vector<16xi32>,
        %add3A_394 = arith.addi %gather3A, %unique3A_393 : vector<16xi32>
        %sub3A_395 = arith.constant 1 : i32
        %sub3A_396 = vector.broadcast %sub3A_395 : i32 to vector<16xi32>
        %sub3A_397 = arith.subi %add3A_394, %sub3A_396 : vector<16xi32>
        tpu.vector_store_idx %arg13[%sub3A_397], %get3A_382 : memref<4128xi32, #tpu.memory_space<vmem>>[vector<16xi32>], vector<16xi32>,
        tpu.vector_store_idx %arg14[%sub3A_397], %get3A_386 : memref<4128xi32, #tpu.memory_space<vmem>>[vector<16xi32>], vector<16xi32>,
        tpu.vector_store_idx %arg10[%and3A_390], %unique3A_393 masked %unique3A {add = true} : memref<272xi32, #tpu.memory_space<vmem>>[vector<16xi32>], vector<16xi32>, vector<16xi1>
        %while3A_398 = arith.constant 0 : i32
        scf.yield %while3A_398 : i32
      }
      %while3A_217 = arith.constant 1 : i32
      %while3A_218 = scf.for %while3A_377 = %while3A_214 to %while3A_210 step %while3A_217 iter_args(%while3A_378 = %while3A_216) -> (i32)  : i32 {
        %mul3A_379 = arith.constant 16 : i32
        %mul3A_380 = arith.muli %while3A_377, %mul3A_379 : i32
        %get3A_381 = arith.index_cast %mul3A_380 : i32 to index
        %get3A_382 = tpu.vector_load %arg11[%get3A_381] {strides = array<i32>} : memref<4128xi32, #tpu.memory_space<vmem>>, vector<16xi32>,
        %mul3A_383 = arith.constant 16 : i32
        %mul3A_384 = arith.muli %while3A_377, %mul3A_383 : i32
        %get3A_385 = arith.index_cast %mul3A_384 : i32 to index
        %get3A_386 = tpu.vector_load %arg12[%get3A_385] {strides = array<i32>} : memref<4128xi32, #tpu.memory_space<vmem>>, vector<16xi32>,
        %shift_right_logical3A = arith.constant 0 : i32
        %shift_right_logical3A_387 = vector.broadcast %shift_right_logical3A : i32 to vector<16xi32>
        %shift_right_logical3A_388 = arith.shrui %get3A_382, %shift_right_logical3A_387 : vector<16xi32>
        %and3A = arith.constant 255 : i32
        %and3A_389 = vector.broadcast %and3A : i32 to vector<16xi32>
        %and3A_390 = arith.andi %shift_right_logical3A_388, %and3A_389 : vector<16xi32>
        %broadcast_in_dim3A_391 = arith.constant true
        %broadcast_in_dim3A_392 = vector.broadcast %broadcast_in_dim3A_391 : i1 to vector<16xi1>
        %unique3A, %unique3A_393 = tpu.scan_count mask(%broadcast_in_dim3A_392 : vector<16xi1>) value(%and3A_390 : vector<16xi32>) : vector<16xi1>, vector<16xi32>
        %gather3A = tpu.vector_load_idx %arg10[%and3A_390] : memref<272xi32, #tpu.memory_space<vmem>>[vector<16xi32>], vector<16xi32>,
        %add3A_394 = arith.addi %gather3A, %unique3A_393 : vector<16xi32>
        %sub3A_395 = arith.constant 1 : i32
        %sub3A_396 = vector.broadcast %sub3A_395 : i32 to vector<16xi32>
        %sub3A_397 = arith.subi %add3A_394, %sub3A_396 : vector<16xi32>
        tpu.vector_store_idx %arg13[%sub3A_397], %get3A_382 : memref<4128xi32, #tpu.memory_space<vmem>>[vector<16xi32>], vector<16xi32>,
        tpu.vector_store_idx %arg14[%sub3A_397], %get3A_386 : memref<4128xi32, #tpu.memory_space<vmem>>[vector<16xi32>], vector<16xi32>,
        tpu.vector_store_idx %arg10[%and3A_390], %unique3A_393 masked %unique3A {add = true} : memref<272xi32, #tpu.memory_space<vmem>>[vector<16xi32>], vector<16xi32>, vector<16xi1>
        %while3A_398 = arith.constant 0 : i32
        scf.yield %while3A_398 : i32
      }
      %scan3A_219 = arith.constant 0 : i32
      %scan3A_220 = arith.constant 0 : i32
      %scan3A_221 = arith.constant 16 : i32
      %scan3A_222 = arith.addi %scan3A_220, %scan3A_221 : i32
      %scan3A_223 = arith.constant 1 : i32
      %scan3A_224 = scf.for %scan3A_377 = %scan3A_220 to %scan3A_222 step %scan3A_223 iter_args(%scan3A_378 = %scan3A_219) -> (i32)  : i32 {
        %mul3A_379 = arith.constant 16 : i32
        %mul3A_380 = arith.muli %scan3A_377, %mul3A_379 : i32
        %swap3A_381 = arith.index_cast %mul3A_380 : i32 to index
        %swap3A_382 = tpu.vector_load %arg10[%swap3A_381] {strides = array<i32>} : memref<272xi32, #tpu.memory_space<vmem>>, vector<16xi32>,
        tpu.vector_store %arg10[%swap3A_381], %broadcast_in_dim3A_5 {strides = array<i32>} : memref<272xi32, #tpu.memory_space<vmem>>, vector<16xi32>,
        %scan3A_383 = arith.constant 0 : i32
        scf.yield %scan3A_383 : i32
      }
      %scan3A_225 = arith.constant 16 : i32
      %while3A_226 = arith.constant 0 : i32
      %while3A_227 = arith.constant 0 : i32
      %while3A_228 = arith.subi %shift_right_arithmetic3A_180, %while3A_226 : i32
      %while3A_229 = arith.addi %while3A_226, %while3A_228 : i32
      %while3A_230 = arith.constant 1 : i32
      %while3A_231 = arith.divsi %while3A_228, %while3A_230 : i32
      %while3A_232 = arith.muli %while3A_231, %while3A_230 : i32
      %while3A_233 = arith.addi %while3A_226, %while3A_232 : i32
      %while3A_234 = arith.constant 1 : i32
      %while3A_235 = scf.for %while3A_377 = %while3A_226 to %while3A_233 step %while3A_234 iter_args(%while3A_378 = %while3A_227) -> (i32)  : i32 {
        %mul3A_379 = arith.constant 16 : i32
        %mul3A_380 = arith.muli %while3A_377, %mul3A_379 : i32
        %get3A_381 = arith.index_cast %mul3A_380 : i32 to index
        %get3A_382 = tpu.vector_load %arg13[%get3A_381] {strides = array<i32>} : memref<4128xi32, #tpu.memory_space<vmem>>, vector<16xi32>,
        %shift_right_logical3A = arith.constant 8 : i32
        %shift_right_logical3A_383 = vector.broadcast %shift_right_logical3A : i32 to vector<16xi32>
        %shift_right_logical3A_384 = arith.shrui %get3A_382, %shift_right_logical3A_383 : vector<16xi32>
        %and3A = arith.constant 255 : i32
        %and3A_385 = vector.broadcast %and3A : i32 to vector<16xi32>
        %and3A_386 = arith.andi %shift_right_logical3A_384, %and3A_385 : vector<16xi32>
        tpu.vector_store_idx %arg10[%and3A_386], %broadcast_in_dim3A_3 {add = true} : memref<272xi32, #tpu.memory_space<vmem>>[vector<16xi32>], vector<16xi32>,
        %while3A_387 = arith.constant 0 : i32
        scf.yield %while3A_387 : i32
      }
      %while3A_236 = arith.constant 1 : i32
      %while3A_237 = scf.for %while3A_377 = %while3A_233 to %while3A_229 step %while3A_236 iter_args(%while3A_378 = %while3A_235) -> (i32)  : i32 {
        %mul3A_379 = arith.constant 16 : i32
        %mul3A_380 = arith.muli %while3A_377, %mul3A_379 : i32
        %get3A_381 = arith.index_cast %mul3A_380 : i32 to index
        %get3A_382 = tpu.vector_load %arg13[%get3A_381] {strides = array<i32>} : memref<4128xi32, #tpu.memory_space<vmem>>, vector<16xi32>,
        %shift_right_logical3A = arith.constant 8 : i32
        %shift_right_logical3A_383 = vector.broadcast %shift_right_logical3A : i32 to vector<16xi32>
        %shift_right_logical3A_384 = arith.shrui %get3A_382, %shift_right_logical3A_383 : vector<16xi32>
        %and3A = arith.constant 255 : i32
        %and3A_385 = vector.broadcast %and3A : i32 to vector<16xi32>
        %and3A_386 = arith.andi %shift_right_logical3A_384, %and3A_385 : vector<16xi32>
        tpu.vector_store_idx %arg10[%and3A_386], %broadcast_in_dim3A_3 {add = true} : memref<272xi32, #tpu.memory_space<vmem>>[vector<16xi32>], vector<16xi32>,
        %while3A_387 = arith.constant 0 : i32
        scf.yield %while3A_387 : i32
      }
      %scan3A_238 = arith.constant 0 : i32
      %scan3A_239 = arith.constant 0 : i32
      %scan3A_240 = arith.constant 16 : i32
      %scan3A_241 = arith.addi %scan3A_239, %scan3A_240 : i32
      %scan3A_242 = arith.constant 1 : i32
      %scan3A_243 = scf.for %scan3A_377 = %scan3A_239 to %scan3A_241 step %scan3A_242 iter_args(%scan3A_378 = %scan3A_238) -> (i32)  : i32 {
        %mul3A_379 = arith.constant 16 : i32
        %mul3A_380 = arith.muli %scan3A_377, %mul3A_379 : i32
        %get3A_381 = arith.index_cast %mul3A_380 : i32 to index
        %get3A_382 = tpu.vector_load %arg10[%get3A_381] {strides = array<i32>} : memref<272xi32, #tpu.memory_space<vmem>>, vector<16xi32>,
        %broadcast_in_dim3A_383 = arith.constant true
        %broadcast_in_dim3A_384 = vector.broadcast %broadcast_in_dim3A_383 : i1 to vector<16xi1>
        %masked_cumsum3A_385 = tpu.scan <sum>, %get3A_382 masked %broadcast_in_dim3A_384 : vector<16xi32>, vector<16xi1> -> vector<16xi32>
        %add3A_386 = vector.broadcast %scan3A_378 : i32 to vector<16xi32>
        %add3A_387 = arith.addi %add3A_386, %masked_cumsum3A_385 : vector<16xi32>
        %sub3A_388 = arith.subi %add3A_387, %get3A_382 : vector<16xi32>
        %mul3A_389 = arith.constant 16 : i32
        %mul3A_390 = arith.muli %scan3A_377, %mul3A_389 : i32
        %swap3A_391 = arith.index_cast %mul3A_390 : i32 to index
        %swap3A_392 = tpu.vector_load %arg10[%swap3A_391] {strides = array<i32>} : memref<272xi32, #tpu.memory_space<vmem>>, vector<16xi32>,
        tpu.vector_store %arg10[%swap3A_391], %sub3A_388 {strides = array<i32>} : memref<272xi32, #tpu.memory_space<vmem>>, vector<16xi32>,
        %slice3A_393 = vector.extract_strided_slice %masked_cumsum3A_385 {offsets = [15], sizes = [1], strides = [1]} : vector<16xi32> to vector<1xi32>
        %squeeze3A_394 = vector.extract %slice3A_393[0] : i32 from vector<1xi32>
        %add3A_395 = arith.addi %scan3A_378, %squeeze3A_394 : i32
        scf.yield %add3A_395 : i32
      }
      %scan3A_244 = arith.constant 16 : i32
      %while3A_245 = arith.constant 0 : i32
      %while3A_246 = arith.constant 0 : i32
      %while3A_247 = arith.subi %shift_right_arithmetic3A_180, %while3A_245 : i32
      %while3A_248 = arith.addi %while3A_245, %while3A_247 : i32
      %while3A_249 = arith.constant 1 : i32
      %while3A_250 = arith.divsi %while3A_247, %while3A_249 : i32
      %while3A_251 = arith.muli %while3A_250, %while3A_249 : i32
      %while3A_252 = arith.addi %while3A_245, %while3A_251 : i32
      %while3A_253 = arith.constant 1 : i32
      %while3A_254 = scf.for %while3A_377 = %while3A_245 to %while3A_252 step %while3A_253 iter_args(%while3A_378 = %while3A_246) -> (i32)  : i32 {
        %mul3A_379 = arith.constant 16 : i32
        %mul3A_380 = arith.muli %while3A_377, %mul3A_379 : i32
        %get3A_381 = arith.index_cast %mul3A_380 : i32 to index
        %get3A_382 = tpu.vector_load %arg13[%get3A_381] {strides = array<i32>} : memref<4128xi32, #tpu.memory_space<vmem>>, vector<16xi32>,
        %mul3A_383 = arith.constant 16 : i32
        %mul3A_384 = arith.muli %while3A_377, %mul3A_383 : i32
        %get3A_385 = arith.index_cast %mul3A_384 : i32 to index
        %get3A_386 = tpu.vector_load %arg14[%get3A_385] {strides = array<i32>} : memref<4128xi32, #tpu.memory_space<vmem>>, vector<16xi32>,
        %shift_right_logical3A = arith.constant 8 : i32
        %shift_right_logical3A_387 = vector.broadcast %shift_right_logical3A : i32 to vector<16xi32>
        %shift_right_logical3A_388 = arith.shrui %get3A_382, %shift_right_logical3A_387 : vector<16xi32>
        %and3A = arith.constant 255 : i32
        %and3A_389 = vector.broadcast %and3A : i32 to vector<16xi32>
        %and3A_390 = arith.andi %shift_right_logical3A_388, %and3A_389 : vector<16xi32>
        %broadcast_in_dim3A_391 = arith.constant true
        %broadcast_in_dim3A_392 = vector.broadcast %broadcast_in_dim3A_391 : i1 to vector<16xi1>
        %unique3A, %unique3A_393 = tpu.scan_count mask(%broadcast_in_dim3A_392 : vector<16xi1>) value(%and3A_390 : vector<16xi32>) : vector<16xi1>, vector<16xi32>
        %gather3A = tpu.vector_load_idx %arg10[%and3A_390] : memref<272xi32, #tpu.memory_space<vmem>>[vector<16xi32>], vector<16xi32>,
        %add3A_394 = arith.addi %gather3A, %unique3A_393 : vector<16xi32>
        %sub3A_395 = arith.constant 1 : i32
        %sub3A_396 = vector.broadcast %sub3A_395 : i32 to vector<16xi32>
        %sub3A_397 = arith.subi %add3A_394, %sub3A_396 : vector<16xi32>
        tpu.vector_store_idx %arg11[%sub3A_397], %get3A_382 : memref<4128xi32, #tpu.memory_space<vmem>>[vector<16xi32>], vector<16xi32>,
        tpu.vector_store_idx %arg12[%sub3A_397], %get3A_386 : memref<4128xi32, #tpu.memory_space<vmem>>[vector<16xi32>], vector<16xi32>,
        tpu.vector_store_idx %arg10[%and3A_390], %unique3A_393 masked %unique3A {add = true} : memref<272xi32, #tpu.memory_space<vmem>>[vector<16xi32>], vector<16xi32>, vector<16xi1>
        %while3A_398 = arith.constant 0 : i32
        scf.yield %while3A_398 : i32
      }
      %while3A_255 = arith.constant 1 : i32
      %while3A_256 = scf.for %while3A_377 = %while3A_252 to %while3A_248 step %while3A_255 iter_args(%while3A_378 = %while3A_254) -> (i32)  : i32 {
        %mul3A_379 = arith.constant 16 : i32
        %mul3A_380 = arith.muli %while3A_377, %mul3A_379 : i32
        %get3A_381 = arith.index_cast %mul3A_380 : i32 to index
        %get3A_382 = tpu.vector_load %arg13[%get3A_381] {strides = array<i32>} : memref<4128xi32, #tpu.memory_space<vmem>>, vector<16xi32>,
        %mul3A_383 = arith.constant 16 : i32
        %mul3A_384 = arith.muli %while3A_377, %mul3A_383 : i32
        %get3A_385 = arith.index_cast %mul3A_384 : i32 to index
        %get3A_386 = tpu.vector_load %arg14[%get3A_385] {strides = array<i32>} : memref<4128xi32, #tpu.memory_space<vmem>>, vector<16xi32>,
        %shift_right_logical3A = arith.constant 8 : i32
        %shift_right_logical3A_387 = vector.broadcast %shift_right_logical3A : i32 to vector<16xi32>
        %shift_right_logical3A_388 = arith.shrui %get3A_382, %shift_right_logical3A_387 : vector<16xi32>
        %and3A = arith.constant 255 : i32
        %and3A_389 = vector.broadcast %and3A : i32 to vector<16xi32>
        %and3A_390 = arith.andi %shift_right_logical3A_388, %and3A_389 : vector<16xi32>
        %broadcast_in_dim3A_391 = arith.constant true
        %broadcast_in_dim3A_392 = vector.broadcast %broadcast_in_dim3A_391 : i1 to vector<16xi1>
        %unique3A, %unique3A_393 = tpu.scan_count mask(%broadcast_in_dim3A_392 : vector<16xi1>) value(%and3A_390 : vector<16xi32>) : vector<16xi1>, vector<16xi32>
        %gather3A = tpu.vector_load_idx %arg10[%and3A_390] : memref<272xi32, #tpu.memory_space<vmem>>[vector<16xi32>], vector<16xi32>,
        %add3A_394 = arith.addi %gather3A, %unique3A_393 : vector<16xi32>
        %sub3A_395 = arith.constant 1 : i32
        %sub3A_396 = vector.broadcast %sub3A_395 : i32 to vector<16xi32>
        %sub3A_397 = arith.subi %add3A_394, %sub3A_396 : vector<16xi32>
        tpu.vector_store_idx %arg11[%sub3A_397], %get3A_382 : memref<4128xi32, #tpu.memory_space<vmem>>[vector<16xi32>], vector<16xi32>,
        tpu.vector_store_idx %arg12[%sub3A_397], %get3A_386 : memref<4128xi32, #tpu.memory_space<vmem>>[vector<16xi32>], vector<16xi32>,
        tpu.vector_store_idx %arg10[%and3A_390], %unique3A_393 masked %unique3A {add = true} : memref<272xi32, #tpu.memory_space<vmem>>[vector<16xi32>], vector<16xi32>, vector<16xi1>
        %while3A_398 = arith.constant 0 : i32
        scf.yield %while3A_398 : i32
      }
      %scan3A_257 = arith.constant 0 : i32
      %scan3A_258 = arith.constant 0 : i32
      %scan3A_259 = arith.constant 16 : i32
      %scan3A_260 = arith.addi %scan3A_258, %scan3A_259 : i32
      %scan3A_261 = arith.constant 1 : i32
      %scan3A_262 = scf.for %scan3A_377 = %scan3A_258 to %scan3A_260 step %scan3A_261 iter_args(%scan3A_378 = %scan3A_257) -> (i32)  : i32 {
        %mul3A_379 = arith.constant 16 : i32
        %mul3A_380 = arith.muli %scan3A_377, %mul3A_379 : i32
        %swap3A_381 = arith.index_cast %mul3A_380 : i32 to index
        %swap3A_382 = tpu.vector_load %arg10[%swap3A_381] {strides = array<i32>} : memref<272xi32, #tpu.memory_space<vmem>>, vector<16xi32>,
        tpu.vector_store %arg10[%swap3A_381], %broadcast_in_dim3A_5 {strides = array<i32>} : memref<272xi32, #tpu.memory_space<vmem>>, vector<16xi32>,
        %scan3A_383 = arith.constant 0 : i32
        scf.yield %scan3A_383 : i32
      }
      %scan3A_263 = arith.constant 16 : i32
      %while3A_264 = arith.constant 0 : i32
      %while3A_265 = arith.constant 0 : i32
      %while3A_266 = arith.subi %shift_right_arithmetic3A_180, %while3A_264 : i32
      %while3A_267 = arith.addi %while3A_264, %while3A_266 : i32
      %while3A_268 = arith.constant 1 : i32
      %while3A_269 = arith.divsi %while3A_266, %while3A_268 : i32
      %while3A_270 = arith.muli %while3A_269, %while3A_268 : i32
      %while3A_271 = arith.addi %while3A_264, %while3A_270 : i32
      %while3A_272 = arith.constant 1 : i32
      %while3A_273 = scf.for %while3A_377 = %while3A_264 to %while3A_271 step %while3A_272 iter_args(%while3A_378 = %while3A_265) -> (i32)  : i32 {
        %mul3A_379 = arith.constant 16 : i32
        %mul3A_380 = arith.muli %while3A_377, %mul3A_379 : i32
        %get3A_381 = arith.index_cast %mul3A_380 : i32 to index
        %get3A_382 = tpu.vector_load %arg11[%get3A_381] {strides = array<i32>} : memref<4128xi32, #tpu.memory_space<vmem>>, vector<16xi32>,
        %shift_right_logical3A = arith.constant 16 : i32
        %shift_right_logical3A_383 = vector.broadcast %shift_right_logical3A : i32 to vector<16xi32>
        %shift_right_logical3A_384 = arith.shrui %get3A_382, %shift_right_logical3A_383 : vector<16xi32>
        %and3A = arith.constant 255 : i32
        %and3A_385 = vector.broadcast %and3A : i32 to vector<16xi32>
        %and3A_386 = arith.andi %shift_right_logical3A_384, %and3A_385 : vector<16xi32>
        tpu.vector_store_idx %arg10[%and3A_386], %broadcast_in_dim3A_3 {add = true} : memref<272xi32, #tpu.memory_space<vmem>>[vector<16xi32>], vector<16xi32>,
        %while3A_387 = arith.constant 0 : i32
        scf.yield %while3A_387 : i32
      }
      %while3A_274 = arith.constant 1 : i32
      %while3A_275 = scf.for %while3A_377 = %while3A_271 to %while3A_267 step %while3A_274 iter_args(%while3A_378 = %while3A_273) -> (i32)  : i32 {
        %mul3A_379 = arith.constant 16 : i32
        %mul3A_380 = arith.muli %while3A_377, %mul3A_379 : i32
        %get3A_381 = arith.index_cast %mul3A_380 : i32 to index
        %get3A_382 = tpu.vector_load %arg11[%get3A_381] {strides = array<i32>} : memref<4128xi32, #tpu.memory_space<vmem>>, vector<16xi32>,
        %shift_right_logical3A = arith.constant 16 : i32
        %shift_right_logical3A_383 = vector.broadcast %shift_right_logical3A : i32 to vector<16xi32>
        %shift_right_logical3A_384 = arith.shrui %get3A_382, %shift_right_logical3A_383 : vector<16xi32>
        %and3A = arith.constant 255 : i32
        %and3A_385 = vector.broadcast %and3A : i32 to vector<16xi32>
        %and3A_386 = arith.andi %shift_right_logical3A_384, %and3A_385 : vector<16xi32>
        tpu.vector_store_idx %arg10[%and3A_386], %broadcast_in_dim3A_3 {add = true} : memref<272xi32, #tpu.memory_space<vmem>>[vector<16xi32>], vector<16xi32>,
        %while3A_387 = arith.constant 0 : i32
        scf.yield %while3A_387 : i32
      }
      %scan3A_276 = arith.constant 0 : i32
      %scan3A_277 = arith.constant 0 : i32
      %scan3A_278 = arith.constant 16 : i32
      %scan3A_279 = arith.addi %scan3A_277, %scan3A_278 : i32
      %scan3A_280 = arith.constant 1 : i32
      %scan3A_281 = scf.for %scan3A_377 = %scan3A_277 to %scan3A_279 step %scan3A_280 iter_args(%scan3A_378 = %scan3A_276) -> (i32)  : i32 {
        %mul3A_379 = arith.constant 16 : i32
        %mul3A_380 = arith.muli %scan3A_377, %mul3A_379 : i32
        %get3A_381 = arith.index_cast %mul3A_380 : i32 to index
        %get3A_382 = tpu.vector_load %arg10[%get3A_381] {strides = array<i32>} : memref<272xi32, #tpu.memory_space<vmem>>, vector<16xi32>,
        %broadcast_in_dim3A_383 = arith.constant true
        %broadcast_in_dim3A_384 = vector.broadcast %broadcast_in_dim3A_383 : i1 to vector<16xi1>
        %masked_cumsum3A_385 = tpu.scan <sum>, %get3A_382 masked %broadcast_in_dim3A_384 : vector<16xi32>, vector<16xi1> -> vector<16xi32>
        %add3A_386 = vector.broadcast %scan3A_378 : i32 to vector<16xi32>
        %add3A_387 = arith.addi %add3A_386, %masked_cumsum3A_385 : vector<16xi32>
        %sub3A_388 = arith.subi %add3A_387, %get3A_382 : vector<16xi32>
        %mul3A_389 = arith.constant 16 : i32
        %mul3A_390 = arith.muli %scan3A_377, %mul3A_389 : i32
        %swap3A_391 = arith.index_cast %mul3A_390 : i32 to index
        %swap3A_392 = tpu.vector_load %arg10[%swap3A_391] {strides = array<i32>} : memref<272xi32, #tpu.memory_space<vmem>>, vector<16xi32>,
        tpu.vector_store %arg10[%swap3A_391], %sub3A_388 {strides = array<i32>} : memref<272xi32, #tpu.memory_space<vmem>>, vector<16xi32>,
        %slice3A_393 = vector.extract_strided_slice %masked_cumsum3A_385 {offsets = [15], sizes = [1], strides = [1]} : vector<16xi32> to vector<1xi32>
        %squeeze3A_394 = vector.extract %slice3A_393[0] : i32 from vector<1xi32>
        %add3A_395 = arith.addi %scan3A_378, %squeeze3A_394 : i32
        scf.yield %add3A_395 : i32
      }
      %scan3A_282 = arith.constant 16 : i32
      %while3A_283 = arith.constant 0 : i32
      %while3A_284 = arith.constant 0 : i32
      %while3A_285 = arith.subi %shift_right_arithmetic3A_180, %while3A_283 : i32
      %while3A_286 = arith.addi %while3A_283, %while3A_285 : i32
      %while3A_287 = arith.constant 1 : i32
      %while3A_288 = arith.divsi %while3A_285, %while3A_287 : i32
      %while3A_289 = arith.muli %while3A_288, %while3A_287 : i32
      %while3A_290 = arith.addi %while3A_283, %while3A_289 : i32
      %while3A_291 = arith.constant 1 : i32
      %while3A_292 = scf.for %while3A_377 = %while3A_283 to %while3A_290 step %while3A_291 iter_args(%while3A_378 = %while3A_284) -> (i32)  : i32 {
        %mul3A_379 = arith.constant 16 : i32
        %mul3A_380 = arith.muli %while3A_377, %mul3A_379 : i32
        %get3A_381 = arith.index_cast %mul3A_380 : i32 to index
        %get3A_382 = tpu.vector_load %arg11[%get3A_381] {strides = array<i32>} : memref<4128xi32, #tpu.memory_space<vmem>>, vector<16xi32>,
        %mul3A_383 = arith.constant 16 : i32
        %mul3A_384 = arith.muli %while3A_377, %mul3A_383 : i32
        %get3A_385 = arith.index_cast %mul3A_384 : i32 to index
        %get3A_386 = tpu.vector_load %arg12[%get3A_385] {strides = array<i32>} : memref<4128xi32, #tpu.memory_space<vmem>>, vector<16xi32>,
        %shift_right_logical3A = arith.constant 16 : i32
        %shift_right_logical3A_387 = vector.broadcast %shift_right_logical3A : i32 to vector<16xi32>
        %shift_right_logical3A_388 = arith.shrui %get3A_382, %shift_right_logical3A_387 : vector<16xi32>
        %and3A = arith.constant 255 : i32
        %and3A_389 = vector.broadcast %and3A : i32 to vector<16xi32>
        %and3A_390 = arith.andi %shift_right_logical3A_388, %and3A_389 : vector<16xi32>
        %broadcast_in_dim3A_391 = arith.constant true
        %broadcast_in_dim3A_392 = vector.broadcast %broadcast_in_dim3A_391 : i1 to vector<16xi1>
        %unique3A, %unique3A_393 = tpu.scan_count mask(%broadcast_in_dim3A_392 : vector<16xi1>) value(%and3A_390 : vector<16xi32>) : vector<16xi1>, vector<16xi32>
        %gather3A = tpu.vector_load_idx %arg10[%and3A_390] : memref<272xi32, #tpu.memory_space<vmem>>[vector<16xi32>], vector<16xi32>,
        %add3A_394 = arith.addi %gather3A, %unique3A_393 : vector<16xi32>
        %sub3A_395 = arith.constant 1 : i32
        %sub3A_396 = vector.broadcast %sub3A_395 : i32 to vector<16xi32>
        %sub3A_397 = arith.subi %add3A_394, %sub3A_396 : vector<16xi32>
        tpu.vector_store_idx %arg13[%sub3A_397], %get3A_382 : memref<4128xi32, #tpu.memory_space<vmem>>[vector<16xi32>], vector<16xi32>,
        tpu.vector_store_idx %arg14[%sub3A_397], %get3A_386 : memref<4128xi32, #tpu.memory_space<vmem>>[vector<16xi32>], vector<16xi32>,
        tpu.vector_store_idx %arg10[%and3A_390], %unique3A_393 masked %unique3A {add = true} : memref<272xi32, #tpu.memory_space<vmem>>[vector<16xi32>], vector<16xi32>, vector<16xi1>
        %while3A_398 = arith.constant 0 : i32
        scf.yield %while3A_398 : i32
      }
      %while3A_293 = arith.constant 1 : i32
      %while3A_294 = scf.for %while3A_377 = %while3A_290 to %while3A_286 step %while3A_293 iter_args(%while3A_378 = %while3A_292) -> (i32)  : i32 {
        %mul3A_379 = arith.constant 16 : i32
        %mul3A_380 = arith.muli %while3A_377, %mul3A_379 : i32
        %get3A_381 = arith.index_cast %mul3A_380 : i32 to index
        %get3A_382 = tpu.vector_load %arg11[%get3A_381] {strides = array<i32>} : memref<4128xi32, #tpu.memory_space<vmem>>, vector<16xi32>,
        %mul3A_383 = arith.constant 16 : i32
        %mul3A_384 = arith.muli %while3A_377, %mul3A_383 : i32
        %get3A_385 = arith.index_cast %mul3A_384 : i32 to index
        %get3A_386 = tpu.vector_load %arg12[%get3A_385] {strides = array<i32>} : memref<4128xi32, #tpu.memory_space<vmem>>, vector<16xi32>,
        %shift_right_logical3A = arith.constant 16 : i32
        %shift_right_logical3A_387 = vector.broadcast %shift_right_logical3A : i32 to vector<16xi32>
        %shift_right_logical3A_388 = arith.shrui %get3A_382, %shift_right_logical3A_387 : vector<16xi32>
        %and3A = arith.constant 255 : i32
        %and3A_389 = vector.broadcast %and3A : i32 to vector<16xi32>
        %and3A_390 = arith.andi %shift_right_logical3A_388, %and3A_389 : vector<16xi32>
        %broadcast_in_dim3A_391 = arith.constant true
        %broadcast_in_dim3A_392 = vector.broadcast %broadcast_in_dim3A_391 : i1 to vector<16xi1>
        %unique3A, %unique3A_393 = tpu.scan_count mask(%broadcast_in_dim3A_392 : vector<16xi1>) value(%and3A_390 : vector<16xi32>) : vector<16xi1>, vector<16xi32>
        %gather3A = tpu.vector_load_idx %arg10[%and3A_390] : memref<272xi32, #tpu.memory_space<vmem>>[vector<16xi32>], vector<16xi32>,
        %add3A_394 = arith.addi %gather3A, %unique3A_393 : vector<16xi32>
        %sub3A_395 = arith.constant 1 : i32
        %sub3A_396 = vector.broadcast %sub3A_395 : i32 to vector<16xi32>
        %sub3A_397 = arith.subi %add3A_394, %sub3A_396 : vector<16xi32>
        tpu.vector_store_idx %arg13[%sub3A_397], %get3A_382 : memref<4128xi32, #tpu.memory_space<vmem>>[vector<16xi32>], vector<16xi32>,
        tpu.vector_store_idx %arg14[%sub3A_397], %get3A_386 : memref<4128xi32, #tpu.memory_space<vmem>>[vector<16xi32>], vector<16xi32>,
        tpu.vector_store_idx %arg10[%and3A_390], %unique3A_393 masked %unique3A {add = true} : memref<272xi32, #tpu.memory_space<vmem>>[vector<16xi32>], vector<16xi32>, vector<16xi1>
        %while3A_398 = arith.constant 0 : i32
        scf.yield %while3A_398 : i32
      }
      %scan3A_295 = arith.constant 0 : i32
      %scan3A_296 = arith.constant 0 : i32
      %scan3A_297 = arith.constant 16 : i32
      %scan3A_298 = arith.addi %scan3A_296, %scan3A_297 : i32
      %scan3A_299 = arith.constant 1 : i32
      %scan3A_300 = scf.for %scan3A_377 = %scan3A_296 to %scan3A_298 step %scan3A_299 iter_args(%scan3A_378 = %scan3A_295) -> (i32)  : i32 {
        %mul3A_379 = arith.constant 16 : i32
        %mul3A_380 = arith.muli %scan3A_377, %mul3A_379 : i32
        %swap3A_381 = arith.index_cast %mul3A_380 : i32 to index
        %swap3A_382 = tpu.vector_load %arg10[%swap3A_381] {strides = array<i32>} : memref<272xi32, #tpu.memory_space<vmem>>, vector<16xi32>,
        tpu.vector_store %arg10[%swap3A_381], %broadcast_in_dim3A_5 {strides = array<i32>} : memref<272xi32, #tpu.memory_space<vmem>>, vector<16xi32>,
        %scan3A_383 = arith.constant 0 : i32
        scf.yield %scan3A_383 : i32
      }
      %scan3A_301 = arith.constant 16 : i32
      %while3A_302 = arith.constant 0 : i32
      %while3A_303 = arith.constant 0 : i32
      %while3A_304 = arith.subi %shift_right_arithmetic3A_180, %while3A_302 : i32
      %while3A_305 = arith.addi %while3A_302, %while3A_304 : i32
      %while3A_306 = arith.constant 1 : i32
      %while3A_307 = arith.divsi %while3A_304, %while3A_306 : i32
      %while3A_308 = arith.muli %while3A_307, %while3A_306 : i32
      %while3A_309 = arith.addi %while3A_302, %while3A_308 : i32
      %while3A_310 = arith.constant 1 : i32
      %while3A_311 = scf.for %while3A_377 = %while3A_302 to %while3A_309 step %while3A_310 iter_args(%while3A_378 = %while3A_303) -> (i32)  : i32 {
        %mul3A_379 = arith.constant 16 : i32
        %mul3A_380 = arith.muli %while3A_377, %mul3A_379 : i32
        %get3A_381 = arith.index_cast %mul3A_380 : i32 to index
        %get3A_382 = tpu.vector_load %arg13[%get3A_381] {strides = array<i32>} : memref<4128xi32, #tpu.memory_space<vmem>>, vector<16xi32>,
        %shift_right_logical3A = arith.constant 24 : i32
        %shift_right_logical3A_383 = vector.broadcast %shift_right_logical3A : i32 to vector<16xi32>
        %shift_right_logical3A_384 = arith.shrui %get3A_382, %shift_right_logical3A_383 : vector<16xi32>
        %and3A = arith.constant 255 : i32
        %and3A_385 = vector.broadcast %and3A : i32 to vector<16xi32>
        %and3A_386 = arith.andi %shift_right_logical3A_384, %and3A_385 : vector<16xi32>
        tpu.vector_store_idx %arg10[%and3A_386], %broadcast_in_dim3A_3 {add = true} : memref<272xi32, #tpu.memory_space<vmem>>[vector<16xi32>], vector<16xi32>,
        %while3A_387 = arith.constant 0 : i32
        scf.yield %while3A_387 : i32
      }
      %while3A_312 = arith.constant 1 : i32
      %while3A_313 = scf.for %while3A_377 = %while3A_309 to %while3A_305 step %while3A_312 iter_args(%while3A_378 = %while3A_311) -> (i32)  : i32 {
        %mul3A_379 = arith.constant 16 : i32
        %mul3A_380 = arith.muli %while3A_377, %mul3A_379 : i32
        %get3A_381 = arith.index_cast %mul3A_380 : i32 to index
        %get3A_382 = tpu.vector_load %arg13[%get3A_381] {strides = array<i32>} : memref<4128xi32, #tpu.memory_space<vmem>>, vector<16xi32>,
        %shift_right_logical3A = arith.constant 24 : i32
        %shift_right_logical3A_383 = vector.broadcast %shift_right_logical3A : i32 to vector<16xi32>
        %shift_right_logical3A_384 = arith.shrui %get3A_382, %shift_right_logical3A_383 : vector<16xi32>
        %and3A = arith.constant 255 : i32
        %and3A_385 = vector.broadcast %and3A : i32 to vector<16xi32>
        %and3A_386 = arith.andi %shift_right_logical3A_384, %and3A_385 : vector<16xi32>
        tpu.vector_store_idx %arg10[%and3A_386], %broadcast_in_dim3A_3 {add = true} : memref<272xi32, #tpu.memory_space<vmem>>[vector<16xi32>], vector<16xi32>,
        %while3A_387 = arith.constant 0 : i32
        scf.yield %while3A_387 : i32
      }
      %scan3A_314 = arith.constant 0 : i32
      %scan3A_315 = arith.constant 0 : i32
      %scan3A_316 = arith.constant 16 : i32
      %scan3A_317 = arith.addi %scan3A_315, %scan3A_316 : i32
      %scan3A_318 = arith.constant 1 : i32
      %scan3A_319 = scf.for %scan3A_377 = %scan3A_315 to %scan3A_317 step %scan3A_318 iter_args(%scan3A_378 = %scan3A_314) -> (i32)  : i32 {
        %mul3A_379 = arith.constant 16 : i32
        %mul3A_380 = arith.muli %scan3A_377, %mul3A_379 : i32
        %get3A_381 = arith.index_cast %mul3A_380 : i32 to index
        %get3A_382 = tpu.vector_load %arg10[%get3A_381] {strides = array<i32>} : memref<272xi32, #tpu.memory_space<vmem>>, vector<16xi32>,
        %broadcast_in_dim3A_383 = arith.constant true
        %broadcast_in_dim3A_384 = vector.broadcast %broadcast_in_dim3A_383 : i1 to vector<16xi1>
        %masked_cumsum3A_385 = tpu.scan <sum>, %get3A_382 masked %broadcast_in_dim3A_384 : vector<16xi32>, vector<16xi1> -> vector<16xi32>
        %add3A_386 = vector.broadcast %scan3A_378 : i32 to vector<16xi32>
        %add3A_387 = arith.addi %add3A_386, %masked_cumsum3A_385 : vector<16xi32>
        %sub3A_388 = arith.subi %add3A_387, %get3A_382 : vector<16xi32>
        %mul3A_389 = arith.constant 16 : i32
        %mul3A_390 = arith.muli %scan3A_377, %mul3A_389 : i32
        %swap3A_391 = arith.index_cast %mul3A_390 : i32 to index
        %swap3A_392 = tpu.vector_load %arg10[%swap3A_391] {strides = array<i32>} : memref<272xi32, #tpu.memory_space<vmem>>, vector<16xi32>,
        tpu.vector_store %arg10[%swap3A_391], %sub3A_388 {strides = array<i32>} : memref<272xi32, #tpu.memory_space<vmem>>, vector<16xi32>,
        %slice3A_393 = vector.extract_strided_slice %masked_cumsum3A_385 {offsets = [15], sizes = [1], strides = [1]} : vector<16xi32> to vector<1xi32>
        %squeeze3A_394 = vector.extract %slice3A_393[0] : i32 from vector<1xi32>
        %add3A_395 = arith.addi %scan3A_378, %squeeze3A_394 : i32
        scf.yield %add3A_395 : i32
      }
      %scan3A_320 = arith.constant 16 : i32
      %while3A_321 = arith.constant 0 : i32
      %while3A_322 = arith.constant 0 : i32
      %while3A_323 = arith.subi %shift_right_arithmetic3A_180, %while3A_321 : i32
      %while3A_324 = arith.addi %while3A_321, %while3A_323 : i32
      %while3A_325 = arith.constant 1 : i32
      %while3A_326 = arith.divsi %while3A_323, %while3A_325 : i32
      %while3A_327 = arith.muli %while3A_326, %while3A_325 : i32
      %while3A_328 = arith.addi %while3A_321, %while3A_327 : i32
      %while3A_329 = arith.constant 1 : i32
      %while3A_330 = scf.for %while3A_377 = %while3A_321 to %while3A_328 step %while3A_329 iter_args(%while3A_378 = %while3A_322) -> (i32)  : i32 {
        %mul3A_379 = arith.constant 16 : i32
        %mul3A_380 = arith.muli %while3A_377, %mul3A_379 : i32
        %get3A_381 = arith.index_cast %mul3A_380 : i32 to index
        %get3A_382 = tpu.vector_load %arg13[%get3A_381] {strides = array<i32>} : memref<4128xi32, #tpu.memory_space<vmem>>, vector<16xi32>,
        %mul3A_383 = arith.constant 16 : i32
        %mul3A_384 = arith.muli %while3A_377, %mul3A_383 : i32
        %get3A_385 = arith.index_cast %mul3A_384 : i32 to index
        %get3A_386 = tpu.vector_load %arg14[%get3A_385] {strides = array<i32>} : memref<4128xi32, #tpu.memory_space<vmem>>, vector<16xi32>,
        %shift_right_logical3A = arith.constant 24 : i32
        %shift_right_logical3A_387 = vector.broadcast %shift_right_logical3A : i32 to vector<16xi32>
        %shift_right_logical3A_388 = arith.shrui %get3A_382, %shift_right_logical3A_387 : vector<16xi32>
        %and3A = arith.constant 255 : i32
        %and3A_389 = vector.broadcast %and3A : i32 to vector<16xi32>
        %and3A_390 = arith.andi %shift_right_logical3A_388, %and3A_389 : vector<16xi32>
        %broadcast_in_dim3A_391 = arith.constant true
        %broadcast_in_dim3A_392 = vector.broadcast %broadcast_in_dim3A_391 : i1 to vector<16xi1>
        %unique3A, %unique3A_393 = tpu.scan_count mask(%broadcast_in_dim3A_392 : vector<16xi1>) value(%and3A_390 : vector<16xi32>) : vector<16xi1>, vector<16xi32>
        %gather3A = tpu.vector_load_idx %arg10[%and3A_390] : memref<272xi32, #tpu.memory_space<vmem>>[vector<16xi32>], vector<16xi32>,
        %add3A_394 = arith.addi %gather3A, %unique3A_393 : vector<16xi32>
        %sub3A_395 = arith.constant 1 : i32
        %sub3A_396 = vector.broadcast %sub3A_395 : i32 to vector<16xi32>
        %sub3A_397 = arith.subi %add3A_394, %sub3A_396 : vector<16xi32>
        tpu.vector_store_idx %arg11[%sub3A_397], %get3A_382 : memref<4128xi32, #tpu.memory_space<vmem>>[vector<16xi32>], vector<16xi32>,
        tpu.vector_store_idx %arg12[%sub3A_397], %get3A_386 : memref<4128xi32, #tpu.memory_space<vmem>>[vector<16xi32>], vector<16xi32>,
        tpu.vector_store_idx %arg10[%and3A_390], %unique3A_393 masked %unique3A {add = true} : memref<272xi32, #tpu.memory_space<vmem>>[vector<16xi32>], vector<16xi32>, vector<16xi1>
        %while3A_398 = arith.constant 0 : i32
        scf.yield %while3A_398 : i32
      }
      %while3A_331 = arith.constant 1 : i32
      %while3A_332 = scf.for %while3A_377 = %while3A_328 to %while3A_324 step %while3A_331 iter_args(%while3A_378 = %while3A_330) -> (i32)  : i32 {
        %mul3A_379 = arith.constant 16 : i32
        %mul3A_380 = arith.muli %while3A_377, %mul3A_379 : i32
        %get3A_381 = arith.index_cast %mul3A_380 : i32 to index
        %get3A_382 = tpu.vector_load %arg13[%get3A_381] {strides = array<i32>} : memref<4128xi32, #tpu.memory_space<vmem>>, vector<16xi32>,
        %mul3A_383 = arith.constant 16 : i32
        %mul3A_384 = arith.muli %while3A_377, %mul3A_383 : i32
        %get3A_385 = arith.index_cast %mul3A_384 : i32 to index
        %get3A_386 = tpu.vector_load %arg14[%get3A_385] {strides = array<i32>} : memref<4128xi32, #tpu.memory_space<vmem>>, vector<16xi32>,
        %shift_right_logical3A = arith.constant 24 : i32
        %shift_right_logical3A_387 = vector.broadcast %shift_right_logical3A : i32 to vector<16xi32>
        %shift_right_logical3A_388 = arith.shrui %get3A_382, %shift_right_logical3A_387 : vector<16xi32>
        %and3A = arith.constant 255 : i32
        %and3A_389 = vector.broadcast %and3A : i32 to vector<16xi32>
        %and3A_390 = arith.andi %shift_right_logical3A_388, %and3A_389 : vector<16xi32>
        %broadcast_in_dim3A_391 = arith.constant true
        %broadcast_in_dim3A_392 = vector.broadcast %broadcast_in_dim3A_391 : i1 to vector<16xi1>
        %unique3A, %unique3A_393 = tpu.scan_count mask(%broadcast_in_dim3A_392 : vector<16xi1>) value(%and3A_390 : vector<16xi32>) : vector<16xi1>, vector<16xi32>
        %gather3A = tpu.vector_load_idx %arg10[%and3A_390] : memref<272xi32, #tpu.memory_space<vmem>>[vector<16xi32>], vector<16xi32>,
        %add3A_394 = arith.addi %gather3A, %unique3A_393 : vector<16xi32>
        %sub3A_395 = arith.constant 1 : i32
        %sub3A_396 = vector.broadcast %sub3A_395 : i32 to vector<16xi32>
        %sub3A_397 = arith.subi %add3A_394, %sub3A_396 : vector<16xi32>
        tpu.vector_store_idx %arg11[%sub3A_397], %get3A_382 : memref<4128xi32, #tpu.memory_space<vmem>>[vector<16xi32>], vector<16xi32>,
        tpu.vector_store_idx %arg12[%sub3A_397], %get3A_386 : memref<4128xi32, #tpu.memory_space<vmem>>[vector<16xi32>], vector<16xi32>,
        tpu.vector_store_idx %arg10[%and3A_390], %unique3A_393 masked %unique3A {add = true} : memref<272xi32, #tpu.memory_space<vmem>>[vector<16xi32>], vector<16xi32>, vector<16xi1>
        %while3A_398 = arith.constant 0 : i32
        scf.yield %while3A_398 : i32
      }
      %dma_wait3A = arith.constant 0 : i32
      %dma_wait3A_333 = tpu.memref_slice %arg16[%dma_wait3A] : memref<20016xf32, #tpu.memory_space<vmem>> -> memref<20000xf32, #tpu.memory_space<vmem>>
      %dma_wait3A_334 = arith.constant 0 : i32
      %dma_wait3A_335 = tpu.memref_slice %arg2[%dma_wait3A_334] : memref<160000xf32, #tpu.memory_space<hbm>> -> memref<20000xf32, #tpu.memory_space<hbm>>
      %dma_wait3A_336 = arith.constant 0 : i32
      %dma_wait3A_337 = tpu.memref_slice %arg16[%dma_wait3A_336] : memref<20016xf32, #tpu.memory_space<vmem>> -> memref<20000xf32, #tpu.memory_space<vmem>>
      %dma_wait3A_338 = arith.constant 0 : i32
      %dma_wait3A_339 = tpu.memref_slice %arg2[%dma_wait3A_338] : memref<160000xf32, #tpu.memory_space<hbm>> -> memref<20000xf32, #tpu.memory_space<hbm>>
      tpu.wait_dma2 semaphore(%arg31 : memref<!tpu.dma_semaphore, #tpu.memory_space<semaphore_mem>>) src(%dma_wait3A_339 : memref<20000xf32, #tpu.memory_space<hbm>>) dst(%dma_wait3A_337 : memref<20000xf32, #tpu.memory_space<vmem>>)
      %broadcast_in_dim3A_340 = arith.constant 0.000000e+00 : f32
      %broadcast_in_dim3A_341 = vector.broadcast %broadcast_in_dim3A_340 : f32 to vector<16xf32>
      %add3A_342 = arith.constant -1.000000e+30 : f32
      %add3A_343 = vector.broadcast %add3A_342 : f32 to vector<16xf32>
      %add3A_344 = arith.addf %broadcast_in_dim3A_341, %add3A_343 : vector<16xf32>
      %broadcast_in_dim3A_345 = arith.constant 0.000000e+00 : f32
      %broadcast_in_dim3A_346 = vector.broadcast %broadcast_in_dim3A_345 : f32 to vector<16xf32>
      %scan3A_347 = arith.constant 0 : i32
      %scan3A_348 = arith.constant 0 : i32
      %scan3A_349 = arith.constant 20 : i32
      %scan3A_350 = arith.addi %scan3A_348, %scan3A_349 : i32
      %scan3A_351 = arith.constant 1 : i32
      %scan3A_352 = scf.for %scan3A_377 = %scan3A_348 to %scan3A_350 step %scan3A_351 iter_args(%scan3A_378 = %scan3A_347) -> (i32)  : i32 {
        %mul3A_379 = arith.constant 16 : i32
        %mul3A_380 = arith.muli %scan3A_377, %mul3A_379 : i32
        %swap3A_381 = arith.index_cast %mul3A_380 : i32 to index
        %swap3A_382 = tpu.vector_load %arg17[%swap3A_381] {strides = array<i32>} : memref<320xf32, #tpu.memory_space<vmem>>, vector<16xf32>,
        tpu.vector_store %arg17[%swap3A_381], %add3A_344 {strides = array<i32>} : memref<320xf32, #tpu.memory_space<vmem>>, vector<16xf32>,
        %mul3A_383 = arith.constant 16 : i32
        %mul3A_384 = arith.muli %scan3A_377, %mul3A_383 : i32
        %swap3A_385 = arith.index_cast %mul3A_384 : i32 to index
        %swap3A_386 = tpu.vector_load %arg18[%swap3A_385] {strides = array<i32>} : memref<320xf32, #tpu.memory_space<vmem>>, vector<16xf32>,
        tpu.vector_store %arg18[%swap3A_385], %add3A_344 {strides = array<i32>} : memref<320xf32, #tpu.memory_space<vmem>>, vector<16xf32>,
        %mul3A_387 = arith.constant 16 : i32
        %mul3A_388 = arith.muli %scan3A_377, %mul3A_387 : i32
        %swap3A_389 = arith.index_cast %mul3A_388 : i32 to index
        %swap3A_390 = tpu.vector_load %arg19[%swap3A_389] {strides = array<i32>} : memref<320xf32, #tpu.memory_space<vmem>>, vector<16xf32>,
        tpu.vector_store %arg19[%swap3A_389], %add3A_344 {strides = array<i32>} : memref<320xf32, #tpu.memory_space<vmem>>, vector<16xf32>,
        %mul3A_391 = arith.constant 16 : i32
        %mul3A_392 = arith.muli %scan3A_377, %mul3A_391 : i32
        %swap3A_393 = arith.index_cast %mul3A_392 : i32 to index
        %swap3A_394 = tpu.vector_load %arg20[%swap3A_393] {strides = array<i32>} : memref<320xf32, #tpu.memory_space<vmem>>, vector<16xf32>,
        tpu.vector_store %arg20[%swap3A_393], %add3A_344 {strides = array<i32>} : memref<320xf32, #tpu.memory_space<vmem>>, vector<16xf32>,
        %mul3A_395 = arith.constant 16 : i32
        %mul3A_396 = arith.muli %scan3A_377, %mul3A_395 : i32
        %swap3A_397 = arith.index_cast %mul3A_396 : i32 to index
        %swap3A_398 = tpu.vector_load %arg21[%swap3A_397] {strides = array<i32>} : memref<320xf32, #tpu.memory_space<vmem>>, vector<16xf32>,
        tpu.vector_store %arg21[%swap3A_397], %broadcast_in_dim3A_346 {strides = array<i32>} : memref<320xf32, #tpu.memory_space<vmem>>, vector<16xf32>,
        %scan3A_399 = arith.constant 0 : i32
        scf.yield %scan3A_399 : i32
      }
      %scan3A_353 = arith.constant 20 : i32
      %scan3A_354 = arith.constant 0 : i32
      %scan3A_355 = arith.constant 0 : i32
      %scan3A_356 = arith.constant 75 : i32
      %scan3A_357 = arith.addi %scan3A_355, %scan3A_356 : i32
      %scan3A_358 = arith.constant 1 : i32
      %scan3A_359 = scf.for %scan3A_377 = %scan3A_355 to %scan3A_357 step %scan3A_358 iter_args(%scan3A_378 = %scan3A_354) -> (i32)  : i32 {
        %mul3A_379 = arith.constant 16 : i32
        %mul3A_380 = arith.muli %scan3A_377, %mul3A_379 : i32
        %swap3A_381 = arith.index_cast %mul3A_380 : i32 to index
        %swap3A_382 = tpu.vector_load %arg22[%swap3A_381] {strides = array<i32>} : memref<1200xf32, #tpu.memory_space<vmem>>, vector<16xf32>,
        tpu.vector_store %arg22[%swap3A_381], %broadcast_in_dim3A_346 {strides = array<i32>} : memref<1200xf32, #tpu.memory_space<vmem>>, vector<16xf32>,
        %scan3A_383 = arith.constant 0 : i32
        scf.yield %scan3A_383 : i32
      }
      %scan3A_360 = arith.constant 75 : i32
      %scan3A_361 = arith.constant 0 : i32
      %scan3A_362 = arith.constant 0 : i32
      %scan3A_363 = arith.constant 19 : i32
      %scan3A_364 = arith.addi %scan3A_362, %scan3A_363 : i32
      %scan3A_365 = arith.constant 1 : i32
      %scan3A_366 = scf.for %scan3A_377 = %scan3A_362 to %scan3A_364 step %scan3A_365 iter_args(%scan3A_378 = %scan3A_361) -> (i32)  : i32 {
        %mul3A_379 = arith.constant 16 : i32
        %mul3A_380 = arith.muli %scan3A_377, %mul3A_379 : i32
        %swap3A_381 = arith.index_cast %mul3A_380 : i32 to index
        %swap3A_382 = tpu.vector_load %arg23[%swap3A_381] {strides = array<i32>} : memref<304xf32, #tpu.memory_space<vmem>>, vector<16xf32>,
        tpu.vector_store %arg23[%swap3A_381], %broadcast_in_dim3A_346 {strides = array<i32>} : memref<304xf32, #tpu.memory_space<vmem>>, vector<16xf32>,
        %mul3A_383 = arith.constant 16 : i32
        %mul3A_384 = arith.muli %scan3A_377, %mul3A_383 : i32
        %swap3A_385 = arith.index_cast %mul3A_384 : i32 to index
        %swap3A_386 = tpu.vector_load %arg24[%swap3A_385] {strides = array<i32>} : memref<304xi32, #tpu.memory_space<vmem>>, vector<16xi32>,
        tpu.vector_store %arg24[%swap3A_385], %broadcast_in_dim3A_5 {strides = array<i32>} : memref<304xi32, #tpu.memory_space<vmem>>, vector<16xi32>,
        %scan3A_387 = arith.constant 0 : i32
        scf.yield %scan3A_387 : i32
      }
      %scan3A_367 = arith.constant 19 : i32
      %while3A_368 = arith.constant 0 : i32
      %while3A_369 = arith.constant 0 : i32
      %while3A_370:2 = scf.while (%while3A_377 = %while3A_368, %while3A_378 = %while3A_369) : (i32, i32) -> (i32, i32) {
        %lt3A_379 = arith.cmpi slt, %while3A_377, %add3A_170 : i32
        %lt3A_380 = arith.constant 300 : i32
        %lt3A_381 = arith.cmpi slt, %while3A_378, %lt3A_380 : i32
        %and3A = arith.andi %lt3A_379, %lt3A_381 : i1
        scf.condition(%and3A) %while3A_377, %while3A_378 : i32, i32
      } do {
      ^bb0(%while3A_377: i32, %while3A_378: i32):
        %get3A_379 = arith.index_cast %while3A_377 : i32 to index
        %get3A_380 = tpu.vector_load %arg11[%get3A_379] {strides = array<i32>} : memref<4128xi32, #tpu.memory_space<vmem>>, vector<16xi32>,
        %slice3A_381 = vector.extract_strided_slice %get3A_380 {offsets = [0], sizes = [1], strides = [1]} : vector<16xi32> to vector<1xi32>
        %squeeze3A_382 = vector.extract %slice3A_381[0] : i32 from vector<1xi32>
        %not3A_383 = arith.constant -1 : i32
        %not3A_384 = arith.xori %squeeze3A_382, %not3A_383 : i32
        %bitcast_convert_type3A = arith.bitcast %not3A_384 : i32 to f32
        %get3A_385 = arith.index_cast %while3A_377 : i32 to index
        %get3A_386 = tpu.vector_load %arg12[%get3A_385] {strides = array<i32>} : memref<4128xi32, #tpu.memory_space<vmem>>, vector<16xi32>,
        %slice3A_387 = vector.extract_strided_slice %get3A_386 {offsets = [0], sizes = [1], strides = [1]} : vector<16xi32> to vector<1xi32>
        %squeeze3A_388 = vector.extract %slice3A_387[0] : i32 from vector<1xi32>
        %shift_right_logical3A = arith.constant 4 : i32
        %shift_right_logical3A_389 = arith.shrui %squeeze3A_388, %shift_right_logical3A : i32
        %mul3A_390 = arith.constant 52429 : i32
        %mul3A_391 = arith.muli %shift_right_logical3A_389, %mul3A_390 : i32
        %shift_right_logical3A_392 = arith.constant 18 : i32
        %shift_right_logical3A_393 = arith.shrui %mul3A_391, %shift_right_logical3A_392 : i32
        %mul3A_394 = arith.constant 80 : i32
        %mul3A_395 = arith.muli %shift_right_logical3A_393, %mul3A_394 : i32
        %sub3A_396 = arith.subi %squeeze3A_388, %mul3A_395 : i32
        %mul3A_397 = arith.constant 4 : i32
        %mul3A_398 = arith.muli %shift_right_logical3A_393, %mul3A_397 : i32
        %get3A_399 = arith.index_cast %mul3A_398 : i32 to index
        %get3A_400 = tpu.vector_load %arg16[%get3A_399] {strides = array<i32>} : memref<20016xf32, #tpu.memory_space<vmem>>, vector<16xf32>,
        %slice3A_401 = vector.extract_strided_slice %get3A_400 {offsets = [0], sizes = [1], strides = [1]} : vector<16xf32> to vector<1xf32>
        %squeeze3A_402 = vector.extract %slice3A_401[0] : f32 from vector<1xf32>
        %slice3A_403 = vector.extract_strided_slice %get3A_400 {offsets = [1], sizes = [1], strides = [1]} : vector<16xf32> to vector<1xf32>
        %squeeze3A_404 = vector.extract %slice3A_403[0] : f32 from vector<1xf32>
        %slice3A_405 = vector.extract_strided_slice %get3A_400 {offsets = [2], sizes = [1], strides = [1]} : vector<16xf32> to vector<1xf32>
        %squeeze3A_406 = vector.extract %slice3A_405[0] : f32 from vector<1xf32>
        %slice3A_407 = vector.extract_strided_slice %get3A_400 {offsets = [3], sizes = [1], strides = [1]} : vector<16xf32> to vector<1xf32>
        %squeeze3A_408 = vector.extract %slice3A_407[0] : f32 from vector<1xf32>
        %convert_element_type3A_409 = arith.sitofp %sub3A_396 : i32 to f32
        %mul3A_410 = arith.constant 1.000000e+04 : f32
        %mul3A_411 = arith.mulf %convert_element_type3A_409, %mul3A_410 : f32
        %add3A_412 = arith.addf %squeeze3A_402, %mul3A_411 : f32
        %add3A_413 = arith.addf %squeeze3A_404, %mul3A_411 : f32
        %add3A_414 = arith.addf %squeeze3A_406, %mul3A_411 : f32
        %add3A_415 = arith.addf %squeeze3A_408, %mul3A_411 : f32
        %sub3A_416 = arith.subf %add3A_414, %add3A_412 : f32
        %sub3A_417 = arith.subf %add3A_415, %add3A_413 : f32
        %mul3A_418 = arith.mulf %sub3A_416, %sub3A_417 : f32
        %add3A_419 = arith.constant 15 : i32
        %add3A_420 = arith.addi %while3A_378, %add3A_419 : i32
        %shift_right_arithmetic3A_421 = arith.constant 4 : i32
        %shift_right_arithmetic3A_422 = arith.shrsi %add3A_420, %shift_right_arithmetic3A_421 : i32
        %broadcast_in_dim3A_423 = arith.constant false
        %broadcast_in_dim3A_424 = vector.broadcast %broadcast_in_dim3A_423 : i1 to vector<16xi1>
        %while3A_425 = arith.constant 0 : i32
        %while3A_426 = arith.subi %shift_right_arithmetic3A_422, %while3A_425 : i32
        %while3A_427 = arith.addi %while3A_425, %while3A_426 : i32
        %while3A_428 = arith.constant 1 : i32
        %while3A_429 = arith.divsi %while3A_426, %while3A_428 : i32
        %while3A_430 = arith.muli %while3A_429, %while3A_428 : i32
        %while3A_431 = arith.addi %while3A_425, %while3A_430 : i32
        %while3A_432 = arith.constant 1 : i32
        %while3A_433 = scf.for %while3A_448 = %while3A_425 to %while3A_431 step %while3A_432 iter_args(%while3A_449 = %broadcast_in_dim3A_424) -> (vector<16xi1>)  : i32 {
          %mul3A_450 = arith.constant 16 : i32
          %mul3A_451 = arith.muli %while3A_448, %mul3A_450 : i32
          %get3A_452 = arith.index_cast %mul3A_451 : i32 to index
          %get3A_453 = tpu.vector_load %arg17[%get3A_452] {strides = array<i32>} : memref<320xf32, #tpu.memory_space<vmem>>, vector<16xf32>,
          %mul3A_454 = arith.constant 16 : i32
          %mul3A_455 = arith.muli %while3A_448, %mul3A_454 : i32
          %get3A_456 = arith.index_cast %mul3A_455 : i32 to index
          %get3A_457 = tpu.vector_load %arg18[%get3A_456] {strides = array<i32>} : memref<320xf32, #tpu.memory_space<vmem>>, vector<16xf32>,
          %mul3A_458 = arith.constant 16 : i32
          %mul3A_459 = arith.muli %while3A_448, %mul3A_458 : i32
          %get3A_460 = arith.index_cast %mul3A_459 : i32 to index
          %get3A_461 = tpu.vector_load %arg19[%get3A_460] {strides = array<i32>} : memref<320xf32, #tpu.memory_space<vmem>>, vector<16xf32>,
          %mul3A_462 = arith.constant 16 : i32
          %mul3A_463 = arith.muli %while3A_448, %mul3A_462 : i32
          %get3A_464 = arith.index_cast %mul3A_463 : i32 to index
          %get3A_465 = tpu.vector_load %arg20[%get3A_464] {strides = array<i32>} : memref<320xf32, #tpu.memory_space<vmem>>, vector<16xf32>,
          %mul3A_466 = arith.constant 16 : i32
          %mul3A_467 = arith.muli %while3A_448, %mul3A_466 : i32
          %get3A_468 = arith.index_cast %mul3A_467 : i32 to index
          %get3A_469 = tpu.vector_load %arg21[%get3A_468] {strides = array<i32>} : memref<320xf32, #tpu.memory_space<vmem>>, vector<16xf32>,
          %max3A_470 = vector.broadcast %add3A_412 : f32 to vector<16xf32>
          %max3A_471 = arith.maximumf %get3A_453, %max3A_470 : vector<16xf32>
          %max3A_472 = vector.broadcast %add3A_413 : f32 to vector<16xf32>
          %max3A_473 = arith.maximumf %get3A_457, %max3A_472 : vector<16xf32>
          %min3A_474 = vector.broadcast %add3A_414 : f32 to vector<16xf32>
          %min3A_475 = arith.minimumf %get3A_461, %min3A_474 : vector<16xf32>
          %min3A_476 = vector.broadcast %add3A_415 : f32 to vector<16xf32>
          %min3A_477 = arith.minimumf %get3A_465, %min3A_476 : vector<16xf32>
          %sub3A_478 = arith.subf %min3A_475, %max3A_471 : vector<16xf32>
          %max3A_479 = arith.constant 0.000000e+00 : f32
          %max3A_480 = vector.broadcast %max3A_479 : f32 to vector<16xf32>
          %max3A_481 = arith.maximumf %sub3A_478, %max3A_480 : vector<16xf32>
          %sub3A_482 = arith.subf %min3A_477, %max3A_473 : vector<16xf32>
          %max3A_483 = arith.constant 0.000000e+00 : f32
          %max3A_484 = vector.broadcast %max3A_483 : f32 to vector<16xf32>
          %max3A_485 = arith.maximumf %sub3A_482, %max3A_484 : vector<16xf32>
          %mul3A_486 = arith.mulf %max3A_481, %max3A_485 : vector<16xf32>
          %add3A_487 = vector.broadcast %mul3A_418 : f32 to vector<16xf32>
          %add3A_488 = arith.addf %get3A_469, %add3A_487 : vector<16xf32>
          %sub3A_489 = arith.subf %add3A_488, %mul3A_486 : vector<16xf32>
          %add3A_490 = arith.constant 9.99999971E-10 : f32
          %add3A_491 = vector.broadcast %add3A_490 : f32 to vector<16xf32>
          %add3A_492 = arith.addf %sub3A_489, %add3A_491 : vector<16xf32>
          %div3A = arith.divf %mul3A_486, %add3A_492 : vector<16xf32>
          %gt3A_493 = arith.constant 0.699999988 : f32
          %gt3A_494 = vector.broadcast %gt3A_493 : f32 to vector<16xf32>
          %gt3A_495 = arith.cmpf ogt, %div3A, %gt3A_494 : vector<16xf32>
          %or3A_496 = arith.ori %while3A_449, %gt3A_495 : vector<16xi1>
          scf.yield %or3A_496 : vector<16xi1>
        }
        %while3A_434 = arith.constant 1 : i32
        %while3A_435 = scf.for %while3A_448 = %while3A_431 to %while3A_427 step %while3A_434 iter_args(%while3A_449 = %while3A_433) -> (vector<16xi1>)  : i32 {
          %mul3A_450 = arith.constant 16 : i32
          %mul3A_451 = arith.muli %while3A_448, %mul3A_450 : i32
          %get3A_452 = arith.index_cast %mul3A_451 : i32 to index
          %get3A_453 = tpu.vector_load %arg17[%get3A_452] {strides = array<i32>} : memref<320xf32, #tpu.memory_space<vmem>>, vector<16xf32>,
          %mul3A_454 = arith.constant 16 : i32
          %mul3A_455 = arith.muli %while3A_448, %mul3A_454 : i32
          %get3A_456 = arith.index_cast %mul3A_455 : i32 to index
          %get3A_457 = tpu.vector_load %arg18[%get3A_456] {strides = array<i32>} : memref<320xf32, #tpu.memory_space<vmem>>, vector<16xf32>,
          %mul3A_458 = arith.constant 16 : i32
          %mul3A_459 = arith.muli %while3A_448, %mul3A_458 : i32
          %get3A_460 = arith.index_cast %mul3A_459 : i32 to index
          %get3A_461 = tpu.vector_load %arg19[%get3A_460] {strides = array<i32>} : memref<320xf32, #tpu.memory_space<vmem>>, vector<16xf32>,
          %mul3A_462 = arith.constant 16 : i32
          %mul3A_463 = arith.muli %while3A_448, %mul3A_462 : i32
          %get3A_464 = arith.index_cast %mul3A_463 : i32 to index
          %get3A_465 = tpu.vector_load %arg20[%get3A_464] {strides = array<i32>} : memref<320xf32, #tpu.memory_space<vmem>>, vector<16xf32>,
          %mul3A_466 = arith.constant 16 : i32
          %mul3A_467 = arith.muli %while3A_448, %mul3A_466 : i32
          %get3A_468 = arith.index_cast %mul3A_467 : i32 to index
          %get3A_469 = tpu.vector_load %arg21[%get3A_468] {strides = array<i32>} : memref<320xf32, #tpu.memory_space<vmem>>, vector<16xf32>,
          %max3A_470 = vector.broadcast %add3A_412 : f32 to vector<16xf32>
          %max3A_471 = arith.maximumf %get3A_453, %max3A_470 : vector<16xf32>
          %max3A_472 = vector.broadcast %add3A_413 : f32 to vector<16xf32>
          %max3A_473 = arith.maximumf %get3A_457, %max3A_472 : vector<16xf32>
          %min3A_474 = vector.broadcast %add3A_414 : f32 to vector<16xf32>
          %min3A_475 = arith.minimumf %get3A_461, %min3A_474 : vector<16xf32>
          %min3A_476 = vector.broadcast %add3A_415 : f32 to vector<16xf32>
          %min3A_477 = arith.minimumf %get3A_465, %min3A_476 : vector<16xf32>
          %sub3A_478 = arith.subf %min3A_475, %max3A_471 : vector<16xf32>
          %max3A_479 = arith.constant 0.000000e+00 : f32
          %max3A_480 = vector.broadcast %max3A_479 : f32 to vector<16xf32>
          %max3A_481 = arith.maximumf %sub3A_478, %max3A_480 : vector<16xf32>
          %sub3A_482 = arith.subf %min3A_477, %max3A_473 : vector<16xf32>
          %max3A_483 = arith.constant 0.000000e+00 : f32
          %max3A_484 = vector.broadcast %max3A_483 : f32 to vector<16xf32>
          %max3A_485 = arith.maximumf %sub3A_482, %max3A_484 : vector<16xf32>
          %mul3A_486 = arith.mulf %max3A_481, %max3A_485 : vector<16xf32>
          %add3A_487 = vector.broadcast %mul3A_418 : f32 to vector<16xf32>
          %add3A_488 = arith.addf %get3A_469, %add3A_487 : vector<16xf32>
          %sub3A_489 = arith.subf %add3A_488, %mul3A_486 : vector<16xf32>
          %add3A_490 = arith.constant 9.99999971E-10 : f32
          %add3A_491 = vector.broadcast %add3A_490 : f32 to vector<16xf32>
          %add3A_492 = arith.addf %sub3A_489, %add3A_491 : vector<16xf32>
          %div3A = arith.divf %mul3A_486, %add3A_492 : vector<16xf32>
          %gt3A_493 = arith.constant 0.699999988 : f32
          %gt3A_494 = vector.broadcast %gt3A_493 : f32 to vector<16xf32>
          %gt3A_495 = arith.cmpf ogt, %div3A, %gt3A_494 : vector<16xf32>
          %or3A_496 = arith.ori %while3A_449, %gt3A_495 : vector<16xi1>
          scf.yield %or3A_496 : vector<16xi1>
        }
        %all_reduce_population_count3A_436 = tpu.all_reduce %while3A_435 {dim = 0 : i64, kind = #tpu.reduction_kind<sum>} : vector<16xi1> -> vector<16xi32>
        %slice3A_437 = vector.extract_strided_slice %all_reduce_population_count3A_436 {offsets = [0], sizes = [1], strides = [1]} : vector<16xi32> to vector<1xi32>
        %squeeze3A_438 = vector.extract %slice3A_437[0] : i32 from vector<1xi32>
        %eq3A = arith.constant 0 : i32
        %eq3A_439 = arith.cmpi eq, %squeeze3A_438, %eq3A : i32
        %convert_element_type3A_440 = arith.extui %eq3A_439 : i1 to i32
        %cond3A_441 = arith.constant 0 : i32
        %cond3A_442 = arith.cmpi ne, %convert_element_type3A_440, %cond3A_441 : i32
        scf.if %cond3A_442 {
          %broadcast_in_dim3A_448 = arith.constant 0 : i32
          %broadcast_in_dim3A_449 = vector.broadcast %broadcast_in_dim3A_448 : i32 to vector<16xi32>
          %add3A_450 = vector.broadcast %while3A_378 : i32 to vector<16xi32>
          %add3A_451 = arith.addi %broadcast_in_dim3A_449, %add3A_450 : vector<16xi32>
          %broadcast_in_dim3A_452 = arith.constant 0.000000e+00 : f32
          %broadcast_in_dim3A_453 = vector.broadcast %broadcast_in_dim3A_452 : f32 to vector<16xf32>
          %add3A_454 = vector.broadcast %add3A_412 : f32 to vector<16xf32>
          %add3A_455 = arith.addf %broadcast_in_dim3A_453, %add3A_454 : vector<16xf32>
          %iota3A_456 = tpu.iota {dimensions = array<i32: 0>} : vector<16xi32>
          %eq3A_457 = arith.constant 0 : i32
          %eq3A_458 = vector.broadcast %eq3A_457 : i32 to vector<16xi32>
          %eq3A_459 = arith.cmpi eq, %iota3A_456, %eq3A_458 : vector<16xi32>
          tpu.vector_store_idx %arg17[%add3A_451], %add3A_455 masked %eq3A_459 : memref<320xf32, #tpu.memory_space<vmem>>[vector<16xi32>], vector<16xf32>, vector<16xi1>
          %broadcast_in_dim3A_460 = arith.constant 0 : i32
          %broadcast_in_dim3A_461 = vector.broadcast %broadcast_in_dim3A_460 : i32 to vector<16xi32>
          %add3A_462 = vector.broadcast %while3A_378 : i32 to vector<16xi32>
          %add3A_463 = arith.addi %broadcast_in_dim3A_461, %add3A_462 : vector<16xi32>
          %broadcast_in_dim3A_464 = arith.constant 0.000000e+00 : f32
          %broadcast_in_dim3A_465 = vector.broadcast %broadcast_in_dim3A_464 : f32 to vector<16xf32>
          %add3A_466 = vector.broadcast %add3A_413 : f32 to vector<16xf32>
          %add3A_467 = arith.addf %broadcast_in_dim3A_465, %add3A_466 : vector<16xf32>
          %iota3A_468 = tpu.iota {dimensions = array<i32: 0>} : vector<16xi32>
          %eq3A_469 = arith.constant 0 : i32
          %eq3A_470 = vector.broadcast %eq3A_469 : i32 to vector<16xi32>
          %eq3A_471 = arith.cmpi eq, %iota3A_468, %eq3A_470 : vector<16xi32>
          tpu.vector_store_idx %arg18[%add3A_463], %add3A_467 masked %eq3A_471 : memref<320xf32, #tpu.memory_space<vmem>>[vector<16xi32>], vector<16xf32>, vector<16xi1>
          %broadcast_in_dim3A_472 = arith.constant 0 : i32
          %broadcast_in_dim3A_473 = vector.broadcast %broadcast_in_dim3A_472 : i32 to vector<16xi32>
          %add3A_474 = vector.broadcast %while3A_378 : i32 to vector<16xi32>
          %add3A_475 = arith.addi %broadcast_in_dim3A_473, %add3A_474 : vector<16xi32>
          %broadcast_in_dim3A_476 = arith.constant 0.000000e+00 : f32
          %broadcast_in_dim3A_477 = vector.broadcast %broadcast_in_dim3A_476 : f32 to vector<16xf32>
          %add3A_478 = vector.broadcast %add3A_414 : f32 to vector<16xf32>
          %add3A_479 = arith.addf %broadcast_in_dim3A_477, %add3A_478 : vector<16xf32>
          %iota3A_480 = tpu.iota {dimensions = array<i32: 0>} : vector<16xi32>
          %eq3A_481 = arith.constant 0 : i32
          %eq3A_482 = vector.broadcast %eq3A_481 : i32 to vector<16xi32>
          %eq3A_483 = arith.cmpi eq, %iota3A_480, %eq3A_482 : vector<16xi32>
          tpu.vector_store_idx %arg19[%add3A_475], %add3A_479 masked %eq3A_483 : memref<320xf32, #tpu.memory_space<vmem>>[vector<16xi32>], vector<16xf32>, vector<16xi1>
          %broadcast_in_dim3A_484 = arith.constant 0 : i32
          %broadcast_in_dim3A_485 = vector.broadcast %broadcast_in_dim3A_484 : i32 to vector<16xi32>
          %add3A_486 = vector.broadcast %while3A_378 : i32 to vector<16xi32>
          %add3A_487 = arith.addi %broadcast_in_dim3A_485, %add3A_486 : vector<16xi32>
          %broadcast_in_dim3A_488 = arith.constant 0.000000e+00 : f32
          %broadcast_in_dim3A_489 = vector.broadcast %broadcast_in_dim3A_488 : f32 to vector<16xf32>
          %add3A_490 = vector.broadcast %add3A_415 : f32 to vector<16xf32>
          %add3A_491 = arith.addf %broadcast_in_dim3A_489, %add3A_490 : vector<16xf32>
          %iota3A_492 = tpu.iota {dimensions = array<i32: 0>} : vector<16xi32>
          %eq3A_493 = arith.constant 0 : i32
          %eq3A_494 = vector.broadcast %eq3A_493 : i32 to vector<16xi32>
          %eq3A_495 = arith.cmpi eq, %iota3A_492, %eq3A_494 : vector<16xi32>
          tpu.vector_store_idx %arg20[%add3A_487], %add3A_491 masked %eq3A_495 : memref<320xf32, #tpu.memory_space<vmem>>[vector<16xi32>], vector<16xf32>, vector<16xi1>
          %broadcast_in_dim3A_496 = arith.constant 0 : i32
          %broadcast_in_dim3A_497 = vector.broadcast %broadcast_in_dim3A_496 : i32 to vector<16xi32>
          %add3A_498 = vector.broadcast %while3A_378 : i32 to vector<16xi32>
          %add3A_499 = arith.addi %broadcast_in_dim3A_497, %add3A_498 : vector<16xi32>
          %broadcast_in_dim3A_500 = arith.constant 0.000000e+00 : f32
          %broadcast_in_dim3A_501 = vector.broadcast %broadcast_in_dim3A_500 : f32 to vector<16xf32>
          %add3A_502 = vector.broadcast %mul3A_418 : f32 to vector<16xf32>
          %add3A_503 = arith.addf %broadcast_in_dim3A_501, %add3A_502 : vector<16xf32>
          %iota3A_504 = tpu.iota {dimensions = array<i32: 0>} : vector<16xi32>
          %eq3A_505 = arith.constant 0 : i32
          %eq3A_506 = vector.broadcast %eq3A_505 : i32 to vector<16xi32>
          %eq3A_507 = arith.cmpi eq, %iota3A_504, %eq3A_506 : vector<16xi32>
          tpu.vector_store_idx %arg21[%add3A_499], %add3A_503 masked %eq3A_507 : memref<320xf32, #tpu.memory_space<vmem>>[vector<16xi32>], vector<16xf32>, vector<16xi1>
          %mul3A_508 = arith.constant 4 : i32
          %mul3A_509 = arith.muli %while3A_378, %mul3A_508 : i32
          %add3A_510 = arith.constant 0 : i32
          %add3A_511 = arith.addi %mul3A_509, %add3A_510 : i32
          %broadcast_in_dim3A_512 = arith.constant 0 : i32
          %broadcast_in_dim3A_513 = vector.broadcast %broadcast_in_dim3A_512 : i32 to vector<16xi32>
          %add3A_514 = vector.broadcast %add3A_511 : i32 to vector<16xi32>
          %add3A_515 = arith.addi %broadcast_in_dim3A_513, %add3A_514 : vector<16xi32>
          %broadcast_in_dim3A_516 = arith.constant 0.000000e+00 : f32
          %broadcast_in_dim3A_517 = vector.broadcast %broadcast_in_dim3A_516 : f32 to vector<16xf32>
          %add3A_518 = vector.broadcast %squeeze3A_402 : f32 to vector<16xf32>
          %add3A_519 = arith.addf %broadcast_in_dim3A_517, %add3A_518 : vector<16xf32>
          %iota3A_520 = tpu.iota {dimensions = array<i32: 0>} : vector<16xi32>
          %eq3A_521 = arith.constant 0 : i32
          %eq3A_522 = vector.broadcast %eq3A_521 : i32 to vector<16xi32>
          %eq3A_523 = arith.cmpi eq, %iota3A_520, %eq3A_522 : vector<16xi32>
          tpu.vector_store_idx %arg22[%add3A_515], %add3A_519 masked %eq3A_523 : memref<1200xf32, #tpu.memory_space<vmem>>[vector<16xi32>], vector<16xf32>, vector<16xi1>
          %mul3A_524 = arith.constant 4 : i32
          %mul3A_525 = arith.muli %while3A_378, %mul3A_524 : i32
          %add3A_526 = arith.constant 1 : i32
          %add3A_527 = arith.addi %mul3A_525, %add3A_526 : i32
          %broadcast_in_dim3A_528 = arith.constant 0 : i32
          %broadcast_in_dim3A_529 = vector.broadcast %broadcast_in_dim3A_528 : i32 to vector<16xi32>
          %add3A_530 = vector.broadcast %add3A_527 : i32 to vector<16xi32>
          %add3A_531 = arith.addi %broadcast_in_dim3A_529, %add3A_530 : vector<16xi32>
          %broadcast_in_dim3A_532 = arith.constant 0.000000e+00 : f32
          %broadcast_in_dim3A_533 = vector.broadcast %broadcast_in_dim3A_532 : f32 to vector<16xf32>
          %add3A_534 = vector.broadcast %squeeze3A_404 : f32 to vector<16xf32>
          %add3A_535 = arith.addf %broadcast_in_dim3A_533, %add3A_534 : vector<16xf32>
          %iota3A_536 = tpu.iota {dimensions = array<i32: 0>} : vector<16xi32>
          %eq3A_537 = arith.constant 0 : i32
          %eq3A_538 = vector.broadcast %eq3A_537 : i32 to vector<16xi32>
          %eq3A_539 = arith.cmpi eq, %iota3A_536, %eq3A_538 : vector<16xi32>
          tpu.vector_store_idx %arg22[%add3A_531], %add3A_535 masked %eq3A_539 : memref<1200xf32, #tpu.memory_space<vmem>>[vector<16xi32>], vector<16xf32>, vector<16xi1>
          %mul3A_540 = arith.constant 4 : i32
          %mul3A_541 = arith.muli %while3A_378, %mul3A_540 : i32
          %add3A_542 = arith.constant 2 : i32
          %add3A_543 = arith.addi %mul3A_541, %add3A_542 : i32
          %broadcast_in_dim3A_544 = arith.constant 0 : i32
          %broadcast_in_dim3A_545 = vector.broadcast %broadcast_in_dim3A_544 : i32 to vector<16xi32>
          %add3A_546 = vector.broadcast %add3A_543 : i32 to vector<16xi32>
          %add3A_547 = arith.addi %broadcast_in_dim3A_545, %add3A_546 : vector<16xi32>
          %broadcast_in_dim3A_548 = arith.constant 0.000000e+00 : f32
          %broadcast_in_dim3A_549 = vector.broadcast %broadcast_in_dim3A_548 : f32 to vector<16xf32>
          %add3A_550 = vector.broadcast %squeeze3A_406 : f32 to vector<16xf32>
          %add3A_551 = arith.addf %broadcast_in_dim3A_549, %add3A_550 : vector<16xf32>
          %iota3A_552 = tpu.iota {dimensions = array<i32: 0>} : vector<16xi32>
          %eq3A_553 = arith.constant 0 : i32
          %eq3A_554 = vector.broadcast %eq3A_553 : i32 to vector<16xi32>
          %eq3A_555 = arith.cmpi eq, %iota3A_552, %eq3A_554 : vector<16xi32>
          tpu.vector_store_idx %arg22[%add3A_547], %add3A_551 masked %eq3A_555 : memref<1200xf32, #tpu.memory_space<vmem>>[vector<16xi32>], vector<16xf32>, vector<16xi1>
          %mul3A_556 = arith.constant 4 : i32
          %mul3A_557 = arith.muli %while3A_378, %mul3A_556 : i32
          %add3A_558 = arith.constant 3 : i32
          %add3A_559 = arith.addi %mul3A_557, %add3A_558 : i32
          %broadcast_in_dim3A_560 = arith.constant 0 : i32
          %broadcast_in_dim3A_561 = vector.broadcast %broadcast_in_dim3A_560 : i32 to vector<16xi32>
          %add3A_562 = vector.broadcast %add3A_559 : i32 to vector<16xi32>
          %add3A_563 = arith.addi %broadcast_in_dim3A_561, %add3A_562 : vector<16xi32>
          %broadcast_in_dim3A_564 = arith.constant 0.000000e+00 : f32
          %broadcast_in_dim3A_565 = vector.broadcast %broadcast_in_dim3A_564 : f32 to vector<16xf32>
          %add3A_566 = vector.broadcast %squeeze3A_408 : f32 to vector<16xf32>
          %add3A_567 = arith.addf %broadcast_in_dim3A_565, %add3A_566 : vector<16xf32>
          %iota3A_568 = tpu.iota {dimensions = array<i32: 0>} : vector<16xi32>
          %eq3A_569 = arith.constant 0 : i32
          %eq3A_570 = vector.broadcast %eq3A_569 : i32 to vector<16xi32>
          %eq3A_571 = arith.cmpi eq, %iota3A_568, %eq3A_570 : vector<16xi32>
          tpu.vector_store_idx %arg22[%add3A_563], %add3A_567 masked %eq3A_571 : memref<1200xf32, #tpu.memory_space<vmem>>[vector<16xi32>], vector<16xf32>, vector<16xi1>
          %broadcast_in_dim3A_572 = arith.constant 0 : i32
          %broadcast_in_dim3A_573 = vector.broadcast %broadcast_in_dim3A_572 : i32 to vector<16xi32>
          %add3A_574 = vector.broadcast %while3A_378 : i32 to vector<16xi32>
          %add3A_575 = arith.addi %broadcast_in_dim3A_573, %add3A_574 : vector<16xi32>
          %broadcast_in_dim3A_576 = arith.constant 0.000000e+00 : f32
          %broadcast_in_dim3A_577 = vector.broadcast %broadcast_in_dim3A_576 : f32 to vector<16xf32>
          %add3A_578 = vector.broadcast %bitcast_convert_type3A : f32 to vector<16xf32>
          %add3A_579 = arith.addf %broadcast_in_dim3A_577, %add3A_578 : vector<16xf32>
          %iota3A_580 = tpu.iota {dimensions = array<i32: 0>} : vector<16xi32>
          %eq3A_581 = arith.constant 0 : i32
          %eq3A_582 = vector.broadcast %eq3A_581 : i32 to vector<16xi32>
          %eq3A_583 = arith.cmpi eq, %iota3A_580, %eq3A_582 : vector<16xi32>
          tpu.vector_store_idx %arg23[%add3A_575], %add3A_579 masked %eq3A_583 : memref<304xf32, #tpu.memory_space<vmem>>[vector<16xi32>], vector<16xf32>, vector<16xi1>
          %broadcast_in_dim3A_584 = arith.constant 0 : i32
          %broadcast_in_dim3A_585 = vector.broadcast %broadcast_in_dim3A_584 : i32 to vector<16xi32>
          %add3A_586 = vector.broadcast %while3A_378 : i32 to vector<16xi32>
          %add3A_587 = arith.addi %broadcast_in_dim3A_585, %add3A_586 : vector<16xi32>
          %broadcast_in_dim3A_588 = arith.constant 0 : i32
          %broadcast_in_dim3A_589 = vector.broadcast %broadcast_in_dim3A_588 : i32 to vector<16xi32>
          %add3A_590 = vector.broadcast %sub3A_396 : i32 to vector<16xi32>
          %add3A_591 = arith.addi %broadcast_in_dim3A_589, %add3A_590 : vector<16xi32>
          %iota3A_592 = tpu.iota {dimensions = array<i32: 0>} : vector<16xi32>
          %eq3A_593 = arith.constant 0 : i32
          %eq3A_594 = vector.broadcast %eq3A_593 : i32 to vector<16xi32>
          %eq3A_595 = arith.cmpi eq, %iota3A_592, %eq3A_594 : vector<16xi32>
          tpu.vector_store_idx %arg24[%add3A_587], %add3A_591 masked %eq3A_595 : memref<304xi32, #tpu.memory_space<vmem>>[vector<16xi32>], vector<16xi32>, vector<16xi1>
        } else {
        }
        %add3A_443 = arith.constant 1 : i32
        %add3A_444 = arith.addi %while3A_378, %add3A_443 : i32
        %select_n3A_445 = arith.select %eq3A_439, %add3A_444, %while3A_378 : i32
        %add3A_446 = arith.constant 1 : i32
        %add3A_447 = arith.addi %while3A_377, %add3A_446 : i32
        scf.yield %add3A_447, %select_n3A_445 : i32, i32
      }
      %mul3A_371 = arith.constant 1200 : i32
      %mul3A_372 = arith.muli %add3A, %mul3A_371 : i32
      "tpu.region"() ({
        %run_scoped3A = tpu.sem_alloc : memref<!tpu.dma_semaphore, #tpu.memory_space<semaphore_mem>>
        %dma_start3A_377 = tpu.memref_slice %arg4[%mul3A_372] : memref<9600xf32, #tpu.memory_space<hbm>> -> memref<1200xf32, #tpu.memory_space<hbm>>
        %dma_start3A_378 = tpu.memref_slice %arg4[%mul3A_372] : memref<9600xf32, #tpu.memory_space<hbm>> -> memref<1200xf32, #tpu.memory_space<hbm>>
        tpu.enqueue_dma source(%arg22 : memref<1200xf32, #tpu.memory_space<vmem>>) target(%dma_start3A_378 : memref<1200xf32, #tpu.memory_space<hbm>>) target_semaphore(%run_scoped3A : memref<!tpu.dma_semaphore, #tpu.memory_space<semaphore_mem>>)
        %dma_wait3A_379 = tpu.memref_slice %arg4[%mul3A_372] : memref<9600xf32, #tpu.memory_space<hbm>> -> memref<1200xf32, #tpu.memory_space<hbm>>
        %dma_wait3A_380 = tpu.memref_slice %arg4[%mul3A_372] : memref<9600xf32, #tpu.memory_space<hbm>> -> memref<1200xf32, #tpu.memory_space<hbm>>
        tpu.wait_dma2 semaphore(%run_scoped3A : memref<!tpu.dma_semaphore, #tpu.memory_space<semaphore_mem>>) src(%arg22 : memref<1200xf32, #tpu.memory_space<vmem>>) dst(%dma_wait3A_380 : memref<1200xf32, #tpu.memory_space<hbm>>)
        tpu.yield
      }) : () -> ()
      %mul3A_373 = arith.constant 304 : i32
      %mul3A_374 = arith.muli %add3A, %mul3A_373 : i32
      "tpu.region"() ({
        %run_scoped3A = tpu.sem_alloc : memref<!tpu.dma_semaphore, #tpu.memory_space<semaphore_mem>>
        %dma_start3A_377 = tpu.memref_slice %arg5[%mul3A_374] : memref<2432xf32, #tpu.memory_space<hbm>> -> memref<304xf32, #tpu.memory_space<hbm>>
        %dma_start3A_378 = tpu.memref_slice %arg5[%mul3A_374] : memref<2432xf32, #tpu.memory_space<hbm>> -> memref<304xf32, #tpu.memory_space<hbm>>
        tpu.enqueue_dma source(%arg23 : memref<304xf32, #tpu.memory_space<vmem>>) target(%dma_start3A_378 : memref<304xf32, #tpu.memory_space<hbm>>) target_semaphore(%run_scoped3A : memref<!tpu.dma_semaphore, #tpu.memory_space<semaphore_mem>>)
        %dma_wait3A_379 = tpu.memref_slice %arg5[%mul3A_374] : memref<2432xf32, #tpu.memory_space<hbm>> -> memref<304xf32, #tpu.memory_space<hbm>>
        %dma_wait3A_380 = tpu.memref_slice %arg5[%mul3A_374] : memref<2432xf32, #tpu.memory_space<hbm>> -> memref<304xf32, #tpu.memory_space<hbm>>
        tpu.wait_dma2 semaphore(%run_scoped3A : memref<!tpu.dma_semaphore, #tpu.memory_space<semaphore_mem>>) src(%arg23 : memref<304xf32, #tpu.memory_space<vmem>>) dst(%dma_wait3A_380 : memref<304xf32, #tpu.memory_space<hbm>>)
        tpu.yield
      }) : () -> ()
      %mul3A_375 = arith.constant 304 : i32
      %mul3A_376 = arith.muli %add3A, %mul3A_375 : i32
      "tpu.region"() ({
        %run_scoped3A = tpu.sem_alloc : memref<!tpu.dma_semaphore, #tpu.memory_space<semaphore_mem>>
        %dma_start3A_377 = tpu.memref_slice %arg6[%mul3A_376] : memref<2432xi32, #tpu.memory_space<hbm>> -> memref<304xi32, #tpu.memory_space<hbm>>
        %dma_start3A_378 = tpu.memref_slice %arg6[%mul3A_376] : memref<2432xi32, #tpu.memory_space<hbm>> -> memref<304xi32, #tpu.memory_space<hbm>>
        tpu.enqueue_dma source(%arg24 : memref<304xi32, #tpu.memory_space<vmem>>) target(%dma_start3A_378 : memref<304xi32, #tpu.memory_space<hbm>>) target_semaphore(%run_scoped3A : memref<!tpu.dma_semaphore, #tpu.memory_space<semaphore_mem>>)
        %dma_wait3A_379 = tpu.memref_slice %arg6[%mul3A_376] : memref<2432xi32, #tpu.memory_space<hbm>> -> memref<304xi32, #tpu.memory_space<hbm>>
        %dma_wait3A_380 = tpu.memref_slice %arg6[%mul3A_376] : memref<2432xi32, #tpu.memory_space<hbm>> -> memref<304xi32, #tpu.memory_space<hbm>>
        tpu.wait_dma2 semaphore(%run_scoped3A : memref<!tpu.dma_semaphore, #tpu.memory_space<semaphore_mem>>) src(%arg24 : memref<304xi32, #tpu.memory_space<vmem>>) dst(%dma_wait3A_380 : memref<304xi32, #tpu.memory_space<hbm>>)
        tpu.yield
      }) : () -> ()
    } else {
    }
    return
  }
}

</mosaic_0001>

<sc_bundles>
// kernel: kernel.3.cloned.1.call-start
scs
__scs_entry_jumppad:
0x0: {  	(pc) =	sbr.rel $0x88, $3  }
0x1: {  	(tag) =	ssettag $0x0;
	lr =	simm.s32 $0x1  }
0x2: {  	[smem:$0x3F9F] =	sst lr;
	_ =	strace $0xD0000000  }
0x3: {  	_ = 	snop  }
0x4: {  	_ = 	snop  }
0x5: {  	_ = 	snop  }
0x6: {  	_ = 	snop  }
0x7: {  	_ = 	snop  }
__scs_overlays_trampoline_lowered:
0x8: {  	[smem:$0x3FAE] =	sst s0  }
0x9: {  	[smem:$0x3FAF] =	sst s1  }
0xa: {  	[smem:$0x3FB0] =	sst s2  }
0xb: {  	[smem:$0x3FB1] =	sst s3  }
0xc: {  	[smem:$0x3FB2] =	sst s4  }
0xd: {  	[smem:$0x3FB3] =	sst s5  }
0xe: {  	[smem:$0x3FB4] =	sst s6  }
0xf: {  	[smem:$0x3FB5] =	sst s7  }
0x10: {  	[smem:$0x3FB6] =	sst s8  }
0x11: {  	[smem:$0x3FB7] =	sst s9;
	s0 =	simm.s32 @!p0 $0x0  }
0x12: {  	s1 =	sld [smem:$0x3F9D];
	s0 =	simm.s32 @p0 $0x1  }
0x13: {  	[smem:$0x3FB8] =	sst s0;
	s0 =	simm.s32 @!p1 $0x0  }
0x14: {  	s2 =	sld [smem:$0x3F9C];
	s0 =	simm.s32 @p1 $0x1  }
0x15: {  	[smem:$0x3FB9] =	sst s0;
	s0 =	simm.s32 @!p2 $0x0  }
0x16: {  	s3 =	sld [smem:$0x3FDB];
	s0 =	simm.s32 @p2 $0x1  }
0x17: {  	s4 =	simm.s32 $0x1BF5;
	[smem:$0x3FBB] =	sst s0  }
0x18: {  	s0 =	sld [smem:$0x3F9E];
	_ =	swait.ge [sflag:s4], $0x0  }
0x19: {  	s7 =	sld [smem:$0x3F9F]  }
0x1a: {  	s8 =	sadd.s32 $0xFFFFE003, lr  }
0x1b: {  	s9 =	sadd.s32 $0xFFFFFEF7, lr;
	s5 =	simm.s32 $0xFFFFFFFF;
	p2 =	slt.u32 s8, $0xFFFFF086  }
0x1c: {  	p1 =	slt.u32 s9, $0xF7A;
	s5 =	simm.s32 @!p2 $0x0  }
0x1d: {  	s5 =	simm.s32 @p1 $0x1;
	p0 =	seq.s32 s7, s2  }
0x1e: {  	s7 =	smul.u32 @!p0 $0xF7A, s2;
	p2 =	seq.s32 @!p0 s5, $0x0  }
0x1f: {  	s9 =	smul.u32 $0xF7A, s1;
	s8 =	simm.s32 @!p0 $0x1BF5;
	p2 =	por !p2, p0  }
0x20: {  	[sflag:s8] =	ssyncset.s32 @!p0 $0xFFFFF086;
	s6 =	sadd.s32 @!p0 s3, s7;
	s7 =	simm.s32 @!p0 $0x108  }
0x21: {  	s3 =	sadd.s32 s3, s9;
	s6 =	sadd.s32 @!p0 $0x88, s6;
	s7 =	simm.s32 @p2 $0x1082  }
0x22: {  	[simem:s7], [sflag:s8] =	dma.local @!p0 [hbm:s6], $0xF7A  }
0x23: {  	s9 =	sor.u32 $0xD0000000, s2;
	s6 =	simm.s32 $0x108;
	_ =	swait.ge @!p0 [sflag:s8], $0x0  }
0x24: {  	s3 =	sadd.s32 $0x88, s3;
	s6 =	simm.s32 @!p1 $0x1082;
	[sflag:s4] =	ssyncset.s32 $0xFFFFF086  }
0x25: {  	[simem:s6], [sflag:s4] =	dma.local [hbm:s3], $0xF7A  }
0x26: {  	[smem:$0x3F9F] =	sst s1;
	(tag) =	ssettag s2;
	_ =	strace s9  }
0x27: {  	s1 =	sld [smem:$0x3FAF]  }
0x28: {  	s2 =	sld [smem:$0x3FB0]  }
0x29: {  	s4 =	sld [smem:$0x3FB2]  }
0x2a: {  	p0 =	seq.s32 s5, $0x0;
	s5 =	sld [smem:$0x3FB3]  }
0x2b: {  	s6 =	sld [smem:$0x3FB4]  }
0x2c: {  	s7 =	sld [smem:$0x3FB5]  }
0x2d: {  	s3 =	simm.s32 $0x108;
	s8 =	sld [smem:$0x3FB6]  }
0x2e: {  	s3 =	simm.s32 @!p0 $0x1082;
	s9 =	sld [smem:$0x3FB7]  }
0x2f: {  	lr =	sadd.s32 s0, s3;
	s0 =	sld [smem:$0x3FAE]  }
0x30: {  	s3 =	sld [smem:$0x3FB1]  }
0x31: {  	[smem:$0x3FBA] =	sst s10  }
0x32: {  	s10 =	sld [smem:$0x3FB8];
	_ =	sdelay $0x3  }
0x33: {  	p0 =	seq.s32 s10, $0x1;
	s10 =	sld [smem:$0x3FBA];
	_ =	sdelay $0x3  }
0x34: {  	[smem:$0x3FBA] =	sst s10  }
0x35: {  	s10 =	sld [smem:$0x3FB9];
	_ =	sdelay $0x3  }
0x36: {  	p1 =	seq.s32 s10, $0x1;
	s10 =	sld [smem:$0x3FBA];
	_ =	sdelay $0x3  }
0x37: {  	[smem:$0x3FBA] =	sst s10  }
0x38: {  	s10 =	sld [smem:$0x3FBB]  }
0x39: {  	_ = 	snop;
	(pc) =	sbr.ind lr, $3  }
0x3a: {  	_ = 	snop  }
0x3b: {  	_ = 	snop  }
0x3c: {  	p2 =	seq.s32 s10, $0x1;
	s10 =	sld [smem:$0x3FBA]  }
0x3d: {  	_ =	shalt  }
0x3e: {  	_ =	shalt  }
0x3f: {  	_ =	shalt  }
0x40: {  	_ =	shalt  }
0x41: {  	_ =	shalt  }
0x42: {  	_ =	shalt  }
0x43: {  	_ =	shalt  }
0x44: {  	_ =	shalt  }
0x45: {  	_ =	shalt  }
0x46: {  	_ =	shalt  }
0x47: {  	_ =	shalt  }
0x48: {  	_ =	shalt  }
0x49: {  	_ =	shalt  }
0x4a: {  	_ =	shalt  }
0x4b: {  	_ =	shalt  }
0x4c: {  	_ =	shalt  }
0x4d: {  	_ =	shalt  }
0x4e: {  	_ =	shalt  }
0x4f: {  	_ =	shalt  }
0x50: {  	_ =	shalt  }
0x51: {  	_ =	shalt  }
0x52: {  	_ =	shalt  }
0x53: {  	_ =	shalt  }
0x54: {  	_ =	shalt  }
0x55: {  	_ =	shalt  }
0x56: {  	_ =	shalt  }
0x57: {  	_ =	shalt  }
0x58: {  	_ =	shalt  }
0x59: {  	_ =	shalt  }
0x5a: {  	_ =	shalt  }
0x5b: {  	_ =	shalt  }
0x5c: {  	_ =	shalt  }
0x5d: {  	_ =	shalt  }
0x5e: {  	_ =	shalt  }
0x5f: {  	_ =	shalt  }
0x60: {  	_ =	shalt  }
0x61: {  	_ =	shalt  }
0x62: {  	_ =	shalt  }
0x63: {  	_ =	shalt  }
0x64: {  	_ =	shalt  }
0x65: {  	_ =	shalt  }
0x66: {  	_ =	shalt  }
0x67: {  	_ =	shalt  }
0x68: {  	_ =	shalt  }
0x69: {  	_ =	shalt  }
0x6a: {  	_ =	shalt  }
0x6b: {  	_ =	shalt  }
0x6c: {  	_ =	shalt  }
0x6d: {  	_ =	shalt  }
0x6e: {  	_ =	shalt  }
0x6f: {  	_ =	shalt  }
0x70: {  	_ =	shalt  }
0x71: {  	_ =	shalt  }
0x72: {  	_ =	shalt  }
0x73: {  	_ =	shalt  }
0x74: {  	_ =	shalt  }
0x75: {  	_ =	shalt  }
0x76: {  	_ =	shalt  }
0x77: {  	_ =	shalt  }
0x78: {  	_ =	shalt  }
0x79: {  	_ =	shalt  }
0x7a: {  	_ =	shalt  }
0x7b: {  	_ =	shalt  }
0x7c: {  	_ =	shalt  }
0x7d: {  	_ =	shalt  }
0x7e: {  	_ =	shalt  }
0x7f: {  	_ =	shalt  }
0x80: {  	_ =	shalt  }
0x81: {  	_ =	shalt  }
0x82: {  	_ =	shalt  }
0x83: {  	_ =	shalt  }
0x84: {  	_ =	shalt  }
0x85: {  	_ =	shalt  }
0x86: {  	_ =	shalt  }
0x87: {  	_ =	shalt  }
.Lfunc_end0:
.L_simem_size_0:
called_computation_lowered:
.L_overlay_start_0:
0x88: {  	s2 =	sld [smem:$0x3FD9]  }
0x89: {  	s3 =	sld [smem:$0x3FFE];
	_ =	sdelay $0x1  }
0x8a: {  	s1 =	srdreg.scid  }
0x8b: {  	s0 =	sand.u32 $0x1, s1  }
0x8c: {  	s14 =	sshll.u32 s0, $0xA;
	s2 =	sadd.s32 s3, s2  }
0x8d: {  	s2 =	sadd.s32 s2, s14  }
0x8e: {  	[smem:$0x3FC6] =	sst s2  }
0x8f: {  	_ = 	snop  }
0x90: {  	s2 =	sld [smem:$0x3FD0];
	_ =	sdelay $0x2  }
0x91: {  	s15 =	simm.s32 $0xA;
	s4 =	simm.s32 $0x10  }
0x92: {  	[smem:s4], [sflag:s15] =	dma.local [hbm:s2], $0x1  }
0x93: {  	_ =	swait.eq [sflag:s15], $0x1  }
0x94: {  	[sflag:s15] =	ssyncset.done $0x0  }
0x95: {  	s16 =	sld [smem:$0x10];
	[sflag:s15] =	ssyncadd.s32 $0xFFFFFFFF  }
0x96: {  	s17 =	sld [smem:$0x12];
	(tm) =	ssettm $0x1  }
0x97: {  	s18 =	sld [smem:$0x3FFB];
	_ =	sdelay $0x3  }
0x98: {  	_ =	strace s18  }
0x99: {  	s4 =	sld [smem:$0x3FFC];
	_ =	sdelay $0x3  }
0x9a: {  	_ =	strace s4  }
0x9b: {  	s4 =	sld [smem:$0x3FFD];
	_ =	sdelay $0x3  }
0x9c: {  	_ =	strace s4  }
0x9d: {  	_ =	strace $0x8FFFFFFF  }
0x9e: {  	s19 =	sld [smem:$0x3FDB];
	_ =	sdelay $0x1  }
0x9f: {  	s5 =	simm.s32 $_scs_section_size  }
0xa0: {  	s6 =	simm.s32 $_size__tile_overlayer_lowered;
	s7 =	simm.s32 $_tile_overlayer_lowered  }
0xa1: {  	s22 =	simm.s32 $0x1BFF;
	s21 =	sshll.u32 s7, $0x1;
	s4 =	sadd.s32 s5, s19  }
0xa2: {  	s8 =	simm.s32 $0x0;
	s20 =	sshll.u32 s6, $0x1;
	s6 =	sadd.s32 s21, s4  }
0xa3: {  	[timem:s8], [sflag:s22] =	dma.local [hbm:s6], s20  }
0xa4: {  	_ =	swait.ge [sflag:s22], s20  }
0xa5: {  	s5 =	ssub.s32 $0x0, s20;
	[sflag:s22] =	ssyncset.done $0x0  }
0xa6: {  	[sflag:s22] =	ssyncadd.s32 s5;
	_ =	sdelay $0x1  }
0xa7: {  	s23 =	simm.s32 $0x1B8B  }
0xa8: {  	_ =	swait.ge [sflag:s23], $0x1  }
0xa9: {  	[sflag:s23] =	ssyncset.done $0x0  }
0xaa: {  	s25 =	simm.s32 $0x1B8E;
	s24 =	sld [smem:$0x3FFE];
	[sflag:s23] =	ssyncadd.s32 $0xFFFFFFFF  }
0xab: {  	s26 =	simm.s32 $execute0_lowered;
	[smem:$0x3FD2] =	sst s25  }
0xac: {  	s6 =	sshll.u32 s26, $0x1;
	_ =	strace $0x80000046;
	[dreg:$0x1] =	wrdreg $0xFFFFFFFF  }
0xad: {  	s28 =	simm.s32 $_size_execute0_lowered;
	s4 =	sadd.s32 s4, s6;
	[dreg:$0x0] =	wrdreg $0x0  }
0xae: {  	s6 =	sshll.u32 s28, $0x1;
	[dreg:$0x2] =	wrdreg s4  }
0xaf: {  	[dreg:$0x3] =	wrdreg s6  }
0xb0: {  	[dreg:$0x4] =	wrdreg $0xC0  }
0xb1: {  	_ =	task [dreg:s8], $0x5FFFF  }
0xb2: {  	[dreg:$0x1] =	wrdreg $0xFFFFFFFF  }
0xb3: {  	[dreg:$0x0] =	wrdreg $0x60  }
0xb4: {  	[dreg:$0x2] =	wrdreg s24  }
0xb5: {  	[dreg:$0x3] =	wrdreg s16  }
0xb6: {  	[dreg:$0x4] =	wrdreg s17  }
0xb7: {  	[dreg:$0x5] =	wrdreg $0x9  }
0xb8: {  	_ =	task.clear_ibuf [dreg:s8], $0x6FFFF;
	_ =	strace $0x90000046  }
0xb9: {  	s29 =	simm.s32 $0x9;
	_ =	strace $0x80000048  }
0xba: {  	_ =	swait.ge [sflag:s29], $0x1  }
0xbb: {  	[sflag:s29] =	ssyncadd.s32 $0xFFFFFFFF  }
0xbc: {  	_ =	strace $0x90000048  }
0xbd: {  	_ =	sfence  }
0xbe: {  	s30 =	sld [smem:$0x0];
	_ =	sdelay $0x2  }
0xbf: {  	s31 =	sshll.u32 s1, $0xD;
	s1 =	sshrl.u32 s1, $0x2  }
0xc0: {  	s3 =	sand.u32 $0x4000, s31;
	s1 =	sadd.s32 s1, s30  }
0xc1: {  	s0 =	sor.u32 s3, s0;
	s1 =	sshll.u32 s1, $0x11  }
0xc2: {  	s0 =	sor.u32 s1, s0  }
0xc3: {  	s0 =	sadd.s32 $0x8F2B, s0  }
0xc4: {  	[sflag:s0] =	ssyncadd.remote.s32 $0x1  }
0xc5: {  	_ =	sfence.sel $0xFFFF  }
0xc6: {  	[dreg:$0x0] =	wrdreg $0xFFFFFFFF;
	(pc) =	sbr.abs _section_cstart, $3  }
0xc7: {  	[dreg:$0x1] =	wrdreg $0xFFFFFFFF  }
0xc8: {  	_ =	task.clear_ibuf [dreg:s8], $0x2FFFF;
	_ =	strace $0x9FFFFFFF  }
0xc9: {  	(tm) =	ssettm $0x7FFFFFFF  }
tec
execute0_lowered:
.L_overlay_start_1:
0x0: {  	(tag) =	ssettag $0x1  }
0x1: {  	s3 =	stileid.u32  }
0x2: {  	p0 =	sgt.u32 s3, $0x3  }
.Ltmp0:
0x3: {  	_ = 	snop;
	(pc) =	sbr.rel @p0 .LBB2_104-.Ltmp0, $4  }
0x4: {  	s5 =	rddreg [dreg:$0x0]  }
0x5: {  	s1 =	rddreg [dreg:$0x1];
	s2 =	simm.s32 $0x0  }
0x6: {  	[smem:$0x7FF] =	sst s2  }
0x7: {  	s0 =	rddreg [dreg:$0x2];
	_ =	strace $0x80000047  }
0x8: {  	s3 =	srdreg.scid;
	s4 =	stileid.u32  }
0x9: {  	s10 =	sadd.s32 $0x600, s5;
	s14 =	simm.s32 $0x2710;
	s15 =	simm.s32 $0x1  }
0xa: {  	s16 =	simm.s32 $0x4E80;
	s17 =	simm.s32 $0x2;
	s7 =	sand.u32 $0x1, s3  }
0xb: {  	s18 =	simm.s32 $0x1A280;
	s19 =	simm.s32 $0x9E80;
	s3 =	sshll.u32 s7, $0x2  }
0xc: {  	s20 =	simm.s32 $0xAF00;
	s21 =	simm.s32 $0xD180;
	s8 =	sadd.s32 s4, s3  }
0xd: {  	s22 =	simm.s32 $0xE200;
	s23 =	simm.s32 $0xB080;
	s11 =	smul.u32 $0x96, s8  }
0xe: {  	s26 =	ssub.s32 $0x2, s7;
	s4 =	sadd.s32 $0x5600, s5;
	s9 =	smul.u32 $0x26, s8  }
0xf: {  	s28 =	sshrl.u32 s26, $0x1;
	s29 =	smul.u32 $0x9C4, s8;
	s1 =	sadd.s32 s1, s11  }
0x10: {  	s3 =	smul.u32 $0x61A80, s8;
	s0 =	sadd.s32 s0, s9;
	[dreg:$0x5] =	wrdreg s1  }
0x11: {  	s25 =	sadd.s32 s9, s5;
	s31 =	sadd.s32 s10, s29;
	[dreg:$0x6] =	wrdreg s0  }
.Ltmp1:
0x12: {  	s12 =	sadd.s32 $0x2710, s3;
	[dreg:$0x9] =	wrdreg s31;
	(pc) =	sbr.rel .LBB2_2-.Ltmp1, $4  }
0x13: {  	s30 =	sshrl.u32 s3, $0x3;
	s5 =	sadd.s32 $0x67200, s25;
	[dreg:$0x4] =	wrdreg s12  }
0x14: {  	v0 =	vimm.s32 $0x0;
	s0 =	ssub.s32 s26, s28;
	s13 =	sadd.s32 s4, s30;
	[dreg:$0x7] =	wrdreg s5  }
0x15: {  	v1 =	vimm.s32 $0x1;
	s24 =	simm.s32 $0xC100;
	v2 =	vimm.s32 $0x4FC;
	v3 =	vlaneseq.u32;
	s0 =	smax.u32 s0, $0x1;
	[dreg:$0x8] =	wrdreg s13  }
0x16: {  	v4 =	vimm.s32 $0xFFFFFFFF;
	v5 =	vimm.f32 $-1.000000020e+30;
	v6 =	vimm.f32 $0.0e+00;
	s6 =	sadd.s32 $0x4E20, s3;
	s5 =	simm.s32 $0x0;
	[dreg:$0xa] =	wrdreg s0  }
.LBB2_103:
0x17: {  	s0 =	rddreg [dreg:$0x5];
	s1 =	simm.s32 $0x15900;
	s25 =	simm.s32 $0x4  }
0x18: {  	[hbm4b:s0+s2] =	stream.linear.scatter [tilespmem:s1], [sflag:$0x4], $0x4B0, $0x38;
	[tilespmem:$0x1A800] =	vst v63  }
0x19: {  	_ =	swait.ge [sflag:s25], $0x4B0  }
0x1a: {  	[sflag:s25] =	ssyncset.done $0x0  }
0x1b: {  	s5 =	simm.s32 $0x15E00;
	s26 =	rddreg [dreg:$0x6];
	[sflag:s25] =	ssyncadd.s32 $0xFFFFFB50  }
0x1c: {  	[hbm4b:s26+s2] =	stream.linear.scatter [tilespmem:s5], [sflag:$0x4], $0x130, $0x38;
	[tilespmem:$0x1A800] =	vst v63  }
0x1d: {  	_ =	swait.ge [sflag:s25], $0x130  }
0x1e: {  	[sflag:s25] =	ssyncset.done $0x0  }
0x1f: {  	s29 =	simm.s32 $0x15F80;
	s28 =	rddreg [dreg:$0x7];
	[sflag:s25] =	ssyncadd.s32 $0xFFFFFED0  }
0x20: {  	[hbm4b:s28+s2] =	stream.linear.scatter [tilespmem:s29], [sflag:$0x4], $0x130, $0x38;
	[tilespmem:$0x1A800] =	vst v63  }
0x21: {  	_ =	swait.ge [sflag:s25], $0x130  }
0x22: {  	s30 =	rddreg [dreg:$0xb]  }
0x23: {  	s31 =	rddreg [dreg:$0xa];
	s5 =	sadd.s32 $0x1, s30  }
0x24: {  	p0 =	sne.s32 s5, s31  }
.Ltmp2:
0x25: {  	_ = 	snop;
	(pc) =	sbr.rel @!p0 .LBB2_104-.Ltmp2, $3  }
0x26: {  	_ =	sdelay $0x1  }
0x27: {  	[sflag:s25] =	ssyncset.done $0x0;
	s12 =	rddreg [dreg:$0x4]  }
0x28: {  	s13 =	rddreg [dreg:$0x8];
	[sflag:s25] =	ssyncadd.s32 $0xFFFFFED0  }
.LBB2_2:
0x29: {  	s0 =	rddreg [dreg:$0x9];
	s1 =	simm.s32 $0x10300  }
0x2a: {  	[tilespmem:s1], [sflag:$0x3] =	stream.linear.gather [hbm4b:s0+s2], $0x4E20, $0x38;
	[tilespmem:$0x1A800] =	vst v63  }
0x2b: {  	[dreg:$0xb] =	wrdreg s5;
	s0 =	simm.s32 $0x4EC0  }
0x2c: {  	[tilespmem:s0+$0xFFFFFFC0] =	vst v0  }
0x2d: {  	[tilespmem:s0+$0x30] =	vst v0  }
0x2e: {  	[tilespmem:s0+$0x20] =	vst v0  }
0x2f: {  	[tilespmem:s0+$0x10] =	vst v0  }
0x30: {  	[tilespmem:s0+$0x0] =	vst v0  }
0x31: {  	[tilespmem:s0+$0xFFFFFFF0] =	vst v0  }
0x32: {  	s7 =	simm.s32 $0x0;
	s1 =	simm.s32 $0x9E00;
	[tilespmem:s0+$0xFFFFFFE0] =	vst v0  }
.LBB2_3:
0x33: {  	s7 =	sadd.s32 $0x80, s7;
	[tilespmem:s0+$0xFFFFFFD0] =	vst v0;
	s0 =	sadd.s32 $0x80, s0;
	s5 =	simm.s32 $0x4F70  }
0x34: {  	[tilespmem:s0+$0xFFFFFFC0] =	vst v0;
	p0 =	slt.u32 s7, $0x4F00  }
0x35: {  	[tilespmem:s0+$0x30] =	vst v0  }
.Ltmp3:
0x36: {  	[tilespmem:s0+$0x20] =	vst v0;
	(pc) =	sbr.rel @p0 .LBB2_3-.Ltmp3, $4  }
0x37: {  	[tilespmem:s0+$0x10] =	vst v0  }
0x38: {  	[tilespmem:s0+$0x0] =	vst v0  }
0x39: {  	[tilespmem:s0+$0xFFFFFFF0] =	vst v0  }
0x3a: {  	[tilespmem:s0+$0xFFFFFFE0] =	vst v0  }
0x3b: {  	[tilespmem:s0+$0xFFFFFFD0] =	vst v0  }
.LBB2_5:
0x3c: {  	s5 =	sadd.s32 $0x10, s5  }
0x3d: {  	p0 =	slt.u32 s5, $0x4FD0  }
.Ltmp4:
0x3e: {  	_ = 	snop;
	(pc) =	sbr.rel @p0 .LBB2_5-.Ltmp4, $2  }
0x3f: {  	_ =	sdelay $0x2  }
0x40: {  	[tilespmem:s1+$0x0] =	vst v0;
	s1 =	sadd.s32 $0x10, s1;
	s7 =	simm.s32 $0xFFFFFF80;
	s0 =	simm.s32 $0x1A2C0  }
0x41: {  	[tilespmem:s0+$0xFFFFFFC0] =	vst v0  }
0x42: {  	[tilespmem:s0+$0x30] =	vst v0  }
0x43: {  	[tilespmem:s0+$0x20] =	vst v0  }
0x44: {  	[tilespmem:s0+$0x10] =	vst v0  }
0x45: {  	[tilespmem:s0+$0x0] =	vst v0  }
0x46: {  	[tilespmem:s0+$0xFFFFFFF0] =	vst v0  }
0x47: {  	s7 =	sadd.s32 $0x80, s7;
	[tilespmem:s0+$0xFFFFFFE0] =	vst v0;
	s1 =	simm.s32 $0x1A780  }
.LBB2_7:
0x48: {  	s7 =	sadd.s32 $0x80, s7;
	[tilespmem:s0+$0xFFFFFFD0] =	vst v0;
	s0 =	sadd.s32 $0x80, s0;
	s5 =	simm.s32 $0x4F0  }
0x49: {  	[tilespmem:s0+$0xFFFFFFC0] =	vst v0;
	p0 =	slt.u32 s7, $0x480  }
0x4a: {  	[tilespmem:s0+$0x30] =	vst v0  }
.Ltmp5:
0x4b: {  	[tilespmem:s0+$0x20] =	vst v0;
	(pc) =	sbr.rel @p0 .LBB2_7-.Ltmp5, $4  }
0x4c: {  	[tilespmem:s0+$0x10] =	vst v0  }
0x4d: {  	[tilespmem:s0+$0x0] =	vst v0  }
0x4e: {  	[tilespmem:s0+$0xFFFFFFF0] =	vst v0  }
0x4f: {  	[tilespmem:s0+$0xFFFFFFE0] =	vst v0  }
0x50: {  	[tilespmem:s0+$0xFFFFFFD0] =	vst v0  }
.LBB2_9:
0x51: {  	s5 =	sadd.s32 $0x10, s5  }
0x52: {  	p0 =	slt.u32 s5, $0x510  }
.Ltmp6:
0x53: {  	_ = 	snop;
	(pc) =	sbr.rel @p0 .LBB2_9-.Ltmp6, $2  }
0x54: {  	_ =	sdelay $0x2  }
0x55: {  	[tilespmem:s1+$0x0] =	vst v0;
	s1 =	sadd.s32 $0x10, s1  }
0x56: {  	s0 =	simm.s32 $0x0  }
0x57: {  	[tilespmem:s0], [sflag:$0x1] =	stream.linear.gather [hbm4b:s13+s0], $0x2710, $0x38;
	[tilespmem:$0x1A800] =	vst v63  }
.LBB2_11:
0x58: {  	s1 =	smul.u32 $0x4E20, s0;
	_ =	sdelay $0x1  }
0x59: {  	s5 =	sadd.s32 s1, s12  }
0x5a: {  	s5 =	sshrl.u32 s5, $0x3  }
0x5b: {  	s5 =	sadd.s32 s4, s5  }
0x5c: {  	[tilespmem:s14], [sflag:$0x2] =	stream.linear.gather [hbm4b:s5+s2], $0x2710, $0x38;
	[tilespmem:$0x1A800] =	vst v63  }
0x5d: {  	_ =	swait.ge [sflag:s15], $0x2710  }
0x5e: {  	[sflag:s15] =	ssyncset.done $0x0  }
0x5f: {  	s31 =	simm.s32 $0x20;
	[sflag:s15] =	ssyncadd.s32 $0xFFFFD8F0  }
0x60: {  	v7 =	vld [tilespmem:s31+$0x20]  }
0x61: {  	v8 =	vld [tilespmem:s31+$0xFFFFFFF0]  }
0x62: {  	v9 =	vld [tilespmem:s31+$0x0];
	_ =	sdelay $0x2  }
0x63: {  	v10 =	vshrl.u32 v7, $0xC  }
0x64: {  	v12 =	vshrl.u32 v8, $0xC;
	vm4 =	vgt.f32 v7, $1.000000050e-03;
	vm2 =	vgt.f32 v8, $1.000000050e-03  }
0x65: {  	v11 =	vld [tilespmem:s31+$0x10];
	vm1 =	vgt.f32 v9, $1.000000050e-03;
	v7 =	vmin.u32 v10, $0x3F7FF;
	v10 =	vmin.u32 v12, $0x3F7FF  }
0x66: {  	v8 =	vadd.s32 $0xFFFC57CF, v7;
	v7 =	vadd.s32 $0xFFFC57CF, v10;
	v10 =	vshrl.u32 v9, $0xC;
	v9 =	vld [tilespmem:s31+$0xFFFFFFE0];
	_ =	sdelay $0x3  }
0x67: {  	s7 =	simm.s32 $0x0;
	s5 =	simm.s32 $0x70;
	vm3 =	vgt.f32 v11, $1.000000050e-03;
	v11 =	vshrl.u32 v11, $0xC;
	v10 =	vmin.u32 v10, $0x3F7FF  }
.LBB2_12:
0x68: {  	v12 =	vld [tilespmem:s5+$0x20];
	s7 =	sadd.s32 $0x50, s7;
	v13 =	vshrl.u32 v9, $0xC;
	v10 =	vadd.s32 $0xFFFC57CF, v10;
	v11 =	vmin.u32 v11, $0x3F7FF  }
0x69: {  	vm0 =	vgt.f32 v9, $1.000000050e-03;
	v14 =	vld [tilespmem:s5+$0xFFFFFFF0];
	p0 =	slt.u32 s7, $0x26C0;
	v9 =	vmin.u32 v13, $0x3F7FF;
	v13 =	vadd.s32 $0xFFFC57CF, v11  }
0x6a: {  	v11 =	vadd.s32 $0xFFFC57CF, v9;
	[tilespmem:v8+s16+$0x0] =	vst.idx.add.s32.msk vm4, v1  }
0x6b: {  	v15 =	vld [tilespmem:s5+$0x0]  }
0x6c: {  	v16 =	vld [tilespmem:s5+$0x10]  }
.Ltmp7:
0x6d: {  	v9 =	vld [tilespmem:s5+$0xFFFFFFE0];
	v8 =	vshrl.u32 v12, $0xC;
	(pc) =	sbr.rel @p0 .LBB2_12-.Ltmp7, $4  }
0x6e: {  	vm4 =	vgt.f32 v12, $1.000000050e-03;
	v17 =	vshrl.u32 v14, $0xC;
	v8 =	vmin.u32 v8, $0x3F7FF;
	[tilespmem:v7+s16+$0x0] =	vst.idx.add.s32.msk vm2, v1  }
0x6f: {  	vm2 =	vgt.f32 v14, $1.000000050e-03;
	v7 =	vmin.u32 v17, $0x3F7FF;
	v8 =	vadd.s32 $0xFFFC57CF, v8;
	[tilespmem:v11+s16+$0x0] =	vst.idx.add.s32.msk vm0, v1  }
0x70: {  	v7 =	vadd.s32 $0xFFFC57CF, v7;
	v11 =	vshrl.u32 v15, $0xC;
	[tilespmem:v10+s16+$0x0] =	vst.idx.add.s32.msk vm1, v1;
	vm1 =	vgt.f32 v15, $1.000000050e-03  }
0x71: {  	s5 =	sadd.s32 $0x50, s5;
	v10 =	vmin.u32 v11, $0x3F7FF;
	v11 =	vshrl.u32 v16, $0xC;
	[tilespmem:v13+s16+$0x0] =	vst.idx.add.s32.msk vm3, v1;
	vm3 =	vgt.f32 v16, $1.000000050e-03  }
0x72: {  	_ =	sdelay $0x1  }
0x73: {  	v12 =	vshrl.u32 v9, $0xC;
	v10 =	vadd.s32 $0xFFFC57CF, v10;
	v11 =	vmin.u32 v11, $0x3F7FF  }
0x74: {  	vm0 =	vgt.f32 v9, $1.000000050e-03;
	v9 =	vmin.u32 v12, $0x3F7FF;
	v11 =	vadd.s32 $0xFFFC57CF, v11  }
0x75: {  	v9 =	vadd.s32 $0xFFFC57CF, v9  }
0x76: {  	[tilespmem:v8+s16+$0x0] =	vst.idx.add.s32.msk vm4, v1  }
0x77: {  	[tilespmem:v7+s16+$0x0] =	vst.idx.add.s32.msk vm2, v1;
	p0 =	seq.s32 s0, $0x13  }
0x78: {  	s1 =	sadd.s32 @!p0 s1, s6;
	[tilespmem:v10+s16+$0x0] =	vst.idx.add.s32.msk vm1, v1  }
0x79: {  	s1 =	sshrl.u32 @!p0 s1, $0x3;
	[tilespmem:v11+s16+$0x0] =	vst.idx.add.s32.msk vm3, v1  }
0x7a: {  	s5 =	simm.s32 @!p0 $0x0;
	s1 =	sadd.s32 @!p0 s4, s1;
	[tilespmem:v9+s16+$0x0] =	vst.idx.add.s32.msk vm0, v1  }
0x7b: {  	[tilespmem:s5], [sflag:$0x1] =	stream.linear.gather @!p0 [hbm4b:s1+s5], $0x2710, $0x38;
	[tilespmem:$0x1A800] =	vst v63  }
0x7c: {  	_ =	swait.ge [sflag:s17], $0x2710  }
0x7d: {  	[sflag:s17] =	ssyncset.done $0x0  }
0x7e: {  	s31 =	simm.s32 $0x2750;
	[sflag:s17] =	ssyncadd.s32 $0xFFFFD8F0  }
0x7f: {  	v7 =	vld [tilespmem:s31+$0x0]  }
0x80: {  	v8 =	vld [tilespmem:s31+$0xFFFFFFD0]  }
0x81: {  	v9 =	vld [tilespmem:s31+$0xFFFFFFE0];
	_ =	sdelay $0x2  }
0x82: {  	v10 =	vshrl.u32 v7, $0xC  }
0x83: {  	v63 =	vshrl.u32 v8, $0xC;
	vm4 =	vgt.f32 v7, $1.000000050e-03;
	vm1 =	vgt.f32 v8, $1.000000050e-03  }
0x84: {  	v11 =	vld [tilespmem:s31+$0xFFFFFFF0];
	vm2 =	vgt.f32 v9, $1.000000050e-03;
	v7 =	vmin.u32 v10, $0x3F7FF;
	v10 =	vmin.u32 v63, $0x3F7FF  }
0x85: {  	v8 =	vadd.s32 $0xFFFC57CF, v7;
	v7 =	vadd.s32 $0xFFFC57CF, v10;
	v10 =	vshrl.u32 v9, $0xC;
	v9 =	vld [tilespmem:s31+$0xFFFFFFC0];
	_ =	sdelay $0x3  }
0x86: {  	s1 =	simm.s32 $0x0;
	s5 =	simm.s32 $0x27A0;
	vm3 =	vgt.f32 v11, $1.000000050e-03;
	v11 =	vshrl.u32 v11, $0xC;
	v10 =	vmin.u32 v10, $0x3F7FF  }
.LBB2_14:
0x87: {  	v12 =	vld [tilespmem:s5+$0x0];
	s1 =	sadd.s32 $0x50, s1;
	v13 =	vshrl.u32 v9, $0xC;
	v10 =	vadd.s32 $0xFFFC57CF, v10;
	v11 =	vmin.u32 v11, $0x3F7FF  }
0x88: {  	vm0 =	vgt.f32 v9, $1.000000050e-03;
	v14 =	vld [tilespmem:s5+$0xFFFFFFD0];
	p0 =	slt.u32 s1, $0x26C0;
	v9 =	vmin.u32 v13, $0x3F7FF;
	v13 =	vadd.s32 $0xFFFC57CF, v11  }
0x89: {  	v11 =	vadd.s32 $0xFFFC57CF, v9;
	[tilespmem:v8+s16+$0x0] =	vst.idx.add.s32.msk vm4, v1  }
0x8a: {  	v15 =	vld [tilespmem:s5+$0xFFFFFFE0]  }
0x8b: {  	v16 =	vld [tilespmem:s5+$0xFFFFFFF0]  }
.Ltmp8:
0x8c: {  	v9 =	vld [tilespmem:s5+$0xFFFFFFC0];
	v8 =	vshrl.u32 v12, $0xC;
	(pc) =	sbr.rel @p0 .LBB2_14-.Ltmp8, $4  }
0x8d: {  	vm4 =	vgt.f32 v12, $1.000000050e-03;
	v17 =	vshrl.u32 v14, $0xC;
	v8 =	vmin.u32 v8, $0x3F7FF;
	[tilespmem:v7+s16+$0x0] =	vst.idx.add.s32.msk vm1, v1  }
0x8e: {  	vm1 =	vgt.f32 v14, $1.000000050e-03;
	v7 =	vmin.u32 v17, $0x3F7FF;
	v8 =	vadd.s32 $0xFFFC57CF, v8;
	[tilespmem:v11+s16+$0x0] =	vst.idx.add.s32.msk vm0, v1  }
0x8f: {  	v7 =	vadd.s32 $0xFFFC57CF, v7;
	v11 =	vshrl.u32 v15, $0xC;
	[tilespmem:v10+s16+$0x0] =	vst.idx.add.s32.msk vm2, v1;
	vm2 =	vgt.f32 v15, $1.000000050e-03  }
0x90: {  	s5 =	sadd.s32 $0x50, s5;
	v10 =	vmin.u32 v11, $0x3F7FF;
	v11 =	vshrl.u32 v16, $0xC;
	[tilespmem:v13+s16+$0x0] =	vst.idx.add.s32.msk vm3, v1;
	vm3 =	vgt.f32 v16, $1.000000050e-03  }
0x91: {  	_ =	sdelay $0x1  }
0x92: {  	v12 =	vshrl.u32 v9, $0xC;
	v10 =	vadd.s32 $0xFFFC57CF, v10;
	v11 =	vmin.u32 v11, $0x3F7FF  }
0x93: {  	vm0 =	vgt.f32 v9, $1.000000050e-03;
	s0 =	sadd.s32 $0x1, s0;
	v63 =	vmin.u32 v12, $0x3F7FF;
	v11 =	vadd.s32 $0xFFFC57CF, v11  }
0x94: {  	p0 =	sne.s32 s0, $0x14;
	v9 =	vadd.s32 $0xFFFC57CF, v63  }
.Ltmp9:
0x95: {  	[tilespmem:v8+s16+$0x0] =	vst.idx.add.s32.msk vm4, v1;
	(pc) =	sbr.rel @p0 .LBB2_11-.Ltmp9, $4  }
0x96: {  	[tilespmem:v7+s16+$0x0] =	vst.idx.add.s32.msk vm1, v1  }
0x97: {  	[tilespmem:v10+s16+$0x0] =	vst.idx.add.s32.msk vm2, v1  }
0x98: {  	[tilespmem:v11+s16+$0x0] =	vst.idx.add.s32.msk vm3, v1  }
0x99: {  	[tilespmem:v9+s16+$0x0] =	vst.idx.add.s32.msk vm0, v1  }
0x9a: {  	s0 =	simm.s32 $0x4EA0  }
0x9b: {  	v7 =	vld [tilespmem:s0+$0xFFFFFFE0]  }
0x9c: {  	v8 =	vld [tilespmem:s0+$0xFFFFFFF0]  }
0x9d: {  	v9 =	vld [tilespmem:s0+$0x0]  }
0x9e: {  	v10 =	vld [tilespmem:s0+$0x10];
	_ =	sdelay $0x1  }
0x9f: {  	s1 =	simm.s32 $0x4EE0;
	s10 =	simm.s32 $0x3;
	s12 =	simm.s32 $0x6;
	(xrf0) =	vadd.scan.msk.s32 $0xffff, v7  }
0xa0: {  	s9 =	simm.s32 $0x1;
	s26 =	simm.s32 $0x4;
	s31 =	simm.s32 $0xB;
	v11 =	vld [tilespmem:s1+$0xFFFFFFE0];
	v12 =	vmov s10;
	v15 =	vmov s12;
	(xrf0) =	vadd.scan.msk.s32 $0xffff, v8  }
0xa1: {  	s5 =	simm.s32 $0x2;
	v23 =	vmov s26;
	v24 =	vmov s31;
	v7 =	vmov s9;
	(xrf0) =	vadd.scan.msk.s32 $0xffff, v9  }
0xa2: {  	v13 =	vld [tilespmem:s1+$0xFFFFFFF0];
	v15 =	vand.u32 $0xFFFFFFE, v15;
	v8 =	vmov s5;
	v7 =	vand.u32 $0xFFFFFFD, v7;
	(xrf0) =	vadd.scan.msk.s32 $0xffff, v10  }
0xa3: {  	s7 =	simm.s32 $0x0;
	s25 =	simm.s32 $0x7;
	v14 =	vld [tilespmem:s1+$0x0];
	v8 =	vand.u32 $0xFFFFFFE, v8;
	v9 =	vand.u32 $0xFFFFFFF, v12;
	v17 =	vbroadcast v7, $0x0  }
0xa4: {  	s11 =	simm.s32 $0x5;
	s28 =	simm.s32 $0x4F20;
	s30 =	simm.s32 $0xA;
	v16 =	vld [tilespmem:s1+$0x10];
	v12 =	vmov s7;
	v7 =	vmov s25;
	v19 =	vbroadcast v8, $0x0  }
0xa5: {  	s29 =	simm.s32 $0x9;
	v22 =	vld [tilespmem:s28+$0xFFFFFFE0];
	v10 =	vmov s11;
	v21 =	vbroadcast v9, $0x0;
	(xrf0) =	vadd.scan.msk.s32 $0xffff, v11;
	v11 =	vmov s30;
	v18, _, _ =	vpop (xrf0)  }
0xa6: {  	v20 =	vand.u32 $0xFFFFFFF, v7;
	v7 =	vand.u32 $0xFFFFFFC, v12;
	v9 =	vmov s29;
	v8, _, _ =	vpop (xrf0)  }
0xa7: {  	v10 =	vand.u32 $0xFFFFFFD, v10;
	(xrf0) =	vadd.scan.msk.s32 $0xffff, v13;
	v12 =	vbroadcast v8, $0xF;
	v13, _, _ =	vpop (xrf0);
	v8 =	vbroadcast v7, $0x0  }
0xa8: {  	v9 =	vand.u32 $0xFFFFFFD, v9;
	(xrf0) =	vadd.scan.msk.s32 $0xffff, v14;
	v14 =	vld [tilespmem:s28+$0xFFFFFFF0];
	v7 =	vand.u32 $0xFFFFFFE, v11;
	v13 =	vbroadcast v13, $0xF;
	v11, _, _ =	vpop (xrf0)  }
0xa9: {  	v10 =	vbroadcast v10, $0x0;
	(xrf0) =	vadd.scan.msk.s32 $0xffff, v16;
	v16 =	vld [tilespmem:s28+$0x0];
	[tilespmem:v17+s18+$0x0] =	vst.idx.msk $0x1, v12;
	v25 =	vbroadcast v11, $0xF  }
0xaa: {  	s8 =	simm.s32 $0x4F60;
	v18 =	vbroadcast v18, $0xF;
	(xrf0) =	vadd.scan.msk.s32 $0xffff, v22;
	v12 =	vand.u32 $0xFFFFFFF, v24;
	v17 =	vld [tilespmem:s28+$0x10];
	[tilespmem:v19+s18+$0x0] =	vst.idx.msk $0x1, v13  }
0xab: {  	s0 =	simm.s32 $0x8;
	s1 =	simm.s32 $0x80;
	s7 =	simm.s32 $0xC;
	v11 =	vbroadcast v15, $0x0;
	v15, _, _ =	vpop (xrf0);
	v19 =	vand.u32 $0xFFFFFFC, v23;
	v13 =	vbroadcast v20, $0x0;
	[tilespmem:v21+s18+$0x0] =	vst.idx.msk $0x1, v25  }
.LBB2_17:
0xac: {  	s1 =	sadd.s32 $0x40, s1  }
0xad: {  	v20 =	vld [tilespmem:s8+$0xFFFFFFE0];
	s5 =	sadd.s32 $0x1, s7;
	s9 =	sadd.s32 $0x2, s7;
	v21 =	vmov s0;
	(xrf0) =	vadd.scan.msk.s32 $0xffff, v14;
	v22, _, _ =	vpop (xrf0);
	[tilespmem:v8+s18+$0x0] =	vst.idx.msk $0x1, v18;
	v8 =	vbroadcast v19, $0x0;
	p0 =	slt.u32 s1, $0x4F80  }
.Ltmp10:
0xae: {  	s0 =	smov.u32 s7;
	v14 =	vld [tilespmem:s8+$0xFFFFFFF0];
	v18 =	vmov s5;
	v19 =	vmov s9;
	(xrf0) =	vadd.scan.msk.s32 $0xffff, v16;
	v22 =	vbroadcast v22, $0xF;
	v23, _, _ =	vpop (xrf0);
	(pc) =	sbr.rel @p0 .LBB2_17-.Ltmp10, $4  }
0xaf: {  	s5 =	sadd.s32 $0x3, s7;
	v18 =	vand.u32 $0xFFFFFFD, v18;
	v16 =	vld [tilespmem:s8+$0x0];
	v19 =	vand.u32 $0xFFFFFFE, v19;
	(xrf0) =	vadd.scan.msk.s32 $0xffff, v17;
	v23 =	vbroadcast v23, $0xF;
	v24, _, _ =	vpop (xrf0)  }
0xb0: {  	v25 =	vmov s5;
	v17 =	vld [tilespmem:s8+$0x10];
	[tilespmem:v10+s18+$0x0] =	vst.idx.msk $0x1, v22;
	v10 =	vbroadcast v9, $0x0;
	v22 =	vbroadcast v24, $0xF;
	v9 =	vmovc v18;
	v24 =	vmovc v12  }
0xb1: {  	v12 =	vand.u32 $0xFFFFFFF, v25;
	v18 =	vbroadcast v15, $0xF;
	[tilespmem:v11+s18+$0x0] =	vst.idx.msk $0x1, v23;
	v11 =	vbroadcast v7, $0x0;
	v7 =	vmovc v19  }
0xb2: {  	s7 =	sadd.s32 $0x4, s7;
	s8 =	sadd.s32 $0x40, s8;
	v19 =	vand.u32 $0xFFFFFFC, v21;
	(xrf0) =	vadd.scan.msk.s32 $0xffff, v20;
	v15, _, _ =	vpop (xrf0);
	[tilespmem:v13+s18+$0x0] =	vst.idx.msk $0x1, v22;
	v13 =	vbroadcast v24, $0x0  }
0xb3: {  	(xrf0) =	vadd.scan.msk.s32 $0xffff, v14  }
0xb4: {  	(xrf0) =	vadd.scan.msk.s32 $0xffff, v16  }
0xb5: {  	v56 =	vbroadcast v19, $0x0;
	v57, _, _ =	vpop (xrf0);
	(xrf0) =	vadd.scan.msk.s32 $0xffff, v17  }
0xb6: {  	v9 =	vbroadcast v9, $0x0;
	v58, _, _ =	vpop (xrf0);
	v16 =	vbroadcast v57, $0xF  }
0xb7: {  	v59 =	vmov s0;
	[tilespmem:v8+s18+$0x0] =	vst.idx.msk $0x1, v18;
	v7 =	vbroadcast v7, $0x0;
	v8 =	vbroadcast v58, $0xF;
	v60, _, _ =	vpop (xrf0)  }
0xb8: {  	v12 =	vbroadcast v12, $0x0;
	v61 =	vand.u32 $0xFFFFFFC, v59;
	[tilespmem:v10+s18+$0x0] =	vst.idx.msk $0x1, v16;
	v10 =	vbroadcast v60, $0xF;
	v62, _, _ =	vpop (xrf0)  }
0xb9: {  	v15 =	vbroadcast v15, $0xF;
	[tilespmem:v11+s18+$0x0] =	vst.idx.msk $0x1, v8;
	v8 =	vbroadcast v61, $0x0;
	v11, _, _ =	vpop (xrf0)  }
0xba: {  	[tilespmem:v13+s18+$0x0] =	vst.idx.msk $0x1, v10;
	v10 =	vbroadcast v11, $0xF;
	v11, _, _ =	vpop (xrf0)  }
0xbb: {  	[tilespmem:v56+s18+$0x0] =	vst.idx.msk $0x1, v15;
	v11 =	vbroadcast v11, $0xF;
	v63, _, _ =	vpop (xrf0)  }
0xbc: {  	[tilespmem:v9+s18+$0x0] =	vst.idx.msk $0x1, v10;
	v9 =	vbroadcast v63, $0xF  }
0xbd: {  	v10 =	vbroadcast v62, $0xF;
	[tilespmem:v7+s18+$0x0] =	vst.idx.msk $0x1, v11  }
0xbe: {  	[tilespmem:v12+s18+$0x0] =	vst.idx.msk $0x1, v9  }
0xbf: {  	[tilespmem:v8+s18+$0x0] =	vst.idx.msk $0x1, v10  }
0xc0: {  	v7 =	vld [tilespmem:$0x9E40];
	_ =	sdelay $0x4  }
0xc1: {  	(xrf0) =	vadd.scan.msk.s32 $0xffff, v7;
	_ =	sdelay $0x5  }
0xc2: {  	v7, _, _ =	vpop (xrf0)  }
0xc3: {  	v7 =	vbroadcast v7, $0xF;
	_ =	sdelay $0x1  }
0xc4: {  	s1 =	simm.s32 $0x0;
	[tilespmem:v2+s18+$0x0] =	vst.idx.msk $0x1, v7  }
0xc5: {  	s0 =	simm.s32 $0x40;
	v7 =	vimm.s32 $0x0;
	v8 =	vld [tilespmem:s1+$0x1A280]  }
.LBB2_19:
0xc6: {  	p0 =	sne.s32 s0, $0x13C0  }
.Ltmp11:
0xc7: {  	_ = 	snop;
	(pc) =	sbr.rel @p0 .LBB2_19-.Ltmp11, $3  }
0xc8: {  	_ =	sdelay $0x1  }
0xc9: {  	s1 =	sshra.s32 s0, $0x2;
	s0 =	sadd.s32 $0x40, s0;
	v7 =	vadd.s32 v7, v8  }
0xca: {  	v8 =	vld [tilespmem:s1+$0x1A280]  }
0xcb: {  	s0 =	simm.s32 $0x1A280  }
0xcc: {  	v9 =	vld [tilespmem:s0+$0x0];
	_ =	sdelay $0x2  }
0xcd: {  	v7 =	vadd.s32 v7, v8  }
0xce: {  	(xrf0) =	vadd.scan.msk.s32 $0xffff, v7  }
0xcf: {  	(xrf0) =	vadd.scan.msk.s32 $0xffff, v9;
	_ =	sdelay $0x4  }
0xd0: {  	s0 =	simm.s32 $0x0;
	v7, _, _ =	vpop (xrf0)  }
0xd1: {  	v9 =	vsub.s32 s0, v9;
	v8 =	vbroadcast v7, $0xF;
	v10, _, _ =	vpop (xrf0)  }
0xd2: {  	v9 =	vadd.s32 v10, v9  }
0xd3: {  	v11 =	vsub.s32 v8, v9  }
0xd4: {  	vm0 =	vgt.s32 v11, $0xFFF  }
0xd5: {  	v11 =	vmpcnt.ones.xlane vm0  }
0xd6: {  	(v2sf) =	vpush v10, $0xF  }
0xd7: {  	(v2sf) =	vpush v11, $0x0;
	_ =	sdelay $0xd  }
0xd8: {  	s1 =	simm.s32 $0xF;
	s5 =	spop (v2sf)  }
0xd9: {  	s8 =	simm.s32 $0x0;
	s7 =	sadd.s32 $0x0, s5;
	s9 =	spop (v2sf)  }
0xda: {  	p0 =	slt.s32 s9, $0x1;
	p1 =	sgt.s32 s9, $0x0;
	s10 =	sadd.s32 $0xFFFFFFFF, s9  }
0xdb: {  	s5 =	sadd.s32 $0xFFFFFFFF, s9;
	s9 =	simm.s32 $0x1A290;
	[tilespmem:$0x16100] =	vst @!p0 v9;
	s8 =	smov.u32 @p1 s10  }
.LBB2_21:
0xdc: {  	v9 =	vld [tilespmem:s9+$0x0];
	s0 =	smov.u32 @p1 s5;
	s5 =	smov.u32 s1;
	s1 =	sadd.s32 $0x10, s1  }
0xdd: {  	p0 =	sne.s32 s1, $0x4FF;
	_ =	sdelay $0x3  }
0xde: {  	(xrf0) =	vadd.scan.msk.s32 $0xffff, v9;
	_ =	sdelay $0x5  }
0xdf: {  	v9 =	vsub.s32 s7, v9;
	v10, _, _ =	vpop (xrf0)  }
0xe0: {  	v9 =	vadd.s32 v10, v9;
	(v2sf) =	vpush v10, $0xF  }
0xe1: {  	v10 =	vsub.s32 v8, v9  }
0xe2: {  	vm0 =	vgt.s32 v10, $0xFFF  }
0xe3: {  	v10 =	vmpcnt.ones.xlane vm0;
	_ =	sdelay $0x1  }
0xe4: {  	(v2sf) =	vpush v10, $0x0;
	_ =	sdelay $0x9  }
0xe5: {  	s10 =	spop (v2sf)  }
0xe6: {  	s7 =	sadd.s32 s7, s10;
	_ =	sdelay $0x1  }
.Ltmp12:
0xe7: {  	(pc) =	sbr.rel @p0 .LBB2_21-.Ltmp12, $4  }
0xe8: {  	_ = 	snop  }
0xe9: {  	s10 =	spop (v2sf)  }
0xea: {  	p2 =	slt.s32 s10, $0x1;
	p1 =	sgt.s32 s10, $0x0;
	s11 =	sadd.s32 $0xFFFFFFFF, s10  }
0xeb: {  	s9 =	sadd.s32 $0x10, s9;
	s5 =	sadd.s32 s5, s10;
	[tilespmem:$0x16100] =	vst @!p2 v9;
	s8 =	smov.u32 @p1 s11  }
0xec: {  	v9 =	vld [tilespmem:s8+$0x16100];
	_ =	sdelay $0x4  }
0xed: {  	(v2sf) =	vpush v9, $0x0;
	_ =	sdelay $0x1  }
0xee: {  	s0 =	smov.u32 @p1 s5  }
0xef: {  	s1 =	sshll.u32 s0, $0x4  }
0xf0: {  	v9 =	vld [tilespmem:s1+$0x4E80];
	_ =	sdelay $0x4  }
0xf1: {  	(xrf0) =	vadd.scan.msk.s32 $0xffff, v9;
	_ =	sdelay $0x5  }
0xf2: {  	p0 =	sgt.s32 s0, $0x0;
	v10, _, _ =	vpop (xrf0);
	s5 =	spop (v2sf)  }
0xf3: {  	v10 =	vsub.s32 v10, v9;
	s5 =	simm.s32 @!p0 $0x0  }
0xf4: {  	v10 =	vadd.s32 s5, v10  }
0xf5: {  	v8 =	vsub.s32 v8, v10  }
0xf6: {  	vm0 =	vgt.s32 v8, $0xFFF  }
0xf7: {  	v8 =	vmpcnt.ones.xlane vm0;
	_ =	sdelay $0x1  }
0xf8: {  	(v2sf) =	vpush v8, $0x0;
	_ =	sdelay $0xe  }
0xf9: {  	s31 =	spop (v2sf)  }
0xfa: {  	s0 =	sadd.s32 $0xFFFFFFFF, s31  }
0xfb: {  	[tilespmem:$0x16110] =	vst v9;
	p0 =	sgt.s32 s0, $0x0  }
0xfc: {  	[tilespmem:$0x16100] =	vst v10;
	s0 =	simm.s32 @!p0 $0x0  }
0xfd: {  	v9 =	vld [tilespmem:s0+$0x16100]  }
0xfe: {  	s7 =	simm.s32 $0x0;
	s5 =	simm.s32 $0x40;
	v8 =	vld [tilespmem:s0+$0x16110]  }
.LBB2_23:
0xff: {  	p0 =	sne.s32 s5, $0x4000;
	[tilespmem:s7+$0x9E80] =	vst v0;
	s7 =	smov.u32 s5;
	s5 =	sadd.s32 $0x40, s5  }
.Ltmp13:
0x100: {  	(pc) =	sbr.rel @p0 .LBB2_23-.Ltmp13, $2  }
0x101: {  	_ =	sdelay $0x2  }
0x102: {  	s7 =	sshra.s32 s7, $0x2  }
0x103: {  	[tilespmem:s7+$0x9E80] =	vst v0;
	s29 =	simm.s32 $0x0;
	s0 =	sadd.s32 s1, s0  }
0x104: {  	[tilespmem:s29], [sflag:$0x1] =	stream.linear.gather [hbm4b:s13+s29], $0x2710, $0x38;
	[tilespmem:$0x1A800] =	vst v63  }
0x105: {  	s1 =	simm.s32 $0x0;
	v10 =	vmov s0;
	s13 =	simm.s32 $0x0  }
.LBB2_25:
0x106: {  	s26 =	smul.u32 $0x4E20, s13;
	_ =	sdelay $0x1  }
0x107: {  	s5 =	sadd.s32 s3, s26  }
0x108: {  	s5 =	sshrl.u32 s5, $0x3  }
0x109: {  	s5 =	sadd.s32 s4, s5  }
0x10a: {  	s5 =	sadd.s32 $0x4E2, s5  }
0x10b: {  	[tilespmem:s14], [sflag:$0x2] =	stream.linear.gather [hbm4b:s5+s2], $0x2710, $0x38;
	[tilespmem:$0x1A800] =	vst v63  }
0x10c: {  	_ =	swait.ge [sflag:s15], $0x2710  }
0x10d: {  	[sflag:s15] =	ssyncset.done $0x0  }
0x10e: {  	s28 =	simm.s32 $0x20;
	[sflag:s15] =	ssyncadd.s32 $0xFFFFD8F0  }
0x10f: {  	v12 =	vld [tilespmem:s28+$0x0]  }
0x110: {  	v26 =	vld [tilespmem:s28+$0xFFFFFFE0]  }
0x111: {  	v11 =	vld [tilespmem:s28+$0xFFFFFFF0]  }
0x112: {  	v25 =	vld [tilespmem:s28+$0x10];
	_ =	sdelay $0x3  }
0x113: {  	vm0 =	vgt.f32 v26, $1.000000050e-03;
	vm4 =	vgt.f32 v11, $1.000000050e-03;
	vm5 =	vgt.f32 v12, $1.000000050e-03  }
0x114: {  	v14 =	vshrl.u32 v11, $0xC;
	v16 =	vshrl.u32 v25, $0xC;
	v17 =	vshrl.u32 v26, $0xC  }
0x115: {  	v15 =	vshrl.u32 v12, $0xC;
	v16 =	vmin.u32 v16, $0x3F7FF;
	v17 =	vmin.u32 v17, $0x3F7FF  }
0x116: {  	v14 =	vmin.u32 v14, $0x3F7FF;
	v15 =	vmin.u32 v15, $0x3F7FF;
	v17 =	vadd.s32 $0xFFFC57CF, v17  }
0x117: {  	v24 =	vld [tilespmem:s28+$0x20];
	v18 =	vadd.s32 $0xFFFC57CF, v16;
	v14 =	vadd.s32 $0xFFFC57CF, v14;
	vm1 =	vge.s32 v17, v10  }
0x118: {  	v15 =	vadd.s32 $0xFFFC57CF, v15;
	vm8 =	vmand vm0, vm1;
	vm1 =	vge.s32 v14, v10  }
0x119: {  	v16 =	vmpcnt.ones.xlane vm8;
	vm6 =	vmand vm4, vm1;
	vm1 =	vge.s32 v15, v10  }
0x11a: {  	vm2 =	vgt.f32 v25, $1.000000050e-03;
	v19 =	vmpcnt.ones.xlane vm6;
	vm7 =	vmand vm5, vm1  }
0x11b: {  	vm10 =	vge.s32 v18, v10;
	v20 =	vmpcnt.ones.xlane vm7;
	(v2sf) =	vpush v16, $0x0  }
0x11c: {  	v13 =	vshrl.u32 v24, $0xC;
	vm1 =	vmand vm2, vm10;
	(v2sf) =	vpush v19, $0x0  }
0x11d: {  	v13 =	vmin.u32 v13, $0x3F7FF;
	v16 =	vmpcnt.ones.xlane vm1;
	(v2sf) =	vpush v20, $0x0  }
0x11e: {  	v13 =	vadd.s32 $0xFFFC57CF, v13  }
0x11f: {  	vm3 =	vgt.f32 v24, $1.000000050e-03;
	vm9 =	vge.s32 v13, v10;
	(v2sf) =	vpush v16, $0x0  }
0x120: {  	s7 =	sadd.s32 $0xFFFFFFB0, s1;
	vm13 =	veq.s32 v15, v10;
	vm9 =	vmand vm3, vm9;
	v15 =	vimm.s32 $0x0  }
0x121: {  	s8 =	sadd.s32 $0x50, s7;
	vm10 =	veq.s32 v17, v10;
	v17 =	vmpcnt.ones.xlane vm9;
	vm9 =	vmmov vm9  }
0x122: {  	s31 =	simm.s32 $0x70;
	v29 =	vor.u32 s8, v3;
	v27 =	vand.u32 $0xFFF, v26;
	v15 =	vsel vm9, $0xFFFFFFFF, v15  }
0x123: {  	v28 =	vand.u32 $0xFFF, v11;
	vm11 =	veq.s32 v14, v10;
	v14 =	vld [tilespmem:s31+$0x20];
	vm14 =	vmand vm0, vm10;
	[tilespmem:$0x1FFF0] =	vst v15  }
0x124: {  	vm15 =	veq.s32 v13, v10;
	vm1 =	vmmov vm1;
	vm9 =	veq.s32 v18, v10;
	v19 =	vld [tilespmem:s31+$0xFFFFFFE0]  }
0x125: {  	vm0 =	vmand vm4, vm11;
	vm10 =	vmand vm2, vm9;
	vm2 =	vmmov vm1;
	v13 =	vld [tilespmem:s31+$0xFFFFFFF0]  }
0x126: {  	s9 =	sadd.s32 $0x60, s7;
	vm1 =	vmmov vm6;
	(v2sf) =	vpush v17, $0x0;
	v17 =	vimm.s32 $0x0  }
0x127: {  	s10 =	sadd.s32 $0x80, s7;
	s8 =	sadd.s32 $0x70, s7;
	v21 =	vor.u32 s9, v3;
	vm13 =	vmand vm5, vm13;
	v15 =	vld [tilespmem:s31+$0x0];
	v17 =	vsel vm1, $0xFFFFFFFF, v17  }
0x128: {  	p0 =	slt.s32 s29, $0x2000;
	v23 =	vor.u32 s10, v3;
	v22 =	vor.u32 s8, v3;
	s5 =	smov.u32 s29;
	v32 =	vand.u32 $0xFFF, v12;
	v16 =	vld [tilespmem:s31+$0x10];
	[tilespmem:$0x1FFE0] =	vst v17  }
0x129: {  	s5 =	simm.s32 @!p0 $0x2000;
	v31 =	vand.u32 $0xFFF, v25;
	vm11 =	vmand vm3, vm15;
	[tilespmem:v27+s19+$0x0] =	vst.idx.add.s32.msk vm14, v1;
	v27 =	vshrl.u32 v19, $0xC  }
0x12a: {  	v30 =	vand.u32 $0xFFF, v24;
	v35 =	vshrl.u32 v13, $0xC;
	[tilespmem:s5+$0x16180] =	vst.msk vm8, v26;
	v26 =	vmin.u32 v27, $0x3F7FF;
	s11 =	spop (v2sf)  }
0x12b: {  	vm12 =	vmmov vm7;
	[tilespmem:v28+s19+$0x0] =	vst.idx.add.s32.msk vm0, v1;
	v35 =	vmin.u32 v35, $0x3F7FF;
	v38 =	vadd.s32 $0xFFFC57CF, v26;
	s9 =	sadd.s32 s29, s11;
	s12 =	spop (v2sf)  }
0x12c: {  	vm9 =	vgt.f32 v19, $1.000000050e-03;
	[tilespmem:s5+$0x18200] =	vst.msk vm8, v29;
	v29 =	vadd.s32 $0xFFFC57CF, v35;
	vm0 =	vge.s32 v38, v10;
	s30 =	sadd.s32 s9, s12;
	s25 =	spop (v2sf)  }
0x12d: {  	s7 =	sadd.s32 $0x90, s7;
	vm7 =	vgt.f32 v13, $1.000000050e-03;
	[tilespmem:v32+s19+$0x0] =	vst.idx.add.s32.msk vm13, v1;
	vm8 =	vmand vm9, vm0;
	vm0 =	vge.s32 v29, v10;
	s25 =	sadd.s32 s30, s25  }
0x12e: {  	v33 =	vor.u32 s7, v3;
	[tilespmem:v31+s19+$0x0] =	vst.idx.add.s32.msk vm10, v1;
	v31 =	vmpcnt.ones.xlane vm8;
	vm10 =	vmand vm7, vm0;
	s28 =	spop (v2sf);
	p0 =	slt.s32 s25, $0x2000  }
0x12f: {  	vm4 =	vgt.f32 v14, $1.000000050e-03;
	v34 =	vshrl.u32 v14, $0xC;
	[tilespmem:v30+s19+$0x0] =	vst.idx.add.s32.msk vm11, v1;
	v30 =	vmpcnt.ones.xlane vm10;
	s5 =	sadd.s32 s25, s28;
	s25 =	simm.s32 @!p0 $0x2000  }
0x130: {  	v34 =	vmin.u32 v34, $0x3F7FF;
	v17 =	vand.u32 $0xFFF, v14;
	(v2sf) =	vpush v31, $0x0;
	[tilespmem:s25+$0x16180] =	vst.msk vm2, v25  }
0x131: {  	v20 =	vand.u32 $0xFFF, v15;
	v36 =	vshrl.u32 v15, $0xC;
	(v2sf) =	vpush v30, $0x0;
	v30 =	vld [tilespmem:$0x1FFF0]  }
0x132: {  	vm6 =	vgt.f32 v15, $1.000000050e-03;
	v18 =	vand.u32 $0xFFF, v16;
	v36 =	vmin.u32 v36, $0x3F7FF  }
0x133: {  	vm5 =	vgt.f32 v16, $1.000000050e-03;
	v37 =	vshrl.u32 v16, $0xC;
	v28 =	vadd.s32 $0xFFFC57CF, v36  }
0x134: {  	s7 =	simm.s32 $0x0;
	s8 =	simm.s32 $0x50;
	v37 =	vmin.u32 v37, $0x3F7FF;
	v26 =	vadd.s32 $0xFFFC57CF, v34;
	vm0 =	vge.s32 v28, v10  }
0x135: {  	v27 =	vadd.s32 $0xFFFC57CF, v37;
	vm14 =	vge.s32 v26, v10;
	vm11 =	vmand vm6, vm0;
	s29 =	simm.s32 $0xC0;
	s31 =	spop (v2sf);
	p0 =	slt.s32 s5, $0x2000  }
0x136: {  	vm0 =	vge.s32 v27, v10;
	v63 =	vmpcnt.ones.xlane vm11;
	p1 =	slt.s32 s30, $0x2000;
	s12 =	sadd.s32 s5, s31;
	s5 =	simm.s32 @!p0 $0x2000;
	vm1 =	vnez.u8 v30  }
0x137: {  	vm14 =	vmand vm4, vm14;
	vm13 =	vmand vm5, vm0;
	vm0 =	veq.s32 v38, v10;
	p0 =	slt.s32 s9, $0x2000;
	p2 =	slt.s32 s12, $0x2000;
	s11 =	smov.u32 s12;
	[tilespmem:s5+$0x16180] =	vst.msk vm1, v24  }
0x138: {  	(v2sf) =	vpush v63, $0x0;
	s30 =	simm.s32 @!p1 $0x2000;
	v25 =	vmpcnt.ones.xlane vm13;
	s11 =	simm.s32 @!p2 $0x2000;
	s9 =	simm.s32 @!p0 $0x2000;
	v30 =	vmpcnt.ones.xlane vm14;
	[tilespmem:s5+$0x18200] =	vst.msk vm1, v33  }
.LBB2_26:
0x139: {  	[tilespmem:s30+$0x16180] =	vst.msk vm12, v12  }
0x13a: {  	v12 =	vmov v15;
	v15 =	vld [tilespmem:s29+$0x0]  }
0x13b: {  	[tilespmem:s30+$0x18200] =	vst.msk vm12, v22;
	v22 =	vld [tilespmem:$0x1FFE0]  }
0x13c: {  	vm15 =	veq.s32 v29, v10;
	[tilespmem:s25+$0x18200] =	vst.msk vm2, v23;
	vm2 =	vmmov vm14;
	v23 =	vimm.s32 $0x0  }
0x13d: {  	vm9 =	vmand vm9, vm0;
	(v2sf) =	vpush v25, $0x0;
	v23 =	vsel vm2, $0xFFFFFFFF, v23  }
0x13e: {  	vm2 =	veq.s32 v26, v10;
	v26 =	vand.u32 $0xFFF, v19;
	(v2sf) =	vpush v30, $0x0  }
0x13f: {  	v24 =	vld [tilespmem:s29+$0x20];
	vm1 =	veq.s32 v28, v10;
	vm3 =	vmmov vm13;
	vm13 =	veq.s32 v27, v10  }
0x140: {  	v27 =	vld [tilespmem:s29+$0xFFFFFFE0];
	vm0 =	vmand vm7, vm15;
	vm15 =	vmand vm6, vm1;
	vm1 =	vnez.u8 v22  }
0x141: {  	s5 =	sadd.s32 s7, s1;
	v25 =	vld [tilespmem:s29+$0x10];
	[tilespmem:s9+$0x16180] =	vst.msk vm1, v11;
	v11 =	vmov v13  }
0x142: {  	vm14 =	vmand vm5, vm13;
	s10 =	sadd.s32 $0x50, s5;
	s28 =	sadd.s32 $0x60, s5;
	[tilespmem:$0x1FFD0] =	vst v23;
	v28 =	vand.u32 $0xFFF, v11  }
0x143: {  	vm12 =	vmmov vm11;
	s31 =	sadd.s32 $0x70, s5;
	vm13 =	vmand vm4, vm2;
	v29 =	vor.u32 s10, v3;
	s10 =	sadd.s32 $0x80, s5;
	s5 =	sadd.s32 $0x90, s5;
	[tilespmem:v26+s19+$0x0] =	vst.idx.add.s32.msk vm9, v1  }
0x144: {  	vm2 =	vmmov vm3;
	v23 =	vor.u32 s10, v3;
	v33 =	vor.u32 s5, v3;
	[tilespmem:s11+$0x16180] =	vst.msk vm8, v19  }
0x145: {  	v30 =	vand.u32 $0xFFF, v24;
	vm4 =	vgt.f32 v24, $1.000000050e-03;
	v34 =	vshrl.u32 v24, $0xC;
	v19 =	vmovc v27;
	v13 =	vld [tilespmem:s29+$0xFFFFFFF0];
	[tilespmem:s9+$0x18200] =	vst.msk vm1, v21  }
0x146: {  	v31 =	vand.u32 $0xFFF, v25;
	v22 =	vor.u32 s31, v3;
	[tilespmem:s11+$0x18200] =	vst.msk vm8, v29;
	v29 =	vshrl.u32 v19, $0xC  }
0x147: {  	v32 =	vand.u32 $0xFFF, v15;
	vm5 =	vgt.f32 v25, $1.000000050e-03;
	[tilespmem:v28+s19+$0x0] =	vst.idx.add.s32.msk vm0, v1;
	v28 =	vmin.u32 v29, $0x3F7FF  }
0x148: {  	vm9 =	vgt.f32 v27, $1.000000050e-03;
	vm6 =	vgt.f32 v15, $1.000000050e-03;
	v62 =	vadd.s32 $0xFFFC57CF, v28  }
0x149: {  	v35 =	vshrl.u32 v25, $0xC;
	v34 =	vmin.u32 v34, $0x3F7FF;
	s11 =	spop (v2sf);
	vm0 =	vge.s32 v62, v10  }
0x14a: {  	vm1 =	vmmov vm10;
	v21 =	vimm.s32 $0x0;
	s9 =	sadd.s32 s12, s11;
	s12 =	spop (v2sf);
	vm8 =	vmand vm9, vm0  }
0x14b: {  	v27 =	vshrl.u32 v15, $0xC;
	[tilespmem:v17+s19+$0x0] =	vst.idx.add.s32.msk vm13, v1;
	v17 =	vmovc v30;
	v21 =	vsel vm1, $0xFFFFFFFF, v21;
	s25 =	spop (v2sf);
	v30 =	vmpcnt.ones.xlane vm8  }
0x14c: {  	v35 =	vmin.u32 v35, $0x3F7FF;
	[tilespmem:$0x1FFE0] =	vst v21;
	v21 =	vor.u32 s28, v3;
	v26 =	vshrl.u32 v13, $0xC;
	s28 =	spop (v2sf)  }
0x14d: {  	v36 =	vmin.u32 v27, $0x3F7FF;
	v29 =	vmin.u32 v26, $0x3F7FF;
	s31 =	spop (v2sf);
	(v2sf) =	vpush v30, $0x0;
	v30 =	vld [tilespmem:$0x1FFD0]  }
0x14e: {  	s7 =	smov.u32 s8;
	s8 =	sadd.s32 $0x50, s8;
	v27 =	vadd.s32 $0xFFFC57CF, v35;
	vm7 =	vgt.f32 v13, $1.000000050e-03;
	s30 =	sadd.s32 s9, s12;
	v29 =	vadd.s32 $0xFFFC57CF, v29  }
0x14f: {  	p0 =	slt.u32 s8, $0x26C0;
	v26 =	vadd.s32 $0xFFFC57CF, v34;
	v28 =	vadd.s32 $0xFFFC57CF, v36;
	s25 =	sadd.s32 s30, s25;
	vm0 =	vge.s32 v29, v10  }
.Ltmp14:
0x150: {  	[tilespmem:v20+s19+$0x0] =	vst.idx.add.s32.msk vm15, v1;
	vm1 =	vge.s32 v26, v10;
	p3 =	slt.s32 s25, $0x2000;
	vm10 =	vmand vm7, vm0;
	vm0 =	vge.s32 v28, v10;
	s5 =	sadd.s32 s25, s28;
	(pc) =	sbr.rel @p0 .LBB2_26-.Ltmp14, $4  }
0x151: {  	[tilespmem:v18+s19+$0x0] =	vst.idx.add.s32.msk vm14, v1;
	v18 =	vmovc v31;
	s29 =	sadd.s32 $0x50, s29;
	vm14 =	vmand vm4, vm1;
	s25 =	simm.s32 @!p3 $0x2000;
	v31 =	vmpcnt.ones.xlane vm10;
	vm11 =	vmand vm6, vm0;
	p3 =	slt.s32 s5, $0x2000  }
0x152: {  	p1 =	slt.s32 s9, $0x2000;
	vm0 =	vge.s32 v27, v10;
	s12 =	sadd.s32 s5, s31;
	[tilespmem:s25+$0x16180] =	vst.msk vm3, v16;
	v63 =	vmpcnt.ones.xlane vm11;
	s5 =	simm.s32 @!p3 $0x2000;
	vm1 =	vnez.u8 v30  }
0x153: {  	v20 =	vmovc v32;
	p2 =	slt.s32 s30, $0x2000;
	p4 =	slt.s32 s12, $0x2000;
	vm13 =	vmand vm5, vm0;
	s11 =	smov.u32 s12;
	vm0 =	veq.s32 v62, v10;
	(v2sf) =	vpush v31, $0x0;
	[tilespmem:s5+$0x16180] =	vst.msk vm1, v14  }
0x154: {  	s9 =	simm.s32 @!p1 $0x2000;
	s30 =	simm.s32 @!p2 $0x2000;
	v16 =	vmovc v25;
	s11 =	simm.s32 @!p4 $0x2000;
	v25 =	vmpcnt.ones.xlane vm13;
	(v2sf) =	vpush v63, $0x0;
	v30 =	vmpcnt.ones.xlane vm14;
	v14 =	vmovc v24;
	[tilespmem:s5+$0x18200] =	vst.msk vm1, v33  }
0x155: {  	_ = 	snop  }
0x156: {  	(v2sf) =	vpush v25, $0x0  }
0x157: {  	[tilespmem:s25+$0x18200] =	vst.msk vm2, v23  }
0x158: {  	vm0 =	vmand vm9, vm0;
	[tilespmem:s30+$0x16180] =	vst.msk vm12, v12;
	(v2sf) =	vpush v30, $0x0  }
0x159: {  	v23 =	vand.u32 $0xFFF, v19;
	[tilespmem:s30+$0x18200] =	vst.msk vm12, v22  }
0x15a: {  	v12 =	vld [tilespmem:$0x1FFE0]  }
0x15b: {  	vm2 =	veq.s32 v28, v10  }
0x15c: {  	vm2 =	vmand vm6, vm2  }
0x15d: {  	vm3 =	veq.s32 v27, v10  }
0x15e: {  	vm1 =	veq.s32 v29, v10;
	vm6 =	veq.s32 v26, v10;
	vm3 =	vmand vm5, vm3;
	[tilespmem:v23+s19+$0x0] =	vst.idx.add.s32.msk vm0, v1  }
0x15f: {  	vm1 =	vmand vm7, vm1;
	vm4 =	vmand vm4, vm6;
	vm7 =	vnez.u8 v12;
	[tilespmem:s11+$0x16180] =	vst.msk vm8, v19  }
0x160: {  	s5 =	sadd.s32 s7, s1;
	[tilespmem:s9+$0x16180] =	vst.msk vm7, v11  }
0x161: {  	s7 =	sadd.s32 $0x50, s5;
	v11 =	vand.u32 $0xFFF, v13;
	[tilespmem:s9+$0x18200] =	vst.msk vm7, v21;
	s9 =	spop (v2sf)  }
0x162: {  	v12 =	vor.u32 s7, v3;
	[tilespmem:v20+s19+$0x0] =	vst.idx.add.s32.msk vm2, v1;
	s8 =	sadd.s32 s12, s9;
	s10 =	spop (v2sf)  }
0x163: {  	[tilespmem:s11+$0x18200] =	vst.msk vm8, v12;
	s9 =	sadd.s32 s8, s10;
	s11 =	spop (v2sf)  }
0x164: {  	[tilespmem:v18+s19+$0x0] =	vst.idx.add.s32.msk vm3, v1;
	s10 =	sadd.s32 s9, s11  }
0x165: {  	[tilespmem:v17+s19+$0x0] =	vst.idx.add.s32.msk vm4, v1;
	s12 =	spop (v2sf);
	p0 =	slt.s32 s10, $0x2000  }
0x166: {  	s31 =	sadd.s32 $0x80, s5;
	vm0 =	vmmov vm13;
	[tilespmem:v11+s19+$0x0] =	vst.idx.add.s32.msk vm1, v1;
	s11 =	sadd.s32 s10, s12;
	s10 =	simm.s32 @!p0 $0x2000  }
0x167: {  	v12 =	vor.u32 s31, v3;
	s25 =	spop (v2sf);
	p0 =	slt.s32 s11, $0x2000;
	[tilespmem:s10+$0x16180] =	vst.msk vm0, v16  }
0x168: {  	s28 =	sadd.s32 $0x90, s5;
	vm1 =	vmmov vm14;
	s7 =	sadd.s32 s11, s25;
	s11 =	simm.s32 @!p0 $0x2000;
	[tilespmem:s10+$0x18200] =	vst.msk vm0, v12  }
0x169: {  	v11 =	vor.u32 s28, v3;
	p0 =	slt.s32 s9, $0x2000;
	[tilespmem:s11+$0x16180] =	vst.msk vm1, v14  }
0x16a: {  	s12 =	sadd.s32 $0x70, s5;
	s9 =	simm.s32 @!p0 $0x2000;
	[tilespmem:s11+$0x18200] =	vst.msk vm1, v11;
	vm1 =	vmmov vm11  }
0x16b: {  	p1 =	seq.s32 s13, $0x13;
	p0 =	slt.s32 s8, $0x2000;
	v11 =	vor.u32 s12, v3;
	[tilespmem:s9+$0x16180] =	vst.msk vm1, v15  }
0x16c: {  	s5 =	sadd.s32 $0x60, s5;
	vm0 =	vmmov vm10;
	s8 =	simm.s32 @!p0 $0x2000;
	[tilespmem:s9+$0x18200] =	vst.msk vm1, v11;
	s9 =	sadd.s32 @!p1 s26, s6  }
0x16d: {  	[tilespmem:s8+$0x16180] =	vst.msk vm0, v13;
	v11 =	vor.u32 s5, v3;
	s5 =	sshrl.u32 @!p1 s9, $0x3  }
0x16e: {  	[tilespmem:s8+$0x18200] =	vst.msk vm0, v11;
	s8 =	simm.s32 @!p1 $0x0;
	s5 =	sadd.s32 @!p1 s4, s5  }
0x16f: {  	[tilespmem:s8], [sflag:$0x1] =	stream.linear.gather @!p1 [hbm4b:s5+s8], $0x2710, $0x38;
	[tilespmem:$0x1A800] =	vst v63  }
0x170: {  	_ =	swait.ge [sflag:s17], $0x2710  }
0x171: {  	[sflag:s17] =	ssyncset.done $0x0  }
0x172: {  	s25 =	simm.s32 $0x2750;
	[sflag:s17] =	ssyncadd.s32 $0xFFFFD8F0  }
0x173: {  	v12 =	vld [tilespmem:s25+$0xFFFFFFE0]  }
0x174: {  	v26 =	vld [tilespmem:s25+$0xFFFFFFC0]  }
0x175: {  	v11 =	vld [tilespmem:s25+$0xFFFFFFD0]  }
0x176: {  	v25 =	vld [tilespmem:s25+$0xFFFFFFF0];
	_ =	sdelay $0x3  }
0x177: {  	vm0 =	vgt.f32 v26, $1.000000050e-03;
	vm4 =	vgt.f32 v11, $1.000000050e-03;
	vm5 =	vgt.f32 v12, $1.000000050e-03  }
0x178: {  	v14 =	vshrl.u32 v11, $0xC;
	v16 =	vshrl.u32 v25, $0xC;
	v17 =	vshrl.u32 v26, $0xC  }
0x179: {  	v15 =	vshrl.u32 v12, $0xC;
	v16 =	vmin.u32 v16, $0x3F7FF;
	v17 =	vmin.u32 v17, $0x3F7FF  }
0x17a: {  	v14 =	vmin.u32 v14, $0x3F7FF;
	v15 =	vmin.u32 v15, $0x3F7FF;
	v17 =	vadd.s32 $0xFFFC57CF, v17  }
0x17b: {  	v24 =	vld [tilespmem:s25+$0x0];
	v18 =	vadd.s32 $0xFFFC57CF, v16;
	v14 =	vadd.s32 $0xFFFC57CF, v14;
	vm1 =	vge.s32 v17, v10  }
0x17c: {  	v15 =	vadd.s32 $0xFFFC57CF, v15;
	vm8 =	vmand vm0, vm1;
	vm1 =	vge.s32 v14, v10  }
0x17d: {  	v16 =	vmpcnt.ones.xlane vm8;
	vm6 =	vmand vm4, vm1;
	vm1 =	vge.s32 v15, v10  }
0x17e: {  	vm2 =	vgt.f32 v25, $1.000000050e-03;
	v19 =	vmpcnt.ones.xlane vm6;
	vm7 =	vmand vm5, vm1  }
0x17f: {  	vm10 =	vge.s32 v18, v10;
	v20 =	vmpcnt.ones.xlane vm7;
	(v2sf) =	vpush v16, $0x0  }
0x180: {  	v13 =	vshrl.u32 v24, $0xC;
	vm1 =	vmand vm2, vm10;
	(v2sf) =	vpush v19, $0x0  }
0x181: {  	v13 =	vmin.u32 v13, $0x3F7FF;
	v21 =	vmpcnt.ones.xlane vm1;
	(v2sf) =	vpush v20, $0x0  }
0x182: {  	v13 =	vadd.s32 $0xFFFC57CF, v13  }
0x183: {  	vm3 =	vgt.f32 v24, $1.000000050e-03;
	vm9 =	vge.s32 v13, v10;
	(v2sf) =	vpush v21, $0x0  }
0x184: {  	s28 =	sadd.s32 $0xFFFFFFB0, s1;
	vm11 =	veq.s32 v14, v10;
	vm9 =	vmand vm3, vm9;
	v14 =	vimm.s32 $0x0  }
0x185: {  	s31 =	sadd.s32 $0x2760, s28;
	vm10 =	veq.s32 v17, v10;
	v17 =	vmpcnt.ones.xlane vm9;
	vm9 =	vmmov vm9  }
0x186: {  	v29 =	vor.u32 s31, v3;
	s26 =	simm.s32 $0x27A0;
	v27 =	vand.u32 $0xFFF, v26;
	v14 =	vsel vm9, $0xFFFFFFFF, v14  }
0x187: {  	v28 =	vand.u32 $0xFFF, v11;
	vm13 =	veq.s32 v15, v10;
	v16 =	vld [tilespmem:s26+$0x0];
	vm14 =	vmand vm0, vm10;
	[tilespmem:$0x1FFC0] =	vst v14  }
0x188: {  	vm15 =	veq.s32 v13, v10;
	vm1 =	vmmov vm1;
	vm9 =	veq.s32 v18, v10;
	v19 =	vld [tilespmem:s26+$0xFFFFFFC0]  }
0x189: {  	vm0 =	vmand vm4, vm11;
	vm10 =	vmand vm2, vm9;
	vm2 =	vmmov vm1;
	v13 =	vld [tilespmem:s26+$0xFFFFFFD0]  }
0x18a: {  	s10 =	sadd.s32 $0x2780, s28;
	vm1 =	vmmov vm6;
	(v2sf) =	vpush v17, $0x0;
	v17 =	vimm.s32 $0x0  }
0x18b: {  	v22 =	vor.u32 s10, v3;
	s11 =	sadd.s32 $0x2790, s28;
	vm13 =	vmand vm5, vm13;
	v15 =	vld [tilespmem:s26+$0xFFFFFFF0];
	v17 =	vsel vm1, $0xFFFFFFFF, v17  }
0x18c: {  	p0 =	slt.s32 s7, $0x2000;
	v23 =	vor.u32 s11, v3;
	s5 =	smov.u32 s7;
	v30 =	vand.u32 $0xFFF, v24;
	v32 =	vand.u32 $0xFFF, v12;
	v14 =	vld [tilespmem:s26+$0xFFFFFFE0];
	[tilespmem:$0x1FFB0] =	vst v17  }
0x18d: {  	s5 =	simm.s32 @!p0 $0x2000;
	v31 =	vand.u32 $0xFFF, v25;
	vm11 =	vmand vm3, vm15;
	[tilespmem:v27+s19+$0x0] =	vst.idx.add.s32.msk vm14, v1;
	v27 =	vshrl.u32 v19, $0xC  }
0x18e: {  	s9 =	sadd.s32 $0x2770, s28;
	vm12 =	vmmov vm7;
	v35 =	vshrl.u32 v13, $0xC;
	[tilespmem:s5+$0x16180] =	vst.msk vm8, v26;
	v26 =	vmin.u32 v27, $0x3F7FF;
	s12 =	spop (v2sf)  }
0x18f: {  	v21 =	vor.u32 s9, v3;
	[tilespmem:v28+s19+$0x0] =	vst.idx.add.s32.msk vm0, v1;
	v35 =	vmin.u32 v35, $0x3F7FF;
	v38 =	vadd.s32 $0xFFFC57CF, v26;
	s9 =	sadd.s32 s7, s12;
	s25 =	spop (v2sf)  }
0x190: {  	vm9 =	vgt.f32 v19, $1.000000050e-03;
	[tilespmem:s5+$0x18200] =	vst.msk vm8, v29;
	v29 =	vadd.s32 $0xFFFC57CF, v35;
	vm0 =	vge.s32 v38, v10;
	s29 =	sadd.s32 s9, s25;
	s26 =	spop (v2sf)  }
0x191: {  	s8 =	sadd.s32 $0x27A0, s28;
	vm7 =	vgt.f32 v13, $1.000000050e-03;
	[tilespmem:v32+s19+$0x0] =	vst.idx.add.s32.msk vm13, v1;
	vm8 =	vmand vm9, vm0;
	vm0 =	vge.s32 v29, v10;
	s12 =	sadd.s32 s29, s26  }
0x192: {  	v33 =	vor.u32 s8, v3;
	[tilespmem:v31+s19+$0x0] =	vst.idx.add.s32.msk vm10, v1;
	v31 =	vmpcnt.ones.xlane vm8;
	vm10 =	vmand vm7, vm0;
	s28 =	spop (v2sf);
	p0 =	slt.s32 s12, $0x2000  }
0x193: {  	vm4 =	vgt.f32 v16, $1.000000050e-03;
	v34 =	vshrl.u32 v16, $0xC;
	[tilespmem:v30+s19+$0x0] =	vst.idx.add.s32.msk vm11, v1;
	v30 =	vmpcnt.ones.xlane vm10;
	s5 =	sadd.s32 s12, s28;
	s12 =	simm.s32 @!p0 $0x2000  }
0x194: {  	v17 =	vand.u32 $0xFFF, v16;
	v36 =	vshrl.u32 v14, $0xC;
	(v2sf) =	vpush v31, $0x0;
	[tilespmem:s12+$0x16180] =	vst.msk vm2, v25  }
0x195: {  	v34 =	vmin.u32 v34, $0x3F7FF;
	v36 =	vmin.u32 v36, $0x3F7FF;
	(v2sf) =	vpush v30, $0x0;
	v30 =	vld [tilespmem:$0x1FFC0]  }
0x196: {  	v18 =	vand.u32 $0xFFF, v15;
	v37 =	vshrl.u32 v15, $0xC;
	v28 =	vadd.s32 $0xFFFC57CF, v36  }
0x197: {  	vm6 =	vgt.f32 v14, $1.000000050e-03;
	v37 =	vmin.u32 v37, $0x3F7FF;
	vm0 =	vge.s32 v28, v10  }
0x198: {  	s8 =	simm.s32 $0x50;
	vm5 =	vgt.f32 v15, $1.000000050e-03;
	v27 =	vadd.s32 $0xFFFC57CF, v37;
	vm11 =	vmand vm6, vm0;
	s7 =	simm.s32 $0x0  }
0x199: {  	v26 =	vadd.s32 $0xFFFC57CF, v34;
	vm0 =	vge.s32 v27, v10;
	v63 =	vmpcnt.ones.xlane vm11;
	p1 =	slt.s32 s29, $0x2000;
	s31 =	spop (v2sf);
	p0 =	slt.s32 s5, $0x2000  }
0x19a: {  	vm14 =	vge.s32 v26, v10;
	vm13 =	vmand vm5, vm0;
	s26 =	simm.s32 $0x27F0;
	s11 =	sadd.s32 s5, s31;
	s5 =	simm.s32 @!p0 $0x2000;
	vm0 =	vnez.u8 v30  }
0x19b: {  	v20 =	vand.u32 $0xFFF, v14;
	vm14 =	vmand vm4, vm14;
	(v2sf) =	vpush v63, $0x0;
	p0 =	slt.s32 s9, $0x2000;
	p2 =	slt.s32 s11, $0x2000;
	s30 =	smov.u32 s11;
	[tilespmem:s5+$0x16180] =	vst.msk vm0, v24  }
0x19c: {  	s29 =	simm.s32 @!p1 $0x2000;
	v25 =	vmpcnt.ones.xlane vm13;
	s30 =	simm.s32 @!p2 $0x2000;
	s9 =	simm.s32 @!p0 $0x2000;
	v30 =	vmpcnt.ones.xlane vm14;
	[tilespmem:s5+$0x18200] =	vst.msk vm0, v33;
	vm0 =	veq.s32 v38, v10  }
.LBB2_28:
0x19d: {  	[tilespmem:s29+$0x16180] =	vst.msk vm12, v12  }
0x19e: {  	v12 =	vmov v14;
	v14 =	vld [tilespmem:s26+$0xFFFFFFE0]  }
0x19f: {  	[tilespmem:s29+$0x18200] =	vst.msk vm12, v22;
	v22 =	vld [tilespmem:$0x1FFB0]  }
0x1a0: {  	vm15 =	veq.s32 v29, v10;
	[tilespmem:s12+$0x18200] =	vst.msk vm2, v23;
	vm2 =	vmmov vm14;
	v23 =	vimm.s32 $0x0  }
0x1a1: {  	vm9 =	vmand vm9, vm0;
	(v2sf) =	vpush v25, $0x0;
	v23 =	vsel vm2, $0xFFFFFFFF, v23  }
0x1a2: {  	vm2 =	veq.s32 v26, v10;
	v26 =	vand.u32 $0xFFF, v19;
	(v2sf) =	vpush v30, $0x0  }
0x1a3: {  	v24 =	vld [tilespmem:s26+$0x0];
	vm1 =	veq.s32 v28, v10;
	vm3 =	vmmov vm13;
	vm13 =	veq.s32 v27, v10  }
0x1a4: {  	v27 =	vld [tilespmem:s26+$0xFFFFFFC0];
	vm0 =	vmand vm7, vm15;
	vm15 =	vmand vm6, vm1;
	vm1 =	vnez.u8 v22  }
0x1a5: {  	s5 =	sadd.s32 s7, s1;
	v25 =	vld [tilespmem:s26+$0xFFFFFFF0];
	[tilespmem:s9+$0x16180] =	vst.msk vm1, v11;
	v11 =	vmov v13  }
0x1a6: {  	vm14 =	vmand vm5, vm13;
	s10 =	sadd.s32 $0x2760, s5;
	s25 =	sadd.s32 $0x2770, s5;
	[tilespmem:$0x1FFA0] =	vst v23;
	v28 =	vand.u32 $0xFFF, v11  }
0x1a7: {  	vm12 =	vmmov vm11;
	s28 =	sadd.s32 $0x2780, s5;
	s31 =	sadd.s32 $0x2790, s5;
	s5 =	sadd.s32 $0x27A0, s5;
	vm13 =	vmand vm4, vm2;
	vm2 =	vmmov vm3;
	[tilespmem:v26+s19+$0x0] =	vst.idx.add.s32.msk vm9, v1  }
0x1a8: {  	v29 =	vor.u32 s10, v3;
	v23 =	vor.u32 s31, v3;
	v33 =	vor.u32 s5, v3;
	[tilespmem:s30+$0x16180] =	vst.msk vm8, v19  }
0x1a9: {  	v30 =	vand.u32 $0xFFF, v24;
	vm4 =	vgt.f32 v24, $1.000000050e-03;
	v34 =	vshrl.u32 v24, $0xC;
	v19 =	vmovc v27;
	v13 =	vld [tilespmem:s26+$0xFFFFFFD0];
	[tilespmem:s9+$0x18200] =	vst.msk vm1, v21  }
0x1aa: {  	v31 =	vand.u32 $0xFFF, v25;
	v22 =	vor.u32 s28, v3;
	[tilespmem:s30+$0x18200] =	vst.msk vm8, v29;
	v29 =	vshrl.u32 v19, $0xC  }
0x1ab: {  	v32 =	vand.u32 $0xFFF, v14;
	vm5 =	vgt.f32 v25, $1.000000050e-03;
	[tilespmem:v28+s19+$0x0] =	vst.idx.add.s32.msk vm0, v1;
	v28 =	vmin.u32 v29, $0x3F7FF  }
0x1ac: {  	vm9 =	vgt.f32 v27, $1.000000050e-03;
	vm6 =	vgt.f32 v14, $1.000000050e-03;
	v62 =	vadd.s32 $0xFFFC57CF, v28  }
0x1ad: {  	s10 =	spop (v2sf);
	vm1 =	vmmov vm10;
	v21 =	vimm.s32 $0x0;
	vm0 =	vge.s32 v62, v10  }
0x1ae: {  	v35 =	vshrl.u32 v25, $0xC;
	[tilespmem:v17+s19+$0x0] =	vst.idx.add.s32.msk vm13, v1;
	v21 =	vsel vm1, $0xFFFFFFFF, v21;
	s12 =	spop (v2sf);
	vm8 =	vmand vm9, vm0  }
0x1af: {  	v34 =	vmin.u32 v34, $0x3F7FF;
	v17 =	vmovc v30;
	[tilespmem:$0x1FFB0] =	vst v21;
	v21 =	vor.u32 s25, v3;
	s25 =	spop (v2sf);
	v30 =	vmpcnt.ones.xlane vm8  }
0x1b0: {  	v27 =	vshrl.u32 v14, $0xC;
	v35 =	vmin.u32 v35, $0x3F7FF;
	v26 =	vshrl.u32 v13, $0xC;
	s28 =	spop (v2sf)  }
0x1b1: {  	v36 =	vmin.u32 v27, $0x3F7FF;
	s9 =	sadd.s32 s11, s10;
	v29 =	vmin.u32 v26, $0x3F7FF;
	s31 =	spop (v2sf);
	(v2sf) =	vpush v30, $0x0;
	v30 =	vld [tilespmem:$0x1FFA0]  }
0x1b2: {  	s7 =	smov.u32 s8;
	s8 =	sadd.s32 $0x50, s8;
	v27 =	vadd.s32 $0xFFFC57CF, v35;
	vm7 =	vgt.f32 v13, $1.000000050e-03;
	s29 =	sadd.s32 s9, s12;
	v29 =	vadd.s32 $0xFFFC57CF, v29  }
0x1b3: {  	p0 =	slt.u32 s8, $0x26C0;
	v26 =	vadd.s32 $0xFFFC57CF, v34;
	v28 =	vadd.s32 $0xFFFC57CF, v36;
	s12 =	sadd.s32 s29, s25;
	vm0 =	vge.s32 v29, v10  }
.Ltmp15:
0x1b4: {  	[tilespmem:v20+s19+$0x0] =	vst.idx.add.s32.msk vm15, v1;
	vm1 =	vge.s32 v26, v10;
	p3 =	slt.s32 s12, $0x2000;
	vm10 =	vmand vm7, vm0;
	vm0 =	vge.s32 v28, v10;
	s5 =	sadd.s32 s12, s28;
	(pc) =	sbr.rel @p0 .LBB2_28-.Ltmp15, $4  }
0x1b5: {  	[tilespmem:v18+s19+$0x0] =	vst.idx.add.s32.msk vm14, v1;
	v18 =	vmovc v31;
	s26 =	sadd.s32 $0x50, s26;
	vm14 =	vmand vm4, vm1;
	s12 =	simm.s32 @!p3 $0x2000;
	v31 =	vmpcnt.ones.xlane vm10;
	vm11 =	vmand vm6, vm0;
	p3 =	slt.s32 s5, $0x2000  }
0x1b6: {  	p1 =	slt.s32 s9, $0x2000;
	vm0 =	vge.s32 v27, v10;
	s11 =	sadd.s32 s5, s31;
	[tilespmem:s12+$0x16180] =	vst.msk vm3, v15;
	v63 =	vmpcnt.ones.xlane vm11;
	s5 =	simm.s32 @!p3 $0x2000;
	vm1 =	vnez.u8 v30  }
0x1b7: {  	v20 =	vmovc v32;
	p2 =	slt.s32 s29, $0x2000;
	p4 =	slt.s32 s11, $0x2000;
	vm13 =	vmand vm5, vm0;
	s30 =	smov.u32 s11;
	vm0 =	veq.s32 v62, v10;
	(v2sf) =	vpush v31, $0x0;
	[tilespmem:s5+$0x16180] =	vst.msk vm1, v16  }
0x1b8: {  	s9 =	simm.s32 @!p1 $0x2000;
	s29 =	simm.s32 @!p2 $0x2000;
	v15 =	vmovc v25;
	s30 =	simm.s32 @!p4 $0x2000;
	v25 =	vmpcnt.ones.xlane vm13;
	(v2sf) =	vpush v63, $0x0;
	v30 =	vmpcnt.ones.xlane vm14;
	v16 =	vmovc v24;
	[tilespmem:s5+$0x18200] =	vst.msk vm1, v33  }
0x1b9: {  	_ = 	snop  }
0x1ba: {  	(v2sf) =	vpush v25, $0x0;
	_ =	sdelay $0x1  }
0x1bb: {  	(v2sf) =	vpush v30, $0x0;
	_ =	sdelay $0x1  }
0x1bc: {  	vm0 =	vmand vm9, vm0;
	[tilespmem:s12+$0x18200] =	vst.msk vm2, v23  }
0x1bd: {  	v62 =	vand.u32 $0xFFF, v19;
	[tilespmem:s29+$0x16180] =	vst.msk vm12, v12;
	vm3 =	veq.s32 v27, v10  }
0x1be: {  	[tilespmem:s29+$0x18200] =	vst.msk vm12, v22;
	vm3 =	vmand vm5, vm3  }
0x1bf: {  	vm9 =	veq.s32 v26, v10;
	v12 =	vld [tilespmem:$0x1FFB0]  }
0x1c0: {  	vm4 =	vmand vm4, vm9;
	_ =	sdelay $0x1  }
0x1c1: {  	vm12 =	veq.s32 v28, v10;
	[tilespmem:v62+s19+$0x0] =	vst.idx.add.s32.msk vm0, v1  }
0x1c2: {  	vm1 =	veq.s32 v29, v10;
	s5 =	sadd.s32 s7, s1;
	vm2 =	vmand vm6, vm12;
	[tilespmem:s30+$0x16180] =	vst.msk vm8, v19  }
0x1c3: {  	vm1 =	vmand vm7, vm1;
	s7 =	sadd.s32 $0x2760, s5;
	vm15 =	vnez.u8 v12;
	s8 =	spop (v2sf);
	[tilespmem:v18+s19+$0x0] =	vst.idx.add.s32.msk vm3, v1  }
0x1c4: {  	v63 =	vor.u32 s7, v3;
	[tilespmem:s9+$0x16180] =	vst.msk vm15, v11;
	v11 =	vand.u32 $0xFFF, v13;
	s7 =	sadd.s32 s11, s8;
	s12 =	spop (v2sf)  }
0x1c5: {  	[tilespmem:v17+s19+$0x0] =	vst.idx.add.s32.msk vm4, v1;
	s8 =	sadd.s32 s7, s12;
	s25 =	spop (v2sf)  }
0x1c6: {  	[tilespmem:s9+$0x18200] =	vst.msk vm15, v21;
	s9 =	sadd.s32 s8, s25;
	s10 =	spop (v2sf)  }
0x1c7: {  	[tilespmem:s30+$0x18200] =	vst.msk vm8, v63;
	s10 =	sadd.s32 s9, s10  }
0x1c8: {  	s28 =	sadd.s32 $0x27A0, s5;
	[tilespmem:v20+s19+$0x0] =	vst.idx.add.s32.msk vm2, v1;
	s26 =	spop (v2sf);
	p0 =	slt.s32 s10, $0x2000  }
0x1c9: {  	vm12 =	vmmov vm14;
	[tilespmem:v11+s19+$0x0] =	vst.idx.add.s32.msk vm1, v1;
	s29 =	sadd.s32 s10, s26;
	s10 =	simm.s32 @!p0 $0x2000;
	p0 =	slt.s32 s9, $0x2000  }
0x1ca: {  	s13 =	sadd.s32 $0x1, s13;
	v11 =	vor.u32 s28, v3;
	[tilespmem:s10+$0x16180] =	vst.msk vm12, v16;
	s9 =	simm.s32 @!p0 $0x2000;
	p0 =	slt.s32 s8, $0x2000  }
0x1cb: {  	vm13 =	vmmov vm13;
	s30 =	sadd.s32 $0x2790, s5;
	[tilespmem:s10+$0x18200] =	vst.msk vm12, v11;
	s8 =	simm.s32 @!p0 $0x2000;
	p0 =	slt.s32 s7, $0x2000  }
0x1cc: {  	v11 =	vor.u32 s30, v3;
	[tilespmem:s9+$0x16180] =	vst.msk vm13, v15;
	s7 =	simm.s32 @!p0 $0x2000;
	p0 =	sne.s32 s13, $0x14  }
.Ltmp16:
0x1cd: {  	s31 =	sadd.s32 $0x2780, s5;
	vm14 =	vmmov vm11;
	[tilespmem:s9+$0x18200] =	vst.msk vm13, v11;
	(pc) =	sbr.rel @p0 .LBB2_25-.Ltmp16, $4  }
0x1ce: {  	v11 =	vor.u32 s31, v3;
	[tilespmem:s8+$0x16180] =	vst.msk vm14, v14  }
0x1cf: {  	s5 =	sadd.s32 $0x2770, s5;
	vm15 =	vmmov vm10;
	[tilespmem:s8+$0x18200] =	vst.msk vm14, v11  }
0x1d0: {  	v11 =	vor.u32 s5, v3;
	[tilespmem:s7+$0x16180] =	vst.msk vm15, v13  }
0x1d1: {  	s1 =	sadd.s32 $0x4E20, s1;
	[tilespmem:s7+$0x18200] =	vst.msk vm15, v11  }
0x1d2: {  	(v2sf) =	vpush v7, $0xF  }
0x1d3: {  	(v2sf) =	vpush v9, $0x0;
	_ =	sdelay $0x1  }
0x1d4: {  	(v2sf) =	vpush v8, $0x0;
	_ =	sdelay $0x2  }
0x1d5: {  	s1 =	simm.s32 $0x9E80  }
0x1d6: {  	v9 =	vld [tilespmem:s1+$0x0];
	_ =	sdelay $0x4  }
0x1d7: {  	(xrf0) =	vadd.scan.msk.s32 $0xffff, v9;
	_ =	sdelay $0x2  }
0x1d8: {  	s12 =	spop (v2sf)  }
0x1d9: {  	s5 =	spop (v2sf)  }
0x1da: {  	s8 =	simm.s32 $0x0;
	s1 =	ssub.s32 s5, s12  }
0x1db: {  	v7 =	vbroadcast v8, $0x0;
	v8 =	vsub.s32 s8, v9;
	v9, _, _ =	vpop (xrf0);
	s13 =	spop (v2sf);
	s1 =	sadd.s32 $0x1000, s1  }
0x1dc: {  	v10 =	vadd.s32 v9, v8;
	s5 =	sadd.s32 s13, s1  }
0x1dd: {  	(v2sf) =	vpush v9, $0xF;
	v9 =	vsub.s32 v7, v10;
	v8 =	vmov s5  }
0x1de: {  	vm0 =	vge.s32 v9, v8  }
0x1df: {  	v9 =	vmpcnt.ones.xlane vm0;
	_ =	sdelay $0x1  }
0x1e0: {  	(v2sf) =	vpush v9, $0x0  }
0x1e1: {  	s25 =	simm.s32 $0x9E90;
	[tilespmem:$0x16100] =	vst v10  }
0x1e2: {  	v9 =	vld [tilespmem:s25+$0x0];
	_ =	sdelay $0x4  }
0x1e3: {  	(xrf0) =	vadd.scan.msk.s32 $0xffff, v9;
	_ =	sdelay $0x3  }
0x1e4: {  	s26 =	spop (v2sf)  }
0x1e5: {  	s5 =	sadd.s32 $0x0, s26  }
0x1e6: {  	v9 =	vsub.s32 s5, v9;
	v10, _, _ =	vpop (xrf0)  }
0x1e7: {  	v9 =	vadd.s32 v10, v9  }
0x1e8: {  	v11 =	vsub.s32 v7, v9;
	s7 =	spop (v2sf)  }
0x1e9: {  	(v2sf) =	vpush v10, $0xF;
	vm14 =	vge.s32 v11, v8;
	s9 =	sadd.s32 $0xFFFFFFFF, s7  }
0x1ea: {  	v10 =	vmpcnt.ones.xlane vm14;
	p0 =	sgt.s32 s9, $0x0  }
0x1eb: {  	s9 =	simm.s32 @!p0 $0x0  }
0x1ec: {  	(v2sf) =	vpush v10, $0x0;
	v10 =	vld [tilespmem:s9+$0x16100];
	_ =	sdelay $0x1  }
0x1ed: {  	s30 =	simm.s32 $0x9EA0;
	[tilespmem:$0x16100] =	vst v9  }
0x1ee: {  	v9 =	vld [tilespmem:s30+$0x0];
	_ =	sdelay $0x1  }
0x1ef: {  	(v2sf) =	vpush v10, $0x0;
	_ =	sdelay $0x2  }
0x1f0: {  	(xrf0) =	vadd.scan.msk.s32 $0xffff, v9;
	_ =	sdelay $0x3  }
0x1f1: {  	s31 =	spop (v2sf)  }
0x1f2: {  	s12 =	sadd.s32 s5, s31  }
0x1f3: {  	v9 =	vsub.s32 s12, v9;
	v10, _, _ =	vpop (xrf0)  }
0x1f4: {  	v11 =	vadd.s32 v10, v9;
	s25 =	spop (v2sf);
	(v2sf) =	vpush v10, $0xF  }
0x1f5: {  	v9 =	vsub.s32 v7, v11  }
0x1f6: {  	s11 =	simm.s32 $0x1F;
	s13 =	sadd.s32 $0xFFFFFFFF, s7;
	s26 =	sadd.s32 $0xFFFFFFFF, s25;
	vm15 =	vge.s32 v9, v8  }
0x1f7: {  	s9 =	simm.s32 $0x2F;
	s5 =	simm.s32 $0x3F;
	p0 =	sgt.s32 s26, $0x0;
	v12 =	vmpcnt.ones.xlane vm15  }
0x1f8: {  	s10 =	sadd.s32 $0xF, s25;
	s26 =	simm.s32 @!p0 $0x0;
	p0 =	sgt.s32 s7, $0x0  }
0x1f9: {  	s7 =	simm.s32 $0x0;
	v9 =	vld [tilespmem:s26+$0x16100];
	s26 =	simm.s32 $0x9EB0;
	[tilespmem:$0x16100] =	vst v11;
	(v2sf) =	vpush v12, $0x0;
	s28 =	spop (v2sf)  }
.LBB2_31:
0x1fa: {  	s8 =	smov.u32 @p0 s13;
	s7 =	smov.u32 @p0 s28;
	s28 =	smov.u32 s5  }
0x1fb: {  	v10 =	vld [tilespmem:s26+$0x0];
	s30 =	sadd.s32 $0x10, s5;
	s31 =	smov.u32 s25;
	s13 =	smov.u32 s10  }
0x1fc: {  	p1 =	sne.s32 s5, $0xFEF;
	_ =	sdelay $0x1  }
0x1fd: {  	(v2sf) =	vpush v9, $0x0;
	_ =	sdelay $0x1  }
0x1fe: {  	(xrf0) =	vadd.scan.msk.s32 $0xffff, v10;
	_ =	sdelay $0x2  }
0x1ff: {  	s5 =	spop (v2sf)  }
0x200: {  	s12 =	sadd.s32 s12, s5;
	_ =	sdelay $0x1  }
0x201: {  	v9 =	vsub.s32 s12, v10;
	v10, _, _ =	vpop (xrf0)  }
0x202: {  	v11 =	vadd.s32 v10, v9;
	(v2sf) =	vpush v10, $0xF  }
0x203: {  	v9 =	vsub.s32 v7, v11;
	s25 =	spop (v2sf)  }
.Ltmp17:
0x204: {  	vm0 =	vge.s32 v9, v8;
	s5 =	sadd.s32 $0xFFFFFFFF, s25;
	s10 =	sadd.s32 s11, s25;
	(pc) =	sbr.rel @p1 .LBB2_31-.Ltmp17, $4  }
0x205: {  	s11 =	smov.u32 s9;
	s9 =	smov.u32 s28;
	v9 =	vmpcnt.ones.xlane vm0;
	p0 =	sgt.s32 s5, $0x0  }
0x206: {  	s5 =	simm.s32 @!p0 $0x0  }
0x207: {  	s26 =	sadd.s32 $0x10, s26;
	(v2sf) =	vpush v9, $0x0;
	v9 =	vld [tilespmem:s5+$0x16100]  }
0x208: {  	p0 =	sgt.s32 s31, $0x0;
	s5 =	smov.u32 s30;
	[tilespmem:$0x16100] =	vst v11;
	s28 =	spop (v2sf)  }
0x209: {  	v10 =	vld [tilespmem:s26+$0x0];
	_ =	sdelay $0x4  }
0x20a: {  	(xrf0) =	vadd.scan.msk.s32 $0xffff, v10;
	_ =	sdelay $0x3  }
0x20b: {  	s5 =	spop (v2sf)  }
0x20c: {  	s5 =	sadd.s32 s12, s5  }
0x20d: {  	v10 =	vsub.s32 s5, v10;
	v11, _, _ =	vpop (xrf0)  }
0x20e: {  	v10 =	vadd.s32 v11, v10  }
0x20f: {  	v7 =	vsub.s32 v7, v10  }
0x210: {  	vm0 =	vge.s32 v7, v8  }
0x211: {  	(v2sf) =	vpush v9, $0x0;
	v7 =	vmpcnt.ones.xlane vm0  }
0x212: {  	(v2sf) =	vpush v11, $0xF  }
0x213: {  	(v2sf) =	vpush v7, $0x0;
	_ =	sdelay $0x8  }
0x214: {  	s5 =	spop (v2sf)  }
0x215: {  	s8 =	smov.u32 @p0 s13;
	s13 =	sadd.s32 $0xFFFFFFFF, s5  }
0x216: {  	p2 =	sgt.s32 s13, $0x0  }
0x217: {  	s13 =	simm.s32 @!p2 $0x0  }
0x218: {  	v7 =	vld [tilespmem:s13+$0x16100];
	s12 =	spop (v2sf)  }
0x219: {  	p1 =	sgt.s32 s25, $0x0;
	s31 =	spop (v2sf)  }
0x21a: {  	s8 =	smov.u32 @p1 s10;
	s30 =	spop (v2sf)  }
0x21b: {  	s11 =	sadd.s32 s11, s5;
	p3 =	sgt.s32 s5, $0x0;
	s10 =	sadd.s32 $0xFFFFFFFF, s30  }
0x21c: {  	s8 =	smov.u32 @p3 s11;
	p2 =	sgt.s32 s10, $0x0  }
0x21d: {  	[tilespmem:$0x16100] =	vst v10;
	(v2sf) =	vpush v7, $0x0;
	s9 =	sadd.s32 s9, s30;
	s10 =	simm.s32 @!p2 $0x0;
	p2 =	sgt.s32 s30, $0x0  }
0x21e: {  	v8 =	vld [tilespmem:s10+$0x16100];
	s8 =	smov.u32 @p2 s9  }
0x21f: {  	v63 =	vld [tilespmem:s8+$0x9E80];
	_ =	sdelay $0x3  }
0x220: {  	(v2sf) =	vpush v8, $0x0  }
0x221: {  	(v2sf) =	vpush v63, $0x0;
	_ =	sdelay $0x5  }
0x222: {  	p4 =	slt.s32 s29, $0x2000  }
0x223: {  	s7 =	smov.u32 @p0 s28;
	s29 =	simm.s32 @!p4 $0x2000  }
0x224: {  	s7 =	smov.u32 @p1 s12;
	s31 =	sadd.s32 $0xF, s29;
	s5 =	spop (v2sf)  }
0x225: {  	s7 =	smov.u32 @p3 s5;
	s5 =	sshra.s32 s31, $0x4  }
0x226: {  	p0 =	slt.s32 s5, $0x1  }
.Ltmp18:
0x227: {  	_ = 	snop;
	(pc) =	sbr.rel @p0 .LBB2_33-.Ltmp18, $4  }
0x228: {  	_ = 	snop  }
0x229: {  	s0 =	sshll.u32 s0, $0xC  }
0x22a: {  	s0 =	sadd.s32 $0x3A831000, s0;
	s9 =	spop (v2sf)  }
0x22b: {  	s0 =	sor.u32 s0, s8;
	s7 =	smov.u32 @p2 s9;
	s9 =	spop (v2sf)  }
0x22c: {  	s8 =	simm.s32 $0x16180  }
0x22d: {  	v9 =	vld [tilespmem:s8+$0x0];
	_ =	sdelay $0x2  }
0x22e: {  	s8 =	simm.s32 $0x0  }
0x22f: {  	v7 =	vmov s29;
	v8 =	vmov s0;
	p1 =	sne.s32 s5, $0x1;
	v10 =	vor.u32 s8, v3  }
.Ltmp19:
0x230: {  	vm0 =	vlt.s32 v10, v7;
	vm1 =	vgt.s32 v9, v8;
	(pc) =	sbr.rel @!p1 .LBB2_35-.Ltmp19, $4  }
0x231: {  	vm1 =	vmand vm0, vm1  }
0x232: {  	vm2 =	veq.s32 v9, v8;
	v12 =	vmpcnt.ones.xlane vm1  }
0x233: {  	s10 =	simm.s32 $0x18200;
	vm2 =	vmand vm0, vm2  }
0x234: {  	s5 =	sadd.s32 $0xFFFFFFFF, s5;
	p0 =	por $0x0, $0x0;
	v10 =	vxor.u32 $0xFFFFFFFF, v9;
	v9 =	vld [tilespmem:s10+$0x0];
	v11 =	vmpcnt.ones.xlane vm2;
	(v2sf) =	vpush v12, $0x0  }
0x235: {  	_ = 	snop  }
0x236: {  	(v2sf) =	vpush v11, $0x0;
	_ =	sdelay $0x1  }
0x237: {  	[tilespmem:s8+$0xB080] =	vst.msk vm1, v10;
	p0 =	por $0x1, $0x1;
	s10 =	simm.s32 $0x0  }
0x238: {  	s10 =	simm.s32 @!p0 $0x1000;
	[tilespmem:s8+$0xC100] =	vst.msk vm1, v9  }
0x239: {  	s11 =	simm.s32 $0x16190;
	[tilespmem:s10+$0xF280] =	vst.msk vm2, v9  }
0x23a: {  	v9 =	vld [tilespmem:s11+$0x0];
	_ =	sdelay $0x2  }
0x23b: {  	s12 =	simm.s32 $0x10  }
0x23c: {  	p1 =	sne.s32 s5, $0x1;
	v10 =	vor.u32 s12, v3  }
.Ltmp20:
0x23d: {  	vm0 =	vlt.s32 v10, v7;
	vm1 =	vgt.s32 v9, v8;
	(pc) =	sbr.rel @!p1 .LBB2_37-.Ltmp20, $4  }
0x23e: {  	s26 =	simm.s32 $0x18210;
	vm2 =	veq.s32 v9, v8;
	vm1 =	vmand vm0, vm1  }
0x23f: {  	v10 =	vxor.u32 $0xFFFFFFFF, v9;
	v9 =	vld [tilespmem:s26+$0x0];
	vm2 =	vmand vm0, vm2;
	v12 =	vmpcnt.ones.xlane vm1  }
0x240: {  	s13 =	simm.s32 $0x0;
	s25 =	simm.s32 $0x0;
	v11 =	vmpcnt.ones.xlane vm2  }
0x241: {  	p0 =	por $0x1, $0x1;
	s10 =	sadd.s32 $0xFFFFFFFF, s5;
	s5 =	spop (v2sf);
	(v2sf) =	vpush v12, $0x0  }
.LBB2_38:
0x242: {  	p1 =	sne.s32 s10, $0x1;
	(v2sf) =	vpush v11, $0x0;
	s13 =	sadd.s32 s13, s5;
	s5 =	spop (v2sf)  }
0x243: {  	s10 =	sadd.s32 $0xFFFFFFFF, s10;
	[tilespmem:s13+$0xB080] =	vst.msk vm1, v10;
	s25 =	sadd.s32 s25, s5  }
0x244: {  	[tilespmem:s13+$0xC100] =	vst.msk vm1, v9;
	p2 =	slt.s32 s25, $0x1000;
	s5 =	smov.u32 s25  }
0x245: {  	s5 =	simm.s32 @!p2 $0x1000  }
0x246: {  	s11 =	sadd.s32 $0x10, s11;
	[tilespmem:s5+$0xF280] =	vst.msk vm2, v9  }
0x247: {  	v9 =	vld [tilespmem:s11+$0x0];
	_ =	sdelay $0x2  }
0x248: {  	s12 =	sadd.s32 $0x10, s12  }
0x249: {  	v10 =	vor.u32 s12, v3  }
.Ltmp21:
0x24a: {  	vm0 =	vlt.s32 v10, v7;
	vm1 =	vgt.s32 v9, v8;
	vm2 =	veq.s32 v9, v8;
	(pc) =	sbr.rel @p1 .LBB2_38-.Ltmp21, $3  }
0x24b: {  	s26 =	sadd.s32 $0x10, s26;
	v10 =	vxor.u32 $0xFFFFFFFF, v9;
	vm1 =	vmand vm0, vm1;
	vm2 =	vmand vm0, vm2  }
0x24c: {  	v9 =	vld [tilespmem:s26+$0x0];
	v12 =	vmpcnt.ones.xlane vm1;
	v11 =	vmpcnt.ones.xlane vm2;
	_ =	sdelay $0x1  }
0x24d: {  	(v2sf) =	vpush v12, $0x0;
	s5 =	spop (v2sf)  }
.LBB2_39:
0x24e: {  	(v2sf) =	vpush v11, $0x0;
	_ =	sdelay $0xb  }
0x24f: {  	s5 =	sadd.s32 @p0 s13, s5;
	s11 =	simm.s32 $0x0  }
0x250: {  	s10 =	spop @p0 (v2sf);
	s11 =	smov.u32 @p0 s5  }
.Ltmp22:
0x251: {  	s5 =	sadd.s32 @p0 s25, s10;
	s30 =	spop (v2sf);
	(pc) =	sbr.rel .LBB2_40-.Ltmp22, $4  }
0x252: {  	s8 =	smov.u32 @p0 s5;
	s31 =	spop (v2sf)  }
0x253: {  	[tilespmem:s11+$0xB080] =	vst.msk vm1, v10;
	p0 =	slt.s32 s8, $0x1000;
	s12 =	smov.u32 s8;
	s8 =	sadd.s32 s8, s31  }
0x254: {  	[tilespmem:s11+$0xC100] =	vst.msk vm1, v9;
	s12 =	simm.s32 @!p0 $0x1000;
	p0 =	slt.s32 s8, $0x1000  }
0x255: {  	[tilespmem:s12+$0xF280] =	vst.msk vm2, v9;
	s10 =	sadd.s32 s11, s30;
	s8 =	simm.s32 @!p0 $0x1000  }
.LBB2_33:
0x256: {  	s10 =	simm.s32 $0x0;
	s8 =	simm.s32 $0x0  }
.LBB2_40:
0x257: {  	s1 =	sadd.s32 s7, s1  }
0x258: {  	s1 =	sadd.s32 s9, s1  }
0x259: {  	p0 =	sgt.s32 s1, $0x0  }
0x25a: {  	s1 =	simm.s32 @!p0 $0x0  }
0x25b: {  	p0 =	slt.s32 s1, s8  }
0x25c: {  	s8 =	smov.u32 @p0 s1  }
0x25d: {  	s1 =	sadd.s32 $0xF, s8  }
0x25e: {  	s7 =	sshra.s32 s1, $0x4  }
0x25f: {  	p0 =	slt.s32 s7, $0x1  }
.Ltmp23:
0x260: {  	_ = 	snop;
	(pc) =	sbr.rel @p0 .LBB2_43-.Ltmp23, $2  }
0x261: {  	_ =	sdelay $0x2  }
0x262: {  	vm2 =	vmxor vm2, vm2  }
0x263: {  	s1 =	simm.s32 $0xF280  }
0x264: {  	p0 =	sne.s32 s7, $0x1;
	v9 =	vld [tilespmem:s1+$0x0]  }
.Ltmp24:
0x265: {  	s5 =	sshll.u32 s10, $0x2;
	s1 =	simm.s32 $0x0;
	(pc) =	sbr.rel @!p0 .LBB2_43-.Ltmp24, $4  }
0x266: {  	s0 =	sxor.u32 $0xFFFFFFFF, s0;
	v7 =	vmov s8;
	s5 =	sshra.s32 s5, $0x2;
	v10 =	vor.u32 s1, v3  }
0x267: {  	v8 =	vmov s0;
	s0 =	sadd.s32 $0xB080, s5;
	vm0 =	vlt.s32 v10, v7  }
0x268: {  	s5 =	sadd.s32 $0xC100, s5;
	[tilespmem:s0+$0x0] =	vst.msk vm0, v8  }
0x269: {  	s7 =	sadd.s32 $0xFFFFFFFF, s7;
	s9 =	simm.s32 $0xF290;
	[tilespmem:s5+$0x0] =	vst.msk vm0, v9  }
.LBB2_42:
0x26a: {  	v9 =	vld [tilespmem:s9+$0x0];
	p0 =	sne.s32 s7, $0x1;
	s7 =	sadd.s32 $0xFFFFFFFF, s7  }
.Ltmp25:
0x26b: {  	s1 =	sadd.s32 $0x10, s1;
	(pc) =	sbr.rel @p0 .LBB2_42-.Ltmp25, $4  }
0x26c: {  	v10 =	vor.u32 s1, v3  }
0x26d: {  	s0 =	sadd.s32 $0x10, s0;
	vm0 =	vlt.s32 v10, v7  }
0x26e: {  	s5 =	sadd.s32 $0x10, s5;
	[tilespmem:s0+$0x0] =	vst.msk vm0, v8  }
0x26f: {  	s9 =	sadd.s32 $0x10, s9;
	[tilespmem:s5+$0x0] =	vst.msk vm0, v9  }
.LBB2_43:
0x270: {  	s0 =	sadd.s32 s10, s8  }
0x271: {  	[tilespmem:s0+$0xB080] =	vst v4  }
0x272: {  	[tilespmem:s0+$0xC100] =	vst v0  }
0x273: {  	[tilespmem:$0xAF00] =	vst v0  }
0x274: {  	[tilespmem:$0xAF10] =	vst v0  }
0x275: {  	[tilespmem:$0xAF20] =	vst v0  }
0x276: {  	[tilespmem:$0xAF30] =	vst v0  }
0x277: {  	[tilespmem:$0xAF40] =	vst v0  }
0x278: {  	[tilespmem:$0xAF50] =	vst v0  }
0x279: {  	[tilespmem:$0xAF60] =	vst v0  }
0x27a: {  	[tilespmem:$0xAF70] =	vst v0  }
0x27b: {  	s1 =	sadd.s32 $0xF, s0;
	[tilespmem:$0xAF80] =	vst v0  }
0x27c: {  	[tilespmem:$0xAF90] =	vst v0;
	s1 =	sshra.s32 s1, $0x4  }
0x27d: {  	[tilespmem:$0xAFA0] =	vst v0;
	p0 =	sgt.s32 s1, $0x0  }
.Ltmp26:
0x27e: {  	[tilespmem:$0xAFB0] =	vst v0;
	(pc) =	sbr.rel @!p0 .LBB2_44-.Ltmp26, $4  }
0x27f: {  	[tilespmem:$0xAFC0] =	vst v0  }
0x280: {  	[tilespmem:$0xAFD0] =	vst v0  }
0x281: {  	[tilespmem:$0xAFE0] =	vst v0  }
0x282: {  	s5 =	simm.s32 $0xB080;
	[tilespmem:$0xAFF0] =	vst v0  }
0x283: {  	p1 =	seq.s32 s1, $0x1  }
.Ltmp27:
0x284: {  	_ = 	snop;
	(pc) =	sbr.rel @p1 .LBB2_81-.Ltmp27, $2  }
0x285: {  	_ =	sdelay $0x2  }
0x286: {  	v7 =	vld [tilespmem:s5+$0x0];
	s7 =	sadd.s32 $0xFFFFFFFF, s1  }
.LBB2_80:
0x287: {  	p1 =	seq.s32 s7, $0x1;
	_ =	sdelay $0x3  }
0x288: {  	v7 =	vand.u32 $0xFF, v7;
	_ =	sdelay $0x1  }
.Ltmp28:
0x289: {  	(pc) =	sbr.rel @!p1 .LBB2_80-.Ltmp28, $3  }
0x28a: {  	_ =	sdelay $0x1  }
0x28b: {  	s5 =	sadd.s32 $0x10, s5;
	[tilespmem:v7+s20+$0x0] =	vst.idx.add.s32.msk $0xffff, v1  }
0x28c: {  	s7 =	sadd.s32 $0xFFFFFFFF, s7;
	v7 =	vld [tilespmem:s5+$0x0]  }
.LBB2_81:
0x28d: {  	_ =	sdelay $0x3  }
0x28e: {  	v7 =	vand.u32 $0xFF, v7;
	_ =	sdelay $0x4  }
0x28f: {  	[tilespmem:v7+s20+$0x0] =	vst.idx.add.s32.msk $0xffff, v1  }
.LBB2_44:
0x290: {  	s9 =	simm.s32 $0x0  }
0x291: {  	v7 =	vld [tilespmem:s9+$0xAF00];
	_ =	sdelay $0x4  }
0x292: {  	(xrf0) =	vadd.scan.msk.s32 $0xffff, v7;
	_ =	sdelay $0x5  }
0x293: {  	v8, _, _ =	vpop (xrf0)  }
0x294: {  	s7 =	simm.s32 $0x0;
	(v2sf) =	vpush v8, $0xF  }
0x295: {  	v7 =	vsub.s32 s7, v7  }
0x296: {  	v7 =	vadd.s32 v8, v7  }
0x297: {  	s5 =	simm.s32 $0x10;
	s8 =	simm.s32 $0x80;
	[tilespmem:s9+$0xAF00] =	vst v7  }
.LBB2_45:
0x298: {  	p1 =	seq.s32 s8, $0x3C0;
	v7 =	vld [tilespmem:s5+$0xAF00];
	_ =	sdelay $0x4  }
0x299: {  	(xrf0) =	vadd.scan.msk.s32 $0xffff, v7;
	_ =	sdelay $0x5  }
.Ltmp29:
0x29a: {  	v8, _, _ =	vpop (xrf0);
	s9 =	spop (v2sf);
	(pc) =	sbr.rel @!p1 .LBB2_45-.Ltmp29, $4  }
0x29b: {  	(v2sf) =	vpush v8, $0xF;
	s7 =	sadd.s32 s7, s9  }
0x29c: {  	v7 =	vsub.s32 s7, v7  }
0x29d: {  	v7 =	vadd.s32 v8, v7  }
0x29e: {  	[tilespmem:s5+$0xAF00] =	vst v7;
	s5 =	sshra.s32 s8, $0x2;
	s8 =	sadd.s32 $0x40, s8  }
0x29f: {  	v7 =	vld [tilespmem:s5+$0xAF00];
	_ =	sdelay $0x4  }
0x2a0: {  	(xrf0) =	vadd.scan.msk.s32 $0xffff, v7;
	_ =	sdelay $0x5  }
0x2a1: {  	v8, _, _ =	vpop (xrf0)  }
0x2a2: {  	(v2sf) =	vpush v8, $0xF;
	_ =	sdelay $0xa  }
.Ltmp30:
0x2a3: {  	s8 =	spop (v2sf);
	(pc) =	sbr.rel @!p0 .LBB2_50-.Ltmp30, $4  }
0x2a4: {  	s7 =	sadd.s32 s7, s8  }
0x2a5: {  	v7 =	vsub.s32 s7, v7  }
0x2a6: {  	v7 =	vadd.s32 v8, v7  }
0x2a7: {  	[tilespmem:s5+$0xAF00] =	vst v7;
	s31 =	spop (v2sf)  }
0x2a8: {  	p1 =	seq.s32 s1, $0x1  }
.Ltmp31:
0x2a9: {  	_ = 	snop;
	(pc) =	sbr.rel @p1 .LBB2_49-.Ltmp31, $4  }
0x2aa: {  	s7 =	simm.s32 $0xB080  }
0x2ab: {  	v7 =	vld [tilespmem:s7+$0x0]  }
0x2ac: {  	s8 =	simm.s32 $0xC100  }
0x2ad: {  	s9 =	sadd.s32 $0xFFFFFFFF, s1;
	v8 =	vld [tilespmem:s8+$0x0]  }
.LBB2_48:
0x2ae: {  	p1 =	seq.s32 s9, $0x1;
	_ =	sdelay $0x1  }
0x2af: {  	v9 =	vand.u32 $0xFF, v7  }
0x2b0: {  	(xrf1) =	vunique.msk.u32 $0xffff, v9;
	_ =	sdelay $0x8  }
0x2b1: {  	v10 =	vld.idx.msk [tilespmem:v9+s20+$0x0], $0xffff;
	_ =	sdelay $0x4  }
0x2b2: {  	_, v11, vm0 =	vpop (xrf1)  }
0x2b3: {  	v10 =	vadd.s32 v11, v10  }
0x2b4: {  	v10 =	vadd.s32 $0xFFFFFFFF, v10;
	_ =	sdelay $0x4  }
0x2b5: {  	[tilespmem:v10+s21+$0x0] =	vst.idx.msk $0xffff, v7  }
.Ltmp32:
0x2b6: {  	[tilespmem:v10+s22+$0x0] =	vst.idx.msk $0xffff, v8;
	(pc) =	sbr.rel @!p1 .LBB2_48-.Ltmp32, $4  }
0x2b7: {  	s7 =	sadd.s32 $0x10, s7;
	[tilespmem:v9+s20+$0x0] =	vst.idx.add.s32.msk vm0, v11  }
0x2b8: {  	s8 =	sadd.s32 $0x10, s8;
	v7 =	vld [tilespmem:s7+$0x0]  }
0x2b9: {  	v8 =	vld [tilespmem:s8+$0x0]  }
0x2ba: {  	s9 =	sadd.s32 $0xFFFFFFFF, s9  }
.LBB2_49:
0x2bb: {  	_ =	sdelay $0x1  }
0x2bc: {  	v9 =	vand.u32 $0xFF, v7  }
0x2bd: {  	(xrf1) =	vunique.msk.u32 $0xffff, v9;
	_ =	sdelay $0x9  }
0x2be: {  	v10 =	vld.idx.msk [tilespmem:v9+s20+$0x0], $0xffff;
	_ =	sdelay $0x3  }
0x2bf: {  	_, v11, vm0 =	vpop (xrf1)  }
0x2c0: {  	v10 =	vadd.s32 v11, v10  }
0x2c1: {  	v10 =	vadd.s32 $0xFFFFFFFF, v10;
	_ =	sdelay $0x4  }
0x2c2: {  	[tilespmem:v10+s21+$0x0] =	vst.idx.msk $0xffff, v7  }
0x2c3: {  	[tilespmem:v10+s22+$0x0] =	vst.idx.msk $0xffff, v8  }
0x2c4: {  	[tilespmem:v9+s20+$0x0] =	vst.idx.add.s32.msk vm0, v11  }
.LBB2_50:
0x2c5: {  	[tilespmem:$0xAF00] =	vst v0  }
0x2c6: {  	[tilespmem:$0xAF10] =	vst v0  }
0x2c7: {  	[tilespmem:$0xAF20] =	vst v0  }
0x2c8: {  	[tilespmem:$0xAF30] =	vst v0  }
0x2c9: {  	[tilespmem:$0xAF40] =	vst v0  }
0x2ca: {  	[tilespmem:$0xAF50] =	vst v0  }
0x2cb: {  	[tilespmem:$0xAF60] =	vst v0  }
0x2cc: {  	[tilespmem:$0xAF70] =	vst v0  }
0x2cd: {  	[tilespmem:$0xAF80] =	vst v0  }
0x2ce: {  	[tilespmem:$0xAF90] =	vst v0  }
0x2cf: {  	[tilespmem:$0xAFA0] =	vst v0  }
.Ltmp33:
0x2d0: {  	[tilespmem:$0xAFB0] =	vst v0;
	(pc) =	sbr.rel @!p0 .LBB2_51-.Ltmp33, $4  }
0x2d1: {  	[tilespmem:$0xAFC0] =	vst v0  }
0x2d2: {  	[tilespmem:$0xAFD0] =	vst v0  }
0x2d3: {  	[tilespmem:$0xAFE0] =	vst v0  }
0x2d4: {  	[tilespmem:$0xAFF0] =	vst v0;
	s5 =	simm.s32 $0xD180  }
0x2d5: {  	p1 =	seq.s32 s1, $0x1  }
.Ltmp34:
0x2d6: {  	_ = 	snop;
	(pc) =	sbr.rel @p1 .LBB2_84-.Ltmp34, $2  }
0x2d7: {  	_ =	sdelay $0x2  }
0x2d8: {  	v7 =	vld [tilespmem:s5+$0x0];
	s7 =	sadd.s32 $0xFFFFFFFF, s1  }
.LBB2_83:
0x2d9: {  	p1 =	seq.s32 s7, $0x1;
	_ =	sdelay $0x3  }
0x2da: {  	v7 =	vshrl.u32 v7, $0x8  }
0x2db: {  	v7 =	vand.u32 $0xFF, v7;
	_ =	sdelay $0x1  }
.Ltmp35:
0x2dc: {  	(pc) =	sbr.rel @!p1 .LBB2_83-.Ltmp35, $3  }
0x2dd: {  	_ =	sdelay $0x1  }
0x2de: {  	s5 =	sadd.s32 $0x10, s5;
	[tilespmem:v7+s20+$0x0] =	vst.idx.add.s32.msk $0xffff, v1  }
0x2df: {  	s7 =	sadd.s32 $0xFFFFFFFF, s7;
	v7 =	vld [tilespmem:s5+$0x0]  }
.LBB2_84:
0x2e0: {  	_ =	sdelay $0x3  }
0x2e1: {  	v7 =	vshrl.u32 v7, $0x8  }
0x2e2: {  	v7 =	vand.u32 $0xFF, v7;
	_ =	sdelay $0x4  }
0x2e3: {  	[tilespmem:v7+s20+$0x0] =	vst.idx.add.s32.msk $0xffff, v1  }
.LBB2_51:
0x2e4: {  	s9 =	simm.s32 $0x0  }
0x2e5: {  	v7 =	vld [tilespmem:s9+$0xAF00];
	_ =	sdelay $0x4  }
0x2e6: {  	(xrf0) =	vadd.scan.msk.s32 $0xffff, v7;
	_ =	sdelay $0x5  }
0x2e7: {  	v8, _, _ =	vpop (xrf0)  }
0x2e8: {  	s7 =	simm.s32 $0x0;
	(v2sf) =	vpush v8, $0xF  }
0x2e9: {  	v7 =	vsub.s32 s7, v7  }
0x2ea: {  	v7 =	vadd.s32 v8, v7  }
0x2eb: {  	s5 =	simm.s32 $0x10;
	s8 =	simm.s32 $0x80;
	[tilespmem:s9+$0xAF00] =	vst v7  }
.LBB2_52:
0x2ec: {  	p1 =	seq.s32 s8, $0x3C0;
	v7 =	vld [tilespmem:s5+$0xAF00];
	_ =	sdelay $0x4  }
0x2ed: {  	(xrf0) =	vadd.scan.msk.s32 $0xffff, v7;
	_ =	sdelay $0x5  }
.Ltmp36:
0x2ee: {  	v8, _, _ =	vpop (xrf0);
	s9 =	spop (v2sf);
	(pc) =	sbr.rel @!p1 .LBB2_52-.Ltmp36, $4  }
0x2ef: {  	(v2sf) =	vpush v8, $0xF;
	s7 =	sadd.s32 s7, s9  }
0x2f0: {  	v7 =	vsub.s32 s7, v7  }
0x2f1: {  	v7 =	vadd.s32 v8, v7  }
0x2f2: {  	[tilespmem:s5+$0xAF00] =	vst v7;
	s5 =	sshra.s32 s8, $0x2;
	s8 =	sadd.s32 $0x40, s8  }
0x2f3: {  	v7 =	vld [tilespmem:s5+$0xAF00];
	_ =	sdelay $0x4  }
0x2f4: {  	(xrf0) =	vadd.scan.msk.s32 $0xffff, v7;
	_ =	sdelay $0x5  }
0x2f5: {  	v8, _, _ =	vpop (xrf0)  }
0x2f6: {  	(v2sf) =	vpush v8, $0xF;
	_ =	sdelay $0xa  }
.Ltmp37:
0x2f7: {  	s8 =	spop (v2sf);
	(pc) =	sbr.rel @!p0 .LBB2_57-.Ltmp37, $4  }
0x2f8: {  	s7 =	sadd.s32 s7, s8  }
0x2f9: {  	v7 =	vsub.s32 s7, v7  }
0x2fa: {  	v7 =	vadd.s32 v8, v7  }
0x2fb: {  	[tilespmem:s5+$0xAF00] =	vst v7;
	s31 =	spop (v2sf)  }
0x2fc: {  	p1 =	seq.s32 s1, $0x1  }
.Ltmp38:
0x2fd: {  	_ = 	snop;
	(pc) =	sbr.rel @p1 .LBB2_56-.Ltmp38, $4  }
0x2fe: {  	s7 =	simm.s32 $0xD180  }
0x2ff: {  	v7 =	vld [tilespmem:s7+$0x0]  }
0x300: {  	s8 =	simm.s32 $0xE200  }
0x301: {  	s9 =	sadd.s32 $0xFFFFFFFF, s1;
	v8 =	vld [tilespmem:s8+$0x0]  }
.LBB2_55:
0x302: {  	p1 =	seq.s32 s9, $0x1;
	_ =	sdelay $0x1  }
0x303: {  	v9 =	vshrl.u32 v7, $0x8  }
0x304: {  	v9 =	vand.u32 $0xFF, v9  }
0x305: {  	(xrf1) =	vunique.msk.u32 $0xffff, v9;
	_ =	sdelay $0x8  }
0x306: {  	v10 =	vld.idx.msk [tilespmem:v9+s20+$0x0], $0xffff;
	_ =	sdelay $0x4  }
0x307: {  	_, v11, vm0 =	vpop (xrf1)  }
0x308: {  	v10 =	vadd.s32 v11, v10  }
0x309: {  	v10 =	vadd.s32 $0xFFFFFFFF, v10;
	_ =	sdelay $0x4  }
0x30a: {  	[tilespmem:v10+s23+$0x0] =	vst.idx.msk $0xffff, v7  }
.Ltmp39:
0x30b: {  	[tilespmem:v10+s24+$0x0] =	vst.idx.msk $0xffff, v8;
	(pc) =	sbr.rel @!p1 .LBB2_55-.Ltmp39, $4  }
0x30c: {  	s7 =	sadd.s32 $0x10, s7;
	[tilespmem:v9+s20+$0x0] =	vst.idx.add.s32.msk vm0, v11  }
0x30d: {  	s8 =	sadd.s32 $0x10, s8;
	v7 =	vld [tilespmem:s7+$0x0]  }
0x30e: {  	v8 =	vld [tilespmem:s8+$0x0]  }
0x30f: {  	s9 =	sadd.s32 $0xFFFFFFFF, s9  }
.LBB2_56:
0x310: {  	_ =	sdelay $0x1  }
0x311: {  	v9 =	vshrl.u32 v7, $0x8  }
0x312: {  	v9 =	vand.u32 $0xFF, v9  }
0x313: {  	(xrf1) =	vunique.msk.u32 $0xffff, v9;
	_ =	sdelay $0x9  }
0x314: {  	v10 =	vld.idx.msk [tilespmem:v9+s20+$0x0], $0xffff;
	_ =	sdelay $0x3  }
0x315: {  	_, v11, vm0 =	vpop (xrf1)  }
0x316: {  	v10 =	vadd.s32 v11, v10  }
0x317: {  	v10 =	vadd.s32 $0xFFFFFFFF, v10;
	_ =	sdelay $0x4  }
0x318: {  	[tilespmem:v10+s23+$0x0] =	vst.idx.msk $0xffff, v7  }
0x319: {  	[tilespmem:v10+s24+$0x0] =	vst.idx.msk $0xffff, v8  }
0x31a: {  	[tilespmem:v9+s20+$0x0] =	vst.idx.add.s32.msk vm0, v11  }
.LBB2_57:
0x31b: {  	[tilespmem:$0xAF00] =	vst v0  }
0x31c: {  	[tilespmem:$0xAF10] =	vst v0  }
0x31d: {  	[tilespmem:$0xAF20] =	vst v0  }
0x31e: {  	[tilespmem:$0xAF30] =	vst v0  }
0x31f: {  	[tilespmem:$0xAF40] =	vst v0  }
0x320: {  	[tilespmem:$0xAF50] =	vst v0  }
0x321: {  	[tilespmem:$0xAF60] =	vst v0  }
0x322: {  	[tilespmem:$0xAF70] =	vst v0  }
0x323: {  	[tilespmem:$0xAF80] =	vst v0  }
0x324: {  	[tilespmem:$0xAF90] =	vst v0  }
0x325: {  	[tilespmem:$0xAFA0] =	vst v0  }
.Ltmp40:
0x326: {  	[tilespmem:$0xAFB0] =	vst v0;
	(pc) =	sbr.rel @!p0 .LBB2_58-.Ltmp40, $4  }
0x327: {  	[tilespmem:$0xAFC0] =	vst v0  }
0x328: {  	[tilespmem:$0xAFD0] =	vst v0  }
0x329: {  	[tilespmem:$0xAFE0] =	vst v0  }
0x32a: {  	[tilespmem:$0xAFF0] =	vst v0;
	s5 =	simm.s32 $0xB080  }
0x32b: {  	p1 =	seq.s32 s1, $0x1  }
.Ltmp41:
0x32c: {  	_ = 	snop;
	(pc) =	sbr.rel @p1 .LBB2_87-.Ltmp41, $2  }
0x32d: {  	_ =	sdelay $0x2  }
0x32e: {  	v7 =	vld [tilespmem:s5+$0x0];
	s7 =	sadd.s32 $0xFFFFFFFF, s1  }
.LBB2_86:
0x32f: {  	p1 =	seq.s32 s7, $0x1;
	_ =	sdelay $0x3  }
0x330: {  	v7 =	vshrl.u32 v7, $0x10  }
0x331: {  	v7 =	vand.u32 $0xFF, v7;
	_ =	sdelay $0x1  }
.Ltmp42:
0x332: {  	(pc) =	sbr.rel @!p1 .LBB2_86-.Ltmp42, $3  }
0x333: {  	_ =	sdelay $0x1  }
0x334: {  	s5 =	sadd.s32 $0x10, s5;
	[tilespmem:v7+s20+$0x0] =	vst.idx.add.s32.msk $0xffff, v1  }
0x335: {  	s7 =	sadd.s32 $0xFFFFFFFF, s7;
	v7 =	vld [tilespmem:s5+$0x0]  }
.LBB2_87:
0x336: {  	_ =	sdelay $0x3  }
0x337: {  	v7 =	vshrl.u32 v7, $0x10  }
0x338: {  	v7 =	vand.u32 $0xFF, v7;
	_ =	sdelay $0x4  }
0x339: {  	[tilespmem:v7+s20+$0x0] =	vst.idx.add.s32.msk $0xffff, v1  }
.LBB2_58:
0x33a: {  	s9 =	simm.s32 $0x0  }
0x33b: {  	v7 =	vld [tilespmem:s9+$0xAF00];
	_ =	sdelay $0x4  }
0x33c: {  	(xrf0) =	vadd.scan.msk.s32 $0xffff, v7;
	_ =	sdelay $0x5  }
0x33d: {  	v8, _, _ =	vpop (xrf0)  }
0x33e: {  	s7 =	simm.s32 $0x0;
	(v2sf) =	vpush v8, $0xF  }
0x33f: {  	v7 =	vsub.s32 s7, v7  }
0x340: {  	v7 =	vadd.s32 v8, v7  }
0x341: {  	s5 =	simm.s32 $0x10;
	s8 =	simm.s32 $0x80;
	[tilespmem:s9+$0xAF00] =	vst v7  }
.LBB2_59:
0x342: {  	p1 =	seq.s32 s8, $0x3C0;
	v7 =	vld [tilespmem:s5+$0xAF00];
	_ =	sdelay $0x4  }
0x343: {  	(xrf0) =	vadd.scan.msk.s32 $0xffff, v7;
	_ =	sdelay $0x5  }
.Ltmp43:
0x344: {  	v8, _, _ =	vpop (xrf0);
	s9 =	spop (v2sf);
	(pc) =	sbr.rel @!p1 .LBB2_59-.Ltmp43, $4  }
0x345: {  	(v2sf) =	vpush v8, $0xF;
	s7 =	sadd.s32 s7, s9  }
0x346: {  	v7 =	vsub.s32 s7, v7  }
0x347: {  	v7 =	vadd.s32 v8, v7  }
0x348: {  	[tilespmem:s5+$0xAF00] =	vst v7;
	s5 =	sshra.s32 s8, $0x2;
	s8 =	sadd.s32 $0x40, s8  }
0x349: {  	v7 =	vld [tilespmem:s5+$0xAF00];
	_ =	sdelay $0x4  }
0x34a: {  	(xrf0) =	vadd.scan.msk.s32 $0xffff, v7;
	_ =	sdelay $0x5  }
0x34b: {  	v8, _, _ =	vpop (xrf0)  }
0x34c: {  	(v2sf) =	vpush v8, $0xF;
	_ =	sdelay $0xa  }
.Ltmp44:
0x34d: {  	s8 =	spop (v2sf);
	(pc) =	sbr.rel @!p0 .LBB2_64-.Ltmp44, $4  }
0x34e: {  	s7 =	sadd.s32 s7, s8  }
0x34f: {  	v7 =	vsub.s32 s7, v7  }
0x350: {  	v7 =	vadd.s32 v8, v7  }
0x351: {  	[tilespmem:s5+$0xAF00] =	vst v7;
	s31 =	spop (v2sf)  }
0x352: {  	p1 =	seq.s32 s1, $0x1  }
.Ltmp45:
0x353: {  	_ = 	snop;
	(pc) =	sbr.rel @p1 .LBB2_63-.Ltmp45, $4  }
0x354: {  	s7 =	simm.s32 $0xB080  }
0x355: {  	v7 =	vld [tilespmem:s7+$0x0]  }
0x356: {  	s8 =	simm.s32 $0xC100  }
0x357: {  	s9 =	sadd.s32 $0xFFFFFFFF, s1;
	v8 =	vld [tilespmem:s8+$0x0]  }
.LBB2_62:
0x358: {  	p1 =	seq.s32 s9, $0x1;
	_ =	sdelay $0x1  }
0x359: {  	v9 =	vshrl.u32 v7, $0x10  }
0x35a: {  	v9 =	vand.u32 $0xFF, v9  }
0x35b: {  	(xrf1) =	vunique.msk.u32 $0xffff, v9;
	_ =	sdelay $0x8  }
0x35c: {  	v10 =	vld.idx.msk [tilespmem:v9+s20+$0x0], $0xffff;
	_ =	sdelay $0x4  }
0x35d: {  	_, v11, vm0 =	vpop (xrf1)  }
0x35e: {  	v10 =	vadd.s32 v11, v10  }
0x35f: {  	v10 =	vadd.s32 $0xFFFFFFFF, v10;
	_ =	sdelay $0x4  }
0x360: {  	[tilespmem:v10+s21+$0x0] =	vst.idx.msk $0xffff, v7  }
.Ltmp46:
0x361: {  	[tilespmem:v10+s22+$0x0] =	vst.idx.msk $0xffff, v8;
	(pc) =	sbr.rel @!p1 .LBB2_62-.Ltmp46, $4  }
0x362: {  	s7 =	sadd.s32 $0x10, s7;
	[tilespmem:v9+s20+$0x0] =	vst.idx.add.s32.msk vm0, v11  }
0x363: {  	s8 =	sadd.s32 $0x10, s8;
	v7 =	vld [tilespmem:s7+$0x0]  }
0x364: {  	v8 =	vld [tilespmem:s8+$0x0]  }
0x365: {  	s9 =	sadd.s32 $0xFFFFFFFF, s9  }
.LBB2_63:
0x366: {  	_ =	sdelay $0x1  }
0x367: {  	v9 =	vshrl.u32 v7, $0x10  }
0x368: {  	v9 =	vand.u32 $0xFF, v9  }
0x369: {  	(xrf1) =	vunique.msk.u32 $0xffff, v9;
	_ =	sdelay $0x9  }
0x36a: {  	v10 =	vld.idx.msk [tilespmem:v9+s20+$0x0], $0xffff;
	_ =	sdelay $0x3  }
0x36b: {  	_, v11, vm0 =	vpop (xrf1)  }
0x36c: {  	v10 =	vadd.s32 v11, v10  }
0x36d: {  	v10 =	vadd.s32 $0xFFFFFFFF, v10;
	_ =	sdelay $0x4  }
0x36e: {  	[tilespmem:v10+s21+$0x0] =	vst.idx.msk $0xffff, v7  }
0x36f: {  	[tilespmem:v10+s22+$0x0] =	vst.idx.msk $0xffff, v8  }
0x370: {  	[tilespmem:v9+s20+$0x0] =	vst.idx.add.s32.msk vm0, v11  }
.LBB2_64:
0x371: {  	[tilespmem:$0xAF00] =	vst v0  }
0x372: {  	[tilespmem:$0xAF10] =	vst v0  }
0x373: {  	[tilespmem:$0xAF20] =	vst v0  }
0x374: {  	[tilespmem:$0xAF30] =	vst v0  }
0x375: {  	[tilespmem:$0xAF40] =	vst v0  }
0x376: {  	[tilespmem:$0xAF50] =	vst v0  }
0x377: {  	[tilespmem:$0xAF60] =	vst v0  }
0x378: {  	[tilespmem:$0xAF70] =	vst v0  }
0x379: {  	[tilespmem:$0xAF80] =	vst v0  }
0x37a: {  	[tilespmem:$0xAF90] =	vst v0  }
0x37b: {  	[tilespmem:$0xAFA0] =	vst v0  }
.Ltmp47:
0x37c: {  	[tilespmem:$0xAFB0] =	vst v0;
	(pc) =	sbr.rel @!p0 .LBB2_65-.Ltmp47, $4  }
0x37d: {  	[tilespmem:$0xAFC0] =	vst v0  }
0x37e: {  	[tilespmem:$0xAFD0] =	vst v0  }
0x37f: {  	[tilespmem:$0xAFE0] =	vst v0  }
0x380: {  	[tilespmem:$0xAFF0] =	vst v0;
	s5 =	simm.s32 $0xD180  }
0x381: {  	p1 =	seq.s32 s1, $0x1  }
.Ltmp48:
0x382: {  	_ = 	snop;
	(pc) =	sbr.rel @p1 .LBB2_90-.Ltmp48, $2  }
0x383: {  	_ =	sdelay $0x2  }
0x384: {  	v7 =	vld [tilespmem:s5+$0x0];
	s7 =	sadd.s32 $0xFFFFFFFF, s1  }
.LBB2_89:
0x385: {  	p1 =	seq.s32 s7, $0x1;
	_ =	sdelay $0x3  }
0x386: {  	v7 =	vshrl.u32 v7, $0x18;
	_ =	sdelay $0x1  }
.Ltmp49:
0x387: {  	(pc) =	sbr.rel @!p1 .LBB2_89-.Ltmp49, $3  }
0x388: {  	_ =	sdelay $0x1  }
0x389: {  	s5 =	sadd.s32 $0x10, s5;
	[tilespmem:v7+s20+$0x0] =	vst.idx.add.s32.msk $0xffff, v1  }
0x38a: {  	s7 =	sadd.s32 $0xFFFFFFFF, s7;
	v7 =	vld [tilespmem:s5+$0x0]  }
.LBB2_90:
0x38b: {  	_ =	sdelay $0x3  }
0x38c: {  	v7 =	vshrl.u32 v7, $0x18;
	_ =	sdelay $0x4  }
0x38d: {  	[tilespmem:v7+s20+$0x0] =	vst.idx.add.s32.msk $0xffff, v1  }
.LBB2_65:
0x38e: {  	s9 =	simm.s32 $0x0  }
0x38f: {  	v7 =	vld [tilespmem:s9+$0xAF00];
	_ =	sdelay $0x4  }
0x390: {  	(xrf0) =	vadd.scan.msk.s32 $0xffff, v7;
	_ =	sdelay $0x5  }
0x391: {  	v8, _, _ =	vpop (xrf0)  }
0x392: {  	s7 =	simm.s32 $0x0;
	(v2sf) =	vpush v8, $0xF  }
0x393: {  	v7 =	vsub.s32 s7, v7  }
0x394: {  	v7 =	vadd.s32 v8, v7  }
0x395: {  	s5 =	simm.s32 $0x10;
	s8 =	simm.s32 $0x80;
	[tilespmem:s9+$0xAF00] =	vst v7  }
.LBB2_66:
0x396: {  	p1 =	seq.s32 s8, $0x3C0;
	v7 =	vld [tilespmem:s5+$0xAF00];
	_ =	sdelay $0x4  }
0x397: {  	(xrf0) =	vadd.scan.msk.s32 $0xffff, v7;
	_ =	sdelay $0x5  }
.Ltmp50:
0x398: {  	v8, _, _ =	vpop (xrf0);
	s9 =	spop (v2sf);
	(pc) =	sbr.rel @!p1 .LBB2_66-.Ltmp50, $4  }
0x399: {  	(v2sf) =	vpush v8, $0xF;
	s7 =	sadd.s32 s7, s9  }
0x39a: {  	v7 =	vsub.s32 s7, v7  }
0x39b: {  	v7 =	vadd.s32 v8, v7  }
0x39c: {  	[tilespmem:s5+$0xAF00] =	vst v7;
	s5 =	sshra.s32 s8, $0x2;
	s8 =	sadd.s32 $0x40, s8  }
0x39d: {  	v7 =	vld [tilespmem:s5+$0xAF00];
	_ =	sdelay $0x4  }
0x39e: {  	(xrf0) =	vadd.scan.msk.s32 $0xffff, v7;
	_ =	sdelay $0x5  }
0x39f: {  	v8, _, _ =	vpop (xrf0)  }
0x3a0: {  	(v2sf) =	vpush v8, $0xF;
	_ =	sdelay $0xa  }
.Ltmp51:
0x3a1: {  	s8 =	spop (v2sf);
	(pc) =	sbr.rel @!p0 .LBB2_71-.Ltmp51, $4  }
0x3a2: {  	s7 =	sadd.s32 s7, s8  }
0x3a3: {  	v7 =	vsub.s32 s7, v7  }
0x3a4: {  	v7 =	vadd.s32 v8, v7  }
0x3a5: {  	[tilespmem:s5+$0xAF00] =	vst v7;
	s31 =	spop (v2sf)  }
0x3a6: {  	p0 =	sne.s32 s1, $0x1  }
.Ltmp52:
0x3a7: {  	_ = 	snop;
	(pc) =	sbr.rel @!p0 .LBB2_70-.Ltmp52, $4  }
0x3a8: {  	s7 =	simm.s32 $0xD180  }
0x3a9: {  	v7 =	vld [tilespmem:s7+$0x0]  }
0x3aa: {  	s8 =	simm.s32 $0xE200  }
0x3ab: {  	s1 =	sadd.s32 $0xFFFFFFFF, s1;
	v8 =	vld [tilespmem:s8+$0x0]  }
.LBB2_69:
0x3ac: {  	p0 =	sne.s32 s1, $0x1;
	_ =	sdelay $0x1  }
0x3ad: {  	v9 =	vshrl.u32 v7, $0x18  }
0x3ae: {  	(xrf1) =	vunique.msk.u32 $0xffff, v9;
	_ =	sdelay $0x8  }
0x3af: {  	v10 =	vld.idx.msk [tilespmem:v9+s20+$0x0], $0xffff;
	_ =	sdelay $0x4  }
0x3b0: {  	_, v11, vm0 =	vpop (xrf1)  }
0x3b1: {  	v10 =	vadd.s32 v11, v10  }
0x3b2: {  	v10 =	vadd.s32 $0xFFFFFFFF, v10;
	_ =	sdelay $0x4  }
0x3b3: {  	[tilespmem:v10+s23+$0x0] =	vst.idx.msk $0xffff, v7  }
.Ltmp53:
0x3b4: {  	[tilespmem:v10+s24+$0x0] =	vst.idx.msk $0xffff, v8;
	(pc) =	sbr.rel @p0 .LBB2_69-.Ltmp53, $4  }
0x3b5: {  	s7 =	sadd.s32 $0x10, s7;
	[tilespmem:v9+s20+$0x0] =	vst.idx.add.s32.msk vm0, v11  }
0x3b6: {  	s8 =	sadd.s32 $0x10, s8;
	v7 =	vld [tilespmem:s7+$0x0]  }
0x3b7: {  	v8 =	vld [tilespmem:s8+$0x0]  }
0x3b8: {  	s1 =	sadd.s32 $0xFFFFFFFF, s1  }
.LBB2_70:
0x3b9: {  	_ =	sdelay $0x1  }
0x3ba: {  	v9 =	vshrl.u32 v7, $0x18  }
0x3bb: {  	(xrf1) =	vunique.msk.u32 $0xffff, v9;
	_ =	sdelay $0x9  }
0x3bc: {  	v10 =	vld.idx.msk [tilespmem:v9+s20+$0x0], $0xffff;
	_ =	sdelay $0x3  }
0x3bd: {  	_, v11, vm0 =	vpop (xrf1)  }
0x3be: {  	v10 =	vadd.s32 v11, v10  }
0x3bf: {  	v10 =	vadd.s32 $0xFFFFFFFF, v10;
	_ =	sdelay $0x4  }
0x3c0: {  	[tilespmem:v10+s23+$0x0] =	vst.idx.msk $0xffff, v7  }
0x3c1: {  	[tilespmem:v10+s24+$0x0] =	vst.idx.msk $0xffff, v8  }
0x3c2: {  	[tilespmem:v9+s20+$0x0] =	vst.idx.add.s32.msk vm0, v11  }
.LBB2_71:
0x3c3: {  	s1 =	simm.s32 $0x3  }
0x3c4: {  	_ =	swait.ge [sflag:s1], $0x4E20  }
0x3c5: {  	[sflag:s1] =	ssyncset.done $0x0  }
0x3c6: {  	s5 =	simm.s32 $0x40;
	[sflag:s1] =	ssyncadd.s32 $0xFFFFB1E0;
	s1 =	simm.s32 $0x0  }
.LBB2_72:
0x3c7: {  	p0 =	sne.s32 s5, $0x4C0;
	[tilespmem:s1+$0x15780] =	vst v6;
	s7 =	smov.u32 s5;
	s5 =	sadd.s32 $0x40, s5  }
.Ltmp54:
0x3c8: {  	[tilespmem:s1+$0x15600] =	vst v5;
	(pc) =	sbr.rel @p0 .LBB2_72-.Ltmp54, $4  }
0x3c9: {  	[tilespmem:s1+$0x15480] =	vst v5  }
0x3ca: {  	[tilespmem:s1+$0x15180] =	vst v5  }
0x3cb: {  	[tilespmem:s1+$0x15300] =	vst v5  }
0x3cc: {  	s1 =	sshra.s32 s7, $0x2  }
0x3cd: {  	[tilespmem:s1+$0x15780] =	vst v6  }
0x3ce: {  	[tilespmem:s1+$0x15600] =	vst v5  }
0x3cf: {  	[tilespmem:s1+$0x15480] =	vst v5  }
0x3d0: {  	[tilespmem:s1+$0x15180] =	vst v5  }
0x3d1: {  	[tilespmem:s1+$0x15300] =	vst v5;
	s1 =	simm.s32 $0x40;
	s5 =	simm.s32 $0x0  }
.LBB2_74:
0x3d2: {  	p0 =	sne.s32 s1, $0x1280;
	[tilespmem:s5+$0x15900] =	vst v6;
	s5 =	smov.u32 s1;
	s1 =	sadd.s32 $0x40, s1  }
.Ltmp55:
0x3d3: {  	(pc) =	sbr.rel @p0 .LBB2_74-.Ltmp55, $2  }
0x3d4: {  	_ =	sdelay $0x2  }
0x3d5: {  	s5 =	sshra.s32 s5, $0x2  }
0x3d6: {  	[tilespmem:s5+$0x15900] =	vst v6  }
0x3d7: {  	[tilespmem:$0x15E00] =	vst v6  }
0x3d8: {  	[tilespmem:$0x15F80] =	vst v0  }
0x3d9: {  	[tilespmem:$0x15E10] =	vst v6  }
0x3da: {  	[tilespmem:$0x15F90] =	vst v0  }
0x3db: {  	[tilespmem:$0x15E20] =	vst v6  }
0x3dc: {  	[tilespmem:$0x15FA0] =	vst v0  }
0x3dd: {  	[tilespmem:$0x15E30] =	vst v6  }
0x3de: {  	[tilespmem:$0x15FB0] =	vst v0  }
0x3df: {  	[tilespmem:$0x15E40] =	vst v6  }
0x3e0: {  	[tilespmem:$0x15FC0] =	vst v0  }
0x3e1: {  	[tilespmem:$0x15E50] =	vst v6  }
0x3e2: {  	[tilespmem:$0x15FD0] =	vst v0  }
0x3e3: {  	[tilespmem:$0x15E60] =	vst v6  }
0x3e4: {  	[tilespmem:$0x15FE0] =	vst v0  }
0x3e5: {  	[tilespmem:$0x15E70] =	vst v6  }
0x3e6: {  	[tilespmem:$0x15FF0] =	vst v0  }
0x3e7: {  	[tilespmem:$0x15E80] =	vst v6  }
0x3e8: {  	[tilespmem:$0x16000] =	vst v0  }
0x3e9: {  	[tilespmem:$0x15E90] =	vst v6  }
0x3ea: {  	[tilespmem:$0x16010] =	vst v0  }
0x3eb: {  	[tilespmem:$0x15EA0] =	vst v6  }
0x3ec: {  	[tilespmem:$0x16020] =	vst v0  }
0x3ed: {  	[tilespmem:$0x15EB0] =	vst v6  }
0x3ee: {  	[tilespmem:$0x16030] =	vst v0  }
0x3ef: {  	[tilespmem:$0x15EC0] =	vst v6  }
0x3f0: {  	[tilespmem:$0x16040] =	vst v0  }
0x3f1: {  	[tilespmem:$0x15ED0] =	vst v6  }
0x3f2: {  	[tilespmem:$0x16050] =	vst v0  }
0x3f3: {  	[tilespmem:$0x15EE0] =	vst v6  }
0x3f4: {  	[tilespmem:$0x16060] =	vst v0  }
0x3f5: {  	[tilespmem:$0x15EF0] =	vst v6  }
0x3f6: {  	[tilespmem:$0x16070] =	vst v0  }
0x3f7: {  	p0 =	slt.s32 s0, $0x1;
	[tilespmem:$0x15F00] =	vst v6  }
.Ltmp56:
0x3f8: {  	[tilespmem:$0x16080] =	vst v0;
	(pc) =	sbr.rel @!p0 .LBB2_76-.Ltmp56, $4  }
.Ltmp57:
0x3f9: {  	[tilespmem:$0x15F10] =	vst v6;
	(pc) =	sbr.rel @p0 .LBB2_103-.Ltmp57, $4  }
0x3fa: {  	[tilespmem:$0x16090] =	vst v0  }
0x3fb: {  	[tilespmem:$0x15F20] =	vst v6  }
0x3fc: {  	s1 =	simm.s32 $0x0;
	s13 =	simm.s32 $0x0;
	[tilespmem:$0x160A0] =	vst v0  }
0x3fd: {  	_ = 	snop  }
.LBB2_78:
0x3fe: {  	v20 =	vmovc v16;
	v23 =	vmov v15;
	vm1 =	vmmov vm2;
	v22 =	vmov v14  }
.LBB2_101:
0x3ff: {  	v24 =	vmul.f32 @p0 v26, v24;
	v9 =	vmax.f32 v20, v9  }
0x400: {  	v10 =	vmax.f32 v23, v10;
	v11 =	vmin.f32 v25, v11;
	v12 =	vmin.f32 v13, v12  }
0x401: {  	v9 =	vsub.f32 v11, v9;
	v10 =	vsub.f32 v12, v10  }
0x402: {  	v11 =	vsub.f32 @p0 v17, v24  }
0x403: {  	v8 =	vadd.f32 v22, v8;
	v9 =	vmax.f32 v9, $0.0e+00;
	v10 =	vmax.f32 v10, $0.0e+00  }
0x404: {  	(erf) = vrcp.f32 @p1 v19;
	v11 =	vadd.f32 @p0 $9.999999710e-10, v11;
	v9 =	vmul.f32 v10, v9;
	_ =	sdelay $0x1  }
0x405: {  	v10 =	vpsel p0, v11, v18;
	v8 =	vsub.f32 v8, v9  }
0x406: {  	(erf) = vrcp.f32 @p0 v10  }
0x407: {  	v8 =	vadd.f32 $9.999999710e-10, v8;
	_ =	sdelay $0x1  }
0x408: {  	(erf) = vrcp.f32 v8;
	_ =	sdelay $0x1  }
0x409: {  	vm0 =	vgt.f32 @p3 v21, $6.999999880e-01;
	v11 =	vmov @p0 v24;
	v10 =	vmov @p1 v16;
	v8 =	vpop @p2 (erf)  }
0x40a: {  	v11 =	vpsel p0, v11, v15;
	v10 =	vpsel p1, v10, v14;
	v8 =	vmul.f32 @p2 v8, v27;
	v12 =	vpop @p1 (erf)  }
0x40b: {  	vm0 =	vmor @p3 vm1, vm0;
	vm1 =	vmmov vm2;
	v10 =	vmul.f32 @p1 v12, v10  }
0x40c: {  	vm1 =	vmmov @p3 vm0;
	v8 =	vpsel p2, v8, v0  }
0x40d: {  	vm0 =	vgt.f32 @p2 v8, $6.999999880e-01;
	v8 =	vpsel p0, v11, v0;
	v11 =	vpop @p0 (erf);
	v10 =	vpsel p1, v10, v0  }
0x40e: {  	vm0 =	vmor @p2 vm1, vm0;
	vm1 =	vmmov vm2;
	v8 =	vmul.f32 @p0 v11, v8  }
0x40f: {  	vm1 =	vmmov @p2 vm0;
	vm0 =	vgt.f32 @p1 v10, $6.999999880e-01  }
0x410: {  	vm0 =	vmor @p1 vm1, vm0;
	v8 =	vpsel p0, v8, v0;
	vm1 =	vmmov vm2;
	v63 =	vpop (erf)  }
0x411: {  	vm1 =	vmmov @p1 vm0;
	vm0 =	vgt.f32 @p0 v8, $6.999999880e-01;
	v8 =	vmul.f32 v63, v9  }
0x412: {  	vm0 =	vmor @p0 vm1, vm0;
	vm1 =	vmmov vm2  }
0x413: {  	vm1 =	vmmov @p0 vm0;
	vm0 =	vgt.f32 v8, $6.999999880e-01  }
0x414: {  	vm0 =	vmor vm1, vm0  }
.LBB2_102:
0x415: {  	v8 =	vmpcnt.ones.xlane vm0;
	_ =	sdelay $0x1  }
0x416: {  	(v2sf) =	vpush v8, $0x0;
	_ =	sdelay $0xe  }
0x417: {  	s5 =	spop (v2sf)  }
0x418: {  	p0 =	sne.s32 s5, $0x0  }
0x419: {  	v8 =	vmov @!p0 s1  }
0x41a: {  	v9 =	vmov @!p0 s8;
	v10 =	vmov @!p0 s11;
	v11 =	vmov @!p0 s9  }
0x41b: {  	v12 =	vmov @!p0 s7;
	s7 =	sshll.u32 @!p0 s1, $0x2;
	v14 =	vmov @!p0 s30;
	v9 =	vadd.f32 @!p0 $0.0e+00, v9  }
0x41c: {  	v10 =	vadd.f32 @!p0 $0.0e+00, v10;
	v11 =	vadd.f32 @!p0 $0.0e+00, v11;
	v13 =	vmov @!p0 s7  }
0x41d: {  	v12 =	vadd.f32 @!p0 $0.0e+00, v12;
	s8 =	sor.u32 @!p0 $0x1, s7;
	v13 =	vbroadcast @!p0 v13, $0x0;
	v9 =	vbroadcast @!p0 v9, $0x0  }
0x41e: {  	s9 =	simm.s32 @!p0 $0x15180;
	s7 =	sor.u32 @!p0 $0x2, s7;
	v15 =	vmov @!p0 s8;
	v10 =	vbroadcast @!p0 v10, $0x0;
	v11 =	vbroadcast @!p0 v11, $0x0  }
0x41f: {  	p1 =	seq.s32 s5, $0x0;
	s5 =	simm.s32 $0x1;
	s8 =	simm.s32 @!p0 $0x15300;
	[tilespmem:v8+s9+$0x0] =	vst.idx.msk @!p0 $0x1, v9;
	v9 =	vadd.f32 @!p0 $0.0e+00, v14;
	v14 =	vbroadcast @!p0 v15, $0x0;
	v15 =	vmov @!p0 s7  }
0x420: {  	s13 =	sadd.s32 $0x1, s13;
	v7 =	vadd.f32 @!p0 $0.0e+00, v7;
	s5 =	simm.s32 @!p1 $0x0;
	s7 =	simm.s32 @!p0 $0x15480;
	[tilespmem:v8+s8+$0x0] =	vst.idx.msk @!p0 $0x1, v10;
	v10 =	vbroadcast @!p0 v12, $0x0;
	v12 =	vbroadcast @!p0 v15, $0x0  }
0x421: {  	p1 =	sge.s32 s13, s0;
	s8 =	sshllo.u32 @!p0 s1, $0x2;
	[tilespmem:v8+s7+$0x0] =	vst.idx.msk @!p0 $0x1, v11;
	s7 =	simm.s32 @!p0 $0x15600;
	v9 =	vbroadcast @!p0 v9, $0x0  }
0x422: {  	s9 =	sxor.u32 $0xFFFFFFFF, s29;
	s1 =	sadd.s32 s5, s1;
	v11 =	vmov @!p0 s8;
	[tilespmem:v8+s7+$0x0] =	vst.idx.msk @!p0 $0x1, v10;
	s7 =	simm.s32 @!p0 $0x15780;
	v10 =	vbroadcast @!p0 v7, $0x0  }
0x423: {  	v15 =	vmov @!p0 s9;
	p2 =	slt.u32 @!p1 s1, $0x12C;
	[tilespmem:v8+s7+$0x0] =	vst.idx.msk @!p0 $0x1, v9;
	s7 =	simm.s32 @!p0 $0x15900;
	v9 =	vbroadcast @!p0 v7, $0x1  }
0x424: {  	p1 =	por p1, !p2;
	[tilespmem:v13+s7+$0x0] =	vst.idx.msk @!p0 $0x1, v10;
	v10 =	vbroadcast @!p0 v7, $0x2;
	v13 =	vadd.f32 @!p0 $0.0e+00, v15  }
.Ltmp58:
0x425: {  	v7 =	vbroadcast @!p0 v7, $0x3;
	[tilespmem:v14+s7+$0x0] =	vst.idx.msk @!p0 $0x1, v9;
	(pc) =	sbr.rel @p1 .LBB2_103-.Ltmp58, $4  }
0x426: {  	[tilespmem:v12+s7+$0x0] =	vst.idx.msk @!p0 $0x1, v10;
	v9 =	vbroadcast @!p0 v13, $0x0  }
0x427: {  	s5 =	simm.s32 @!p0 $0x15E00;
	[tilespmem:v11+s7+$0x0] =	vst.idx.msk @!p0 $0x1, v7  }
0x428: {  	v7 =	vmov @!p0 s26;
	[tilespmem:v8+s5+$0x0] =	vst.idx.msk @!p0 $0x1, v9;
	s5 =	simm.s32 @!p0 $0x15F80  }
0x429: {  	[tilespmem:v8+s5+$0x0] =	vst.idx.msk @!p0 $0x1, v7  }
.LBB2_76:
0x42a: {  	v7 =	vld [tilespmem:s13+$0xB080]  }
0x42b: {  	v8 =	vld [tilespmem:s13+$0xC100];
	_ =	sdelay $0x3  }
0x42c: {  	(v2sf) =	vpush v7, $0x0  }
0x42d: {  	(v2sf) =	vpush v8, $0x0;
	_ =	sdelay $0xd  }
0x42e: {  	s29 =	spop (v2sf)  }
0x42f: {  	s5 =	spop (v2sf)  }
0x430: {  	s7 =	sshrl.u32 s5, $0x4  }
0x431: {  	s7 =	smul.u32 $0xCCCD, s7;
	_ =	sdelay $0x1  }
0x432: {  	s8 =	sshrl.u32 s7, $0x10  }
0x433: {  	s8 =	sand.u32 $0xFFFC, s8  }
0x434: {  	v7 =	vld [tilespmem:s8+$0x10300];
	_ =	sdelay $0x4  }
0x435: {  	(v2sf) =	vpush v7, $0x0  }
0x436: {  	(v2sf) =	vpush v7, $0x1  }
0x437: {  	(v2sf) =	vpush v7, $0x2  }
0x438: {  	(v2sf) =	vpush v7, $0x3;
	_ =	sdelay $0x4  }
0x439: {  	s7 =	sshrl.u32 s7, $0x12  }
0x43a: {  	s7 =	smul.u32 $0xFFFFFFB0, s7;
	_ =	sdelay $0x1  }
0x43b: {  	s26 =	sadd.s32 s5, s7  }
0x43c: {  	s5 =	scvt.s32.f32 s26;
	_ =	sdelay $0x1  }
0x43d: {  	s5 =	smul.f32 $1.000000000e+04, s5  }
0x43e: {  	s12 =	spop (v2sf)  }
0x43f: {  	s9 =	spop (v2sf);
	s8 =	sadd.f32 s5, s12  }
0x440: {  	s25 =	spop (v2sf);
	s11 =	sadd.f32 s5, s9  }
0x441: {  	s31 =	sadd.s32 $0xF, s1;
	s10 =	spop (v2sf);
	s9 =	sadd.f32 s5, s25  }
0x442: {  	s7 =	sadd.f32 s5, s10;
	s5 =	sshrl.u32 s31, $0x4  }
0x443: {  	p0 =	seq.s32 s5, $0x0  }
.Ltmp59:
0x444: {  	_ = 	snop;
	(pc) =	sbr.rel @p0 .LBB2_102-.Ltmp59, $3  }
0x445: {  	s28 =	ssub.f32 s9, s8  }
0x446: {  	s12 =	ssub.f32 s7, s11;
	_ =	sdelay $0x1  }
0x447: {  	vm0 =	vmmov vm2;
	s30 =	smul.f32 s12, s28  }
0x448: {  	s10 =	simm.s32 $0x15180  }
0x449: {  	s12 =	simm.s32 $0x15300;
	v16 =	vld [tilespmem:s10+$0x0]  }
0x44a: {  	s28 =	simm.s32 $0x15480;
	v15 =	vld [tilespmem:s12+$0x0]  }
0x44b: {  	s25 =	simm.s32 $0x15780;
	p4 =	sne.s32 s5, $0x1;
	v25 =	vld [tilespmem:s28+$0x0]  }
.Ltmp60:
0x44c: {  	s31 =	simm.s32 $0x15600;
	v14 =	vld [tilespmem:s25+$0x0];
	(pc) =	sbr.rel @!p4 .LBB2_78-.Ltmp60, $3  }
0x44d: {  	v13 =	vld [tilespmem:s31+$0x0];
	_ =	sdelay $0x1  }
0x44e: {  	v9 =	vmov s8;
	v10 =	vmov s11;
	s5 =	sadd.s32 $0xFFFFFFFF, s5;
	p0 =	por $0x0, $0x0;
	p1 =	por $0x0, $0x0  }
0x44f: {  	v11 =	vmov s9;
	v12 =	vmov s7;
	p2 =	por $0x0, $0x0;
	p3 =	por $0x0, $0x0;
	s10 =	simm.s32 $0x15190;
	v8 =	vmov s30  }
0x450: {  	v20 =	vld [tilespmem:s10+$0x0];
	s12 =	simm.s32 $0x15310  }
0x451: {  	s25 =	simm.s32 $0x15490;
	p4 =	sne.s32 s5, $0x1;
	v23 =	vld [tilespmem:s12+$0x0]  }
.Ltmp61:
0x452: {  	v15 =	vmax.f32 v15, v10;
	v17 =	vmin.f32 v25, v11;
	s28 =	simm.s32 $0x15610;
	v13 =	vmin.f32 v13, v12;
	v25 =	vld [tilespmem:s25+$0x0];
	(pc) =	sbr.rel @!p4 .LBB2_92-.Ltmp61, $4  }
0x453: {  	v16 =	vmax.f32 v16, v9;
	v15 =	vsub.f32 v13, v15;
	v13 =	vld [tilespmem:s28+$0x0]  }
0x454: {  	v16 =	vsub.f32 v17, v16  }
0x455: {  	s31 =	simm.s32 $0x15790  }
0x456: {  	s5 =	sadd.s32 $0xFFFFFFFF, s5;
	s10 =	simm.s32 $0x151A0;
	p0 =	por $0x1, $0x1;
	v22 =	vld [tilespmem:s31+$0x0];
	v17 =	vadd.f32 v14, v8;
	v24 =	vmax.f32 v16, $0.0e+00;
	v26 =	vmax.f32 v15, $0.0e+00  }
0x457: {  	s12 =	simm.s32 $0x15320  }
0x458: {  	v14 =	vmul.f32 v26, v24;
	v16 =	vmax.f32 v23, v10;
	s25 =	simm.s32 $0x154A0;
	p4 =	sne.s32 s5, $0x1;
	v23 =	vld [tilespmem:s12+$0x0]  }
.Ltmp62:
0x459: {  	v15 =	vmax.f32 v20, v9;
	v19 =	vmin.f32 v25, v11;
	s28 =	simm.s32 $0x15620;
	v13 =	vmin.f32 v13, v12;
	v25 =	vld [tilespmem:s25+$0x0];
	(pc) =	sbr.rel @!p4 .LBB2_94-.Ltmp62, $4  }
0x45a: {  	v15 =	vsub.f32 v19, v15;
	v16 =	vsub.f32 v13, v16;
	v13 =	vld [tilespmem:s28+$0x0]  }
0x45b: {  	v17 =	vsub.f32 v17, v14  }
0x45c: {  	v18 =	vld [tilespmem:s10+$0x0];
	s31 =	simm.s32 $0x157A0;
	v24 =	vmax.f32 v15, $0.0e+00  }
0x45d: {  	s5 =	sadd.s32 $0xFFFFFFFF, s5;
	s10 =	simm.s32 $0x151B0;
	p1 =	por $0x1, $0x1;
	v28 =	vld [tilespmem:s31+$0x0];
	v19 =	vadd.f32 $9.999999710e-10, v17;
	v26 =	vmax.f32 v16, $0.0e+00;
	v17 =	vadd.f32 v22, v8  }
0x45e: {  	_ = 	snop  }
0x45f: {  	v15 =	vmul.f32 v26, v24;
	v20 =	vld [tilespmem:s10+$0x0];
	s25 =	simm.s32 $0x154B0  }
0x460: {  	s12 =	simm.s32 $0x15330;
	v21 =	vmin.f32 v25, v11;
	p4 =	sne.s32 s5, $0x1;
	v13 =	vmin.f32 v13, v12;
	v25 =	vld [tilespmem:s25+$0x0]  }
.Ltmp63:
0x461: {  	s28 =	simm.s32 $0x15630;
	v17 =	vsub.f32 v17, v15;
	v16 =	vmax.f32 v18, v9;
	v18 =	vmax.f32 v23, v10;
	v23 =	vld [tilespmem:s12+$0x0];
	(pc) =	sbr.rel @!p4 .LBB2_96-.Ltmp63, $3  }
0x462: {  	v16 =	vsub.f32 v21, v16;
	v21 =	vsub.f32 v13, v18;
	v13 =	vld [tilespmem:s28+$0x0];
	_ =	sdelay $0x1  }
0x463: {  	s31 =	simm.s32 $0x157B0;
	(erf) = vrcp.f32 v19;
	v18 =	vadd.f32 $9.999999710e-10, v17  }
0x464: {  	s5 =	sadd.s32 $0xFFFFFFFF, s5;
	s10 =	simm.s32 $0x151C0;
	p2 =	por $0x1, $0x1;
	v22 =	vld [tilespmem:s31+$0x0];
	v17 =	vadd.f32 v28, v8;
	v24 =	vmax.f32 v16, $0.0e+00;
	v26 =	vmax.f32 v21, $0.0e+00  }
0x465: {  	_ =	sdelay $0x3  }
0x466: {  	v21 =	vmin.f32 v25, v11;
	_ =	sdelay $0x1  }
0x467: {  	v16 =	vmul.f32 v26, v24;
	v29 =	vld [tilespmem:s10+$0x0];
	s12 =	simm.s32 $0x15340;
	v19 =	vmax.f32 v20, v9  }
0x468: {  	v20 =	vmax.f32 v23, v10;
	s25 =	simm.s32 $0x154C0;
	p4 =	sne.s32 s5, $0x1;
	v23 =	vld [tilespmem:s12+$0x0];
	v24 =	vsub.f32 v21, v19;
	v21 =	vpop (erf);
	(erf) = vrcp.f32 v18  }
.Ltmp64:
0x469: {  	s10 =	simm.s32 $0x15640;
	v13 =	vmin.f32 v13, v12;
	v25 =	vld [tilespmem:s25+$0x0];
	(pc) =	sbr.rel @!p4 .LBB2_98-.Ltmp64, $3  }
0x46a: {  	v17 =	vsub.f32 v17, v16;
	v20 =	vsub.f32 v13, v20;
	v13 =	vld [tilespmem:s10+$0x0];
	_ =	sdelay $0x1  }
0x46b: {  	s28 =	simm.s32 $0x157C0;
	vm1 =	vmmov vm2;
	v19 =	vadd.f32 $9.999999710e-10, v17;
	v21 =	vmul.f32 v21, v14  }
0x46c: {  	s31 =	sadd.s32 $0xFFFFFFFF, s5;
	s5 =	simm.s32 $0x151D0;
	p3 =	por $0x1, $0x1;
	v27 =	vmovc v15;
	v28 =	vld [tilespmem:s28+$0x0];
	v24 =	vmax.f32 v24, $0.0e+00;
	v26 =	vmax.f32 v20, $0.0e+00;
	v17 =	vadd.f32 v22, v8  }
.LBB2_99:
0x46d: {  	v20 =	vld [tilespmem:s5+$0x0];
	s12 =	sadd.s32 $0x10, s12;
	v22 =	vmul.f32 v26, v24;
	(erf) = vrcp.f32 v19;
	vm0 =	vgt.f32 v21, $6.999999880e-01;
	p4 =	sne.s32 s31, $0x1  }
.Ltmp65:
0x46e: {  	v19 =	vmax.f32 v29, v9;
	v29 =	vmax.f32 v23, v10;
	s25 =	sadd.s32 $0x10, s25;
	v23 =	vld [tilespmem:s12+$0x0];
	vm1 =	vmor vm1, vm0;
	(pc) =	sbr.rel @p4 .LBB2_99-.Ltmp65, $4  }
0x46f: {  	s10 =	sadd.s32 $0x10, s10;
	v24 =	vmin.f32 v25, v11;
	v25 =	vld [tilespmem:s25+$0x0];
	v26 =	vmin.f32 v13, v12;
	v17 =	vsub.f32 v17, v22  }
0x470: {  	s31 =	sadd.s32 $0xFFFFFFFF, s31;
	v24 =	vsub.f32 v24, v19;
	v13 =	vld [tilespmem:s10+$0x0];
	v26 =	vsub.f32 v26, v29;
	v21 =	vpop (erf)  }
0x471: {  	s28 =	sadd.s32 $0x10, s28;
	v19 =	vadd.f32 $9.999999710e-10, v17;
	v21 =	vmul.f32 v21, v27;
	v27 =	vmovc v16;
	v16 =	vmov v22  }
0x472: {  	s5 =	sadd.s32 $0x10, s5;
	v24 =	vmax.f32 v24, $0.0e+00;
	v17 =	vadd.f32 v28, v8;
	v26 =	vmax.f32 v26, $0.0e+00;
	v28 =	vld [tilespmem:s28+$0x0];
	v29 =	vmovc v20  }
.Ltmp66:
0x473: {  	_ = 	snop;
	(pc) =	sbr.rel .LBB2_101-.Ltmp66, $2  }
0x474: {  	_ =	sdelay $0x2  }
0x475: {  	v20 =	vmov v29;
	v22 =	vmov v28  }
.LBB2_92:
.Ltmp67:
0x476: {  	(pc) =	sbr.rel .LBB2_101-.Ltmp67, $2  }
0x477: {  	_ =	sdelay $0x2  }
0x478: {  	vm1 =	vmmov vm2  }
.LBB2_94:
.Ltmp68:
0x479: {  	_ = 	snop;
	(pc) =	sbr.rel .LBB2_101-.Ltmp68, $2  }
0x47a: {  	_ =	sdelay $0x2  }
0x47b: {  	v16 =	vmovc v14;
	vm1 =	vmmov vm2;
	v20 =	vmov v18;
	v22 =	vmov v28  }
.LBB2_96:
.Ltmp69:
0x47c: {  	(pc) =	sbr.rel .LBB2_101-.Ltmp69, $2  }
0x47d: {  	_ =	sdelay $0x2  }
0x47e: {  	v19 =	vmovc v18;
	vm1 =	vmmov vm2;
	v27 =	vmov v14;
	v16 =	vmov v15  }
.LBB2_98:
.Ltmp70:
0x47f: {  	_ = 	snop;
	(pc) =	sbr.rel .LBB2_101-.Ltmp70, $2  }
0x480: {  	_ =	sdelay $0x2  }
0x481: {  	v20 =	vmovc v29;
	vm1 =	vmmov vm2;
	v27 =	vmov v15;
	v22 =	vmov v28  }
.LBB2_35:
.Ltmp71:
0x482: {  	(pc) =	sbr.rel .LBB2_39-.Ltmp71, $2  }
0x483: {  	_ =	sdelay $0x2  }
0x484: {  	s13 =	simm.s32 $0x0;
	s25 =	simm.s32 $0x0  }
.LBB2_37:
.Ltmp72:
0x485: {  	(pc) =	sbr.rel .LBB2_39-.Ltmp72, $2  }
0x486: {  	_ =	sdelay $0x2  }
0x487: {  	s13 =	simm.s32 $0x0;
	s25 =	simm.s32 $0x0  }
.LBB2_104:
0x488: {  	_ =	sfence.sel $0x180000  }
0x489: {  	[bflag:$0x0] =	sbarrier.arrive $0xFFFF  }
0x48a: {  	_ =	strace $0x90000047  }
0x48b: {  	s0 =	stileid.u32;
	[bflag:$0x2] =	sbarrier.arrive $0xFFFF  }
0x48c: {  	p0 =	sne.s32 s0, $0x0;
	s0 =	rddreg [dreg:$0x3]  }
0x48d: {  	s0 =	sadd.s32 @!p0 $0x100000, s0  }
0x48e: {  	[sflag:s0] =	ssyncadd.tile.s32 @!p0 $0x1;
	_ =	shalt  }
.Lfunc_end2:
_tile_overlayer_lowered:
.L_overlay_start_2:
0x48f: {  	(tag) =	ssettag $0x2  }
0x490: {  	s0 =	rddreg [dreg:$0x0];
	s2 =	stileid.u32  }
0x491: {  	s1 =	rddreg [dreg:$0x1];
	p0 =	sne.s32 s2, $0x0  }
0x492: {  	s3 =	rddreg [dreg:$0x2];
	[bflag:$0x3] =	sbarrier.arrive $0xFFFF;
	s2 =	simm.s32 @!p0 $0x1C04  }
0x493: {  	[timem:s3], [sflag:s2] =	dma.local @!p0 [hbm:s0], s1  }
0x494: {  	s0 =	simm.s32 @!p0 $0x4  }
0x495: {  	_ =	swait.ge @!p0 [sflag:s0], s1  }
0x496: {  	s1 =	ssub.s32 @!p0 $0x0, s1;
	[sflag:s0] =	ssyncset.done @!p0 $0x0  }
0x497: {  	[sflag:s0] =	ssyncadd.s32 @!p0 s1  }
0x498: {  	[bflag:$0x3] =	sbarrier.arrive $0xFFFF  }
0x499: {  	_ =	shalt  }

</sc_bundles>
